<compile_context>
chip_gen: v7x
topology: tpu7x:2x2x1
jax: 0.10.2.dev20260603
libtpu: 0.0.44.dev20260713+nightly
codegen_flags: <defaults>
</compile_context>

<pallas_src>
import functools

import jax
import jax.numpy as jnp
from jax import lax
from jax.experimental import pallas as pl
from jax.experimental.pallas import tpu as pltpu
from jax.experimental.pallas import tpu_sc as plsc

_B = 4096
_N_EMB = 26
_N_DENSE = 13
_VOCAB = 100000
_EMB_DIM = 32
_OUT_DIM = 128
_EMB_COLS = _N_EMB * _EMB_DIM

_NC, _NS = 2, 16
_NW = _NC * _NS
_BPW = _B // _NW
_PH = 13

_sc_mesh = plsc.VectorSubcoreMesh(core_axis_name="c", subcore_axis_name="s")


@functools.partial(
    pl.kernel,
    out_type=jax.ShapeDtypeStruct((_B, _EMB_COLS), jnp.float32),
    mesh=_sc_mesh,
    scratch_types=[
        pltpu.VMEM((_N_EMB, _BPW), jnp.int32),
        pltpu.VMEM((_N_EMB, _BPW, _EMB_DIM), jnp.float32),
        pltpu.SemaphoreType.DMA,
        pltpu.SemaphoreType.DMA,
    ],
    compiler_params=pltpu.CompilerParams(needs_layout_passes=False,
                                         use_tc_tiling_on_sc=False),
)
def _sc_gather(idx_hbm, tab_hbm, out_hbm, idx_v, rows_v, sem, wsem):
    wid = lax.axis_index("s") * _NC + lax.axis_index("c")
    pltpu.sync_copy(idx_hbm.at[wid], idx_v)
    for phase in range(_N_EMB // _PH):
        copies = []
        for j in range(_PH):
            i = phase * _PH + j
            copies.append(pltpu.async_copy(
                tab_hbm.at[i].at[idx_v.at[i]], rows_v.at[i], sem))
        for cp in copies:
            cp.wait()
    row0 = wid * _BPW
    writes = []
    for i in range(_N_EMB):
        writes.append(pltpu.async_copy(
            rows_v.at[i],
            out_hbm.at[pl.ds(row0, _BPW), pl.ds(i * _EMB_DIM, _EMB_DIM)],
            wsem))
    for wr in writes:
        wr.wait()


def _mm_body(emb_ref, dense_ref, w1_ref, w2_ref, b_ref, o_ref):
    acc = jnp.dot(
        emb_ref[...], w1_ref[...],
        preferred_element_type=jnp.float32,
        precision=lax.Precision.HIGHEST,
    )
    acc = acc + jnp.dot(
        dense_ref[...], w2_ref[...],
        preferred_element_type=jnp.float32,
        precision=lax.Precision.HIGHEST,
    )
    o_ref[...] = acc + b_ref[...]


_BM = 512


def _tc_project(emb, dense, w1, w2, b2):
    grid = (_B // _BM,)
    return pl.pallas_call(
        _mm_body,
        grid=grid,
        in_specs=[
            pl.BlockSpec((_BM, _EMB_COLS), lambda i: (i, 0)),
            pl.BlockSpec((_BM, _N_DENSE), lambda i: (i, 0)),
            pl.BlockSpec((_EMB_COLS, _OUT_DIM), lambda i: (0, 0)),
            pl.BlockSpec((_N_DENSE, _OUT_DIM), lambda i: (0, 0)),
            pl.BlockSpec((1, _OUT_DIM), lambda i: (0, 0)),
        ],
        out_specs=pl.BlockSpec((_BM, _OUT_DIM), lambda i: (i, 0)),
        out_shape=jax.ShapeDtypeStruct((_B, _OUT_DIM), jnp.float32),
    )(emb, dense, w1, w2, b2)


def kernel(x, tables, W, b):
    idx = x[:, :_N_EMB].astype(jnp.int32)
    idx_r = idx.reshape(_NW, _BPW, _N_EMB).transpose(0, 2, 1)
    emb = _sc_gather(idx_r, tables)
    dense = x[:, _N_EMB:]
    return _tc_project(emb, dense, W[:_EMB_COLS], W[_EMB_COLS:],
                       b.reshape(1, _OUT_DIM))

# --- scband reference (transcript-rebuilt; emitter-appended) ---
"""Pipeline reference for scband-encoder-893353198459 (READ-ONLY COPY).

The authoritative reference and input builder live on the scoring server;
editing this copy changes nothing except your own understanding.
"""

import jax, jax.numpy as jnp
import numpy as np

B = 4096
N_EMB = 26
N_DENSE = 13
VOCAB = 100000
EMB_DIM = 32
OUT_DIM = 128
INTER_DIM = N_EMB * EMB_DIM + N_DENSE  # 845


def setup_inputs(seed: int = 0) -> dict:
    key = jax.random.key(seed)
    k_x, k_t, k_w, k_b = jax.random.split(key, 4)
    # first 26 columns are categorical ids, last 13 are dense features;
    # a single randint fill keeps all ids in-range (dense cols are just numbers)
    x = jax.random.randint(k_x, (B, N_EMB + N_DENSE), 0, VOCAB).astype(jnp.float32)
    # 26 embedding tables, all [VOCAB, EMB_DIM]; stacked for convenience
    tables = jax.random.normal(k_t, (N_EMB, VOCAB, EMB_DIM), dtype=jnp.float32) * 0.05
    W = jax.random.normal(k_w, (INTER_DIM, OUT_DIM), dtype=jnp.float32) * (1.0 / np.sqrt(INTER_DIM))
    b = jnp.zeros((OUT_DIM,), dtype=jnp.float32)
    return {"x": x, "tables": tables, "W": W, "b": b}


def reference(x, tables, W, b):
    # split categorical ids and dense tail, mirroring the Lambda slices
    idx = x[:, :N_EMB].astype(jnp.int32)            # [B, 26]
    dense = x[:, N_EMB:]                            # [B, 13]
    embs = [jnp.take(tables[i], idx[:, i], axis=0) for i in range(N_EMB)]  # 26 x [B, 32]
    inter = jnp.concatenate(embs + [dense], axis=1)  # [B, 845]
    out = inter @ W + b                              # [B, 128]
    return out

if __name__ == "__main__":
    import jax
    _d = setup_inputs()
    print(jax.jit(kernel)(*tuple(_d.values())))

</pallas_src>

<mosaic_0001>
#map = affine_map<(d0, d1) -> (0, 0, 0)>
#map1 = affine_map<(d0, d1) -> (0, 0)>
module attributes {stable_mosaic.version = 14 : i64} {
  func.func @_sc_gather(%arg0: i32, %arg1: i32, %arg2: memref<32x26x128xi32, #tpu.memory_space<hbm>>, %arg3: memref<26x100000x32xf32, #tpu.memory_space<hbm>>, %arg4: memref<4096x832xf32, #tpu.memory_space<hbm>>, %arg5: memref<26x128xi32, #tpu.memory_space<vmem>>, %arg6: memref<26x128x32xf32, #tpu.memory_space<vmem>>, %arg7: memref<!tpu.dma_semaphore, #tpu.memory_space<semaphore_mem>>, %arg8: memref<!tpu.dma_semaphore, #tpu.memory_space<semaphore_mem>>) attributes {dimension_semantics = [#tpu.dimension_semantics<core_parallel>, #tpu.dimension_semantics<subcore_parallel>], iteration_bounds = array<i64: 2, 16>, scalar_prefetch = 0 : i64, scratch_operands = 4 : i64, tpu.core_type = #tpu.core_type<sc_vector_subcore>, window_params = [{transform_indices = #map}, {transform_indices = #map}, {transform_indices = #map1}]} {
    %mul3A = arith.constant 2 : i32
    %mul3A_0 = arith.muli %arg1, %mul3A : i32
    %add3A = arith.addi %mul3A_0, %arg0 : i32
    "tpu.region"() ({
      %run_scoped3A = tpu.sem_alloc : memref<!tpu.dma_semaphore, #tpu.memory_space<semaphore_mem>>
      %dma_start3A_1561 = arith.constant 0 : i32
      %dma_start3A_1562 = arith.constant 0 : i32
      %dma_start3A_1563 = tpu.memref_slice %arg2[%add3A, %dma_start3A_1561, %dma_start3A_1562] : memref<32x26x128xi32, #tpu.memory_space<hbm>> -> memref<1x26x128xi32, #tpu.memory_space<hbm>>
      %dma_start3A_1564 = tpu.memref_squeeze %dma_start3A_1563 : memref<1x26x128xi32, #tpu.memory_space<hbm>> -> memref<26x128xi32, #tpu.memory_space<hbm>>
      %dma_start3A_1565 = arith.constant 0 : i32
      %dma_start3A_1566 = arith.constant 0 : i32
      %dma_start3A_1567 = tpu.memref_slice %arg2[%add3A, %dma_start3A_1565, %dma_start3A_1566] : memref<32x26x128xi32, #tpu.memory_space<hbm>> -> memref<1x26x128xi32, #tpu.memory_space<hbm>>
      %dma_start3A_1568 = tpu.memref_squeeze %dma_start3A_1567 : memref<1x26x128xi32, #tpu.memory_space<hbm>> -> memref<26x128xi32, #tpu.memory_space<hbm>>
      tpu.enqueue_dma source(%dma_start3A_1568 : memref<26x128xi32, #tpu.memory_space<hbm>>) target(%arg5 : memref<26x128xi32, #tpu.memory_space<vmem>>) target_semaphore(%run_scoped3A : memref<!tpu.dma_semaphore, #tpu.memory_space<semaphore_mem>>)
      %dma_wait3A_1569 = arith.constant 0 : i32
      %dma_wait3A_1570 = arith.constant 0 : i32
      %dma_wait3A_1571 = tpu.memref_slice %arg2[%add3A, %dma_wait3A_1569, %dma_wait3A_1570] : memref<32x26x128xi32, #tpu.memory_space<hbm>> -> memref<1x26x128xi32, #tpu.memory_space<hbm>>
      %dma_wait3A_1572 = tpu.memref_squeeze %dma_wait3A_1571 : memref<1x26x128xi32, #tpu.memory_space<hbm>> -> memref<26x128xi32, #tpu.memory_space<hbm>>
      %dma_wait3A_1573 = arith.constant 0 : i32
      %dma_wait3A_1574 = arith.constant 0 : i32
      %dma_wait3A_1575 = tpu.memref_slice %arg2[%add3A, %dma_wait3A_1573, %dma_wait3A_1574] : memref<32x26x128xi32, #tpu.memory_space<hbm>> -> memref<1x26x128xi32, #tpu.memory_space<hbm>>
      %dma_wait3A_1576 = tpu.memref_squeeze %dma_wait3A_1575 : memref<1x26x128xi32, #tpu.memory_space<hbm>> -> memref<26x128xi32, #tpu.memory_space<hbm>>
      tpu.wait_dma2 semaphore(%run_scoped3A : memref<!tpu.dma_semaphore, #tpu.memory_space<semaphore_mem>>) src(%dma_wait3A_1576 : memref<26x128xi32, #tpu.memory_space<hbm>>) dst(%arg5 : memref<26x128xi32, #tpu.memory_space<vmem>>)
      tpu.yield
    }) : () -> ()
    %dma_start3A = arith.constant 0 : i32
    %dma_start3A_1 = arith.constant 0 : i32
    %dma_start3A_2 = arith.constant 0 : i32
    %dma_start3A_3 = arith.constant 0 : i32
    %dma_start3A_4 = arith.constant 0 : i32
    %dma_start3A_5 = tpu.memref_slice %arg6[%dma_start3A_2, %dma_start3A_3, %dma_start3A_4] : memref<26x128x32xf32, #tpu.memory_space<vmem>> -> memref<1x128x32xf32, #tpu.memory_space<vmem>>
    %dma_start3A_6 = tpu.memref_squeeze %dma_start3A_5 : memref<1x128x32xf32, #tpu.memory_space<vmem>> -> memref<128x32xf32, #tpu.memory_space<vmem>>
    %dma_start3A_7 = arith.constant 0 : i32
    %dma_start3A_8 = tpu.memref_slice %arg5[%dma_start3A_1, %dma_start3A_7] : memref<26x128xi32, #tpu.memory_space<vmem>> -> memref<1x128xi32, #tpu.memory_space<vmem>>
    %dma_start3A_9 = tpu.memref_squeeze %dma_start3A_8 : memref<1x128xi32, #tpu.memory_space<vmem>> -> memref<128xi32, #tpu.memory_space<vmem>>
    %dma_start3A_10 = arith.constant 0 : i32
    %dma_start3A_11 = arith.constant 0 : i32
    %dma_start3A_12 = tpu.memref_slice %arg3[%dma_start3A, %dma_start3A_10, %dma_start3A_11] : memref<26x100000x32xf32, #tpu.memory_space<hbm>> -> memref<1x100000x32xf32, #tpu.memory_space<hbm>>
    %dma_start3A_13 = tpu.memref_squeeze %dma_start3A_12 : memref<1x100000x32xf32, #tpu.memory_space<hbm>> -> memref<100000x32xf32, #tpu.memory_space<hbm>>
    %dma_start3A_14 = arith.constant 0 : i32
    %dma_start3A_15 = arith.constant 0 : i32
    %dma_start3A_16 = tpu.memref_slice %dma_start3A_13[%dma_start3A_14, %dma_start3A_15] : memref<100000x32xf32, #tpu.memory_space<hbm>> -> memref<100000x32xf32, #tpu.memory_space<hbm>>
    tpu.enqueue_indirect_dma source(%dma_start3A_16 : memref<100000x32xf32, #tpu.memory_space<hbm>>) target(%dma_start3A_6 : memref<128x32xf32, #tpu.memory_space<vmem>>) offsets(%dma_start3A_9 : memref<128xi32, #tpu.memory_space<vmem>>) semaphore(%arg7 : memref<!tpu.dma_semaphore, #tpu.memory_space<semaphore_mem>>)
    %dma_start3A_17 = arith.constant 1 : i32
    %dma_start3A_18 = arith.constant 1 : i32
    %dma_start3A_19 = arith.constant 1 : i32
    %dma_start3A_20 = arith.constant 0 : i32
    %dma_start3A_21 = arith.constant 0 : i32
    %dma_start3A_22 = tpu.memref_slice %arg6[%dma_start3A_19, %dma_start3A_20, %dma_start3A_21] : memref<26x128x32xf32, #tpu.memory_space<vmem>> -> memref<1x128x32xf32, #tpu.memory_space<vmem>>
    %dma_start3A_23 = tpu.memref_squeeze %dma_start3A_22 : memref<1x128x32xf32, #tpu.memory_space<vmem>> -> memref<128x32xf32, #tpu.memory_space<vmem>>
    %dma_start3A_24 = arith.constant 0 : i32
    %dma_start3A_25 = tpu.memref_slice %arg5[%dma_start3A_18, %dma_start3A_24] : memref<26x128xi32, #tpu.memory_space<vmem>> -> memref<1x128xi32, #tpu.memory_space<vmem>>
    %dma_start3A_26 = tpu.memref_squeeze %dma_start3A_25 : memref<1x128xi32, #tpu.memory_space<vmem>> -> memref<128xi32, #tpu.memory_space<vmem>>
    %dma_start3A_27 = arith.constant 0 : i32
    %dma_start3A_28 = arith.constant 0 : i32
    %dma_start3A_29 = tpu.memref_slice %arg3[%dma_start3A_17, %dma_start3A_27, %dma_start3A_28] : memref<26x100000x32xf32, #tpu.memory_space<hbm>> -> memref<1x100000x32xf32, #tpu.memory_space<hbm>>
    %dma_start3A_30 = tpu.memref_squeeze %dma_start3A_29 : memref<1x100000x32xf32, #tpu.memory_space<hbm>> -> memref<100000x32xf32, #tpu.memory_space<hbm>>
    %dma_start3A_31 = arith.constant 0 : i32
    %dma_start3A_32 = arith.constant 0 : i32
    %dma_start3A_33 = tpu.memref_slice %dma_start3A_30[%dma_start3A_31, %dma_start3A_32] : memref<100000x32xf32, #tpu.memory_space<hbm>> -> memref<100000x32xf32, #tpu.memory_space<hbm>>
    tpu.enqueue_indirect_dma source(%dma_start3A_33 : memref<100000x32xf32, #tpu.memory_space<hbm>>) target(%dma_start3A_23 : memref<128x32xf32, #tpu.memory_space<vmem>>) offsets(%dma_start3A_26 : memref<128xi32, #tpu.memory_space<vmem>>) semaphore(%arg7 : memref<!tpu.dma_semaphore, #tpu.memory_space<semaphore_mem>>)
    %dma_start3A_34 = arith.constant 2 : i32
    %dma_start3A_35 = arith.constant 2 : i32
    %dma_start3A_36 = arith.constant 2 : i32
    %dma_start3A_37 = arith.constant 0 : i32
    %dma_start3A_38 = arith.constant 0 : i32
    %dma_start3A_39 = tpu.memref_slice %arg6[%dma_start3A_36, %dma_start3A_37, %dma_start3A_38] : memref<26x128x32xf32, #tpu.memory_space<vmem>> -> memref<1x128x32xf32, #tpu.memory_space<vmem>>
    %dma_start3A_40 = tpu.memref_squeeze %dma_start3A_39 : memref<1x128x32xf32, #tpu.memory_space<vmem>> -> memref<128x32xf32, #tpu.memory_space<vmem>>
    %dma_start3A_41 = arith.constant 0 : i32
    %dma_start3A_42 = tpu.memref_slice %arg5[%dma_start3A_35, %dma_start3A_41] : memref<26x128xi32, #tpu.memory_space<vmem>> -> memref<1x128xi32, #tpu.memory_space<vmem>>
    %dma_start3A_43 = tpu.memref_squeeze %dma_start3A_42 : memref<1x128xi32, #tpu.memory_space<vmem>> -> memref<128xi32, #tpu.memory_space<vmem>>
    %dma_start3A_44 = arith.constant 0 : i32
    %dma_start3A_45 = arith.constant 0 : i32
    %dma_start3A_46 = tpu.memref_slice %arg3[%dma_start3A_34, %dma_start3A_44, %dma_start3A_45] : memref<26x100000x32xf32, #tpu.memory_space<hbm>> -> memref<1x100000x32xf32, #tpu.memory_space<hbm>>
    %dma_start3A_47 = tpu.memref_squeeze %dma_start3A_46 : memref<1x100000x32xf32, #tpu.memory_space<hbm>> -> memref<100000x32xf32, #tpu.memory_space<hbm>>
    %dma_start3A_48 = arith.constant 0 : i32
    %dma_start3A_49 = arith.constant 0 : i32
    %dma_start3A_50 = tpu.memref_slice %dma_start3A_47[%dma_start3A_48, %dma_start3A_49] : memref<100000x32xf32, #tpu.memory_space<hbm>> -> memref<100000x32xf32, #tpu.memory_space<hbm>>
    tpu.enqueue_indirect_dma source(%dma_start3A_50 : memref<100000x32xf32, #tpu.memory_space<hbm>>) target(%dma_start3A_40 : memref<128x32xf32, #tpu.memory_space<vmem>>) offsets(%dma_start3A_43 : memref<128xi32, #tpu.memory_space<vmem>>) semaphore(%arg7 : memref<!tpu.dma_semaphore, #tpu.memory_space<semaphore_mem>>)
    %dma_start3A_51 = arith.constant 3 : i32
    %dma_start3A_52 = arith.constant 3 : i32
    %dma_start3A_53 = arith.constant 3 : i32
    %dma_start3A_54 = arith.constant 0 : i32
    %dma_start3A_55 = arith.constant 0 : i32
    %dma_start3A_56 = tpu.memref_slice %arg6[%dma_start3A_53, %dma_start3A_54, %dma_start3A_55] : memref<26x128x32xf32, #tpu.memory_space<vmem>> -> memref<1x128x32xf32, #tpu.memory_space<vmem>>
    %dma_start3A_57 = tpu.memref_squeeze %dma_start3A_56 : memref<1x128x32xf32, #tpu.memory_space<vmem>> -> memref<128x32xf32, #tpu.memory_space<vmem>>
    %dma_start3A_58 = arith.constant 0 : i32
    %dma_start3A_59 = tpu.memref_slice %arg5[%dma_start3A_52, %dma_start3A_58] : memref<26x128xi32, #tpu.memory_space<vmem>> -> memref<1x128xi32, #tpu.memory_space<vmem>>
    %dma_start3A_60 = tpu.memref_squeeze %dma_start3A_59 : memref<1x128xi32, #tpu.memory_space<vmem>> -> memref<128xi32, #tpu.memory_space<vmem>>
    %dma_start3A_61 = arith.constant 0 : i32
    %dma_start3A_62 = arith.constant 0 : i32
    %dma_start3A_63 = tpu.memref_slice %arg3[%dma_start3A_51, %dma_start3A_61, %dma_start3A_62] : memref<26x100000x32xf32, #tpu.memory_space<hbm>> -> memref<1x100000x32xf32, #tpu.memory_space<hbm>>
    %dma_start3A_64 = tpu.memref_squeeze %dma_start3A_63 : memref<1x100000x32xf32, #tpu.memory_space<hbm>> -> memref<100000x32xf32, #tpu.memory_space<hbm>>
    %dma_start3A_65 = arith.constant 0 : i32
    %dma_start3A_66 = arith.constant 0 : i32
    %dma_start3A_67 = tpu.memref_slice %dma_start3A_64[%dma_start3A_65, %dma_start3A_66] : memref<100000x32xf32, #tpu.memory_space<hbm>> -> memref<100000x32xf32, #tpu.memory_space<hbm>>
    tpu.enqueue_indirect_dma source(%dma_start3A_67 : memref<100000x32xf32, #tpu.memory_space<hbm>>) target(%dma_start3A_57 : memref<128x32xf32, #tpu.memory_space<vmem>>) offsets(%dma_start3A_60 : memref<128xi32, #tpu.memory_space<vmem>>) semaphore(%arg7 : memref<!tpu.dma_semaphore, #tpu.memory_space<semaphore_mem>>)
    %dma_start3A_68 = arith.constant 4 : i32
    %dma_start3A_69 = arith.constant 4 : i32
    %dma_start3A_70 = arith.constant 4 : i32
    %dma_start3A_71 = arith.constant 0 : i32
    %dma_start3A_72 = arith.constant 0 : i32
    %dma_start3A_73 = tpu.memref_slice %arg6[%dma_start3A_70, %dma_start3A_71, %dma_start3A_72] : memref<26x128x32xf32, #tpu.memory_space<vmem>> -> memref<1x128x32xf32, #tpu.memory_space<vmem>>
    %dma_start3A_74 = tpu.memref_squeeze %dma_start3A_73 : memref<1x128x32xf32, #tpu.memory_space<vmem>> -> memref<128x32xf32, #tpu.memory_space<vmem>>
    %dma_start3A_75 = arith.constant 0 : i32
    %dma_start3A_76 = tpu.memref_slice %arg5[%dma_start3A_69, %dma_start3A_75] : memref<26x128xi32, #tpu.memory_space<vmem>> -> memref<1x128xi32, #tpu.memory_space<vmem>>
    %dma_start3A_77 = tpu.memref_squeeze %dma_start3A_76 : memref<1x128xi32, #tpu.memory_space<vmem>> -> memref<128xi32, #tpu.memory_space<vmem>>
    %dma_start3A_78 = arith.constant 0 : i32
    %dma_start3A_79 = arith.constant 0 : i32
    %dma_start3A_80 = tpu.memref_slice %arg3[%dma_start3A_68, %dma_start3A_78, %dma_start3A_79] : memref<26x100000x32xf32, #tpu.memory_space<hbm>> -> memref<1x100000x32xf32, #tpu.memory_space<hbm>>
    %dma_start3A_81 = tpu.memref_squeeze %dma_start3A_80 : memref<1x100000x32xf32, #tpu.memory_space<hbm>> -> memref<100000x32xf32, #tpu.memory_space<hbm>>
    %dma_start3A_82 = arith.constant 0 : i32
    %dma_start3A_83 = arith.constant 0 : i32
    %dma_start3A_84 = tpu.memref_slice %dma_start3A_81[%dma_start3A_82, %dma_start3A_83] : memref<100000x32xf32, #tpu.memory_space<hbm>> -> memref<100000x32xf32, #tpu.memory_space<hbm>>
    tpu.enqueue_indirect_dma source(%dma_start3A_84 : memref<100000x32xf32, #tpu.memory_space<hbm>>) target(%dma_start3A_74 : memref<128x32xf32, #tpu.memory_space<vmem>>) offsets(%dma_start3A_77 : memref<128xi32, #tpu.memory_space<vmem>>) semaphore(%arg7 : memref<!tpu.dma_semaphore, #tpu.memory_space<semaphore_mem>>)
    %dma_start3A_85 = arith.constant 5 : i32
    %dma_start3A_86 = arith.constant 5 : i32
    %dma_start3A_87 = arith.constant 5 : i32
    %dma_start3A_88 = arith.constant 0 : i32
    %dma_start3A_89 = arith.constant 0 : i32
    %dma_start3A_90 = tpu.memref_slice %arg6[%dma_start3A_87, %dma_start3A_88, %dma_start3A_89] : memref<26x128x32xf32, #tpu.memory_space<vmem>> -> memref<1x128x32xf32, #tpu.memory_space<vmem>>
    %dma_start3A_91 = tpu.memref_squeeze %dma_start3A_90 : memref<1x128x32xf32, #tpu.memory_space<vmem>> -> memref<128x32xf32, #tpu.memory_space<vmem>>
    %dma_start3A_92 = arith.constant 0 : i32
    %dma_start3A_93 = tpu.memref_slice %arg5[%dma_start3A_86, %dma_start3A_92] : memref<26x128xi32, #tpu.memory_space<vmem>> -> memref<1x128xi32, #tpu.memory_space<vmem>>
    %dma_start3A_94 = tpu.memref_squeeze %dma_start3A_93 : memref<1x128xi32, #tpu.memory_space<vmem>> -> memref<128xi32, #tpu.memory_space<vmem>>
    %dma_start3A_95 = arith.constant 0 : i32
    %dma_start3A_96 = arith.constant 0 : i32
    %dma_start3A_97 = tpu.memref_slice %arg3[%dma_start3A_85, %dma_start3A_95, %dma_start3A_96] : memref<26x100000x32xf32, #tpu.memory_space<hbm>> -> memref<1x100000x32xf32, #tpu.memory_space<hbm>>
    %dma_start3A_98 = tpu.memref_squeeze %dma_start3A_97 : memref<1x100000x32xf32, #tpu.memory_space<hbm>> -> memref<100000x32xf32, #tpu.memory_space<hbm>>
    %dma_start3A_99 = arith.constant 0 : i32
    %dma_start3A_100 = arith.constant 0 : i32
    %dma_start3A_101 = tpu.memref_slice %dma_start3A_98[%dma_start3A_99, %dma_start3A_100] : memref<100000x32xf32, #tpu.memory_space<hbm>> -> memref<100000x32xf32, #tpu.memory_space<hbm>>
    tpu.enqueue_indirect_dma source(%dma_start3A_101 : memref<100000x32xf32, #tpu.memory_space<hbm>>) target(%dma_start3A_91 : memref<128x32xf32, #tpu.memory_space<vmem>>) offsets(%dma_start3A_94 : memref<128xi32, #tpu.memory_space<vmem>>) semaphore(%arg7 : memref<!tpu.dma_semaphore, #tpu.memory_space<semaphore_mem>>)
    %dma_start3A_102 = arith.constant 6 : i32
    %dma_start3A_103 = arith.constant 6 : i32
    %dma_start3A_104 = arith.constant 6 : i32
    %dma_start3A_105 = arith.constant 0 : i32
    %dma_start3A_106 = arith.constant 0 : i32
    %dma_start3A_107 = tpu.memref_slice %arg6[%dma_start3A_104, %dma_start3A_105, %dma_start3A_106] : memref<26x128x32xf32, #tpu.memory_space<vmem>> -> memref<1x128x32xf32, #tpu.memory_space<vmem>>
    %dma_start3A_108 = tpu.memref_squeeze %dma_start3A_107 : memref<1x128x32xf32, #tpu.memory_space<vmem>> -> memref<128x32xf32, #tpu.memory_space<vmem>>
    %dma_start3A_109 = arith.constant 0 : i32
    %dma_start3A_110 = tpu.memref_slice %arg5[%dma_start3A_103, %dma_start3A_109] : memref<26x128xi32, #tpu.memory_space<vmem>> -> memref<1x128xi32, #tpu.memory_space<vmem>>
    %dma_start3A_111 = tpu.memref_squeeze %dma_start3A_110 : memref<1x128xi32, #tpu.memory_space<vmem>> -> memref<128xi32, #tpu.memory_space<vmem>>
    %dma_start3A_112 = arith.constant 0 : i32
    %dma_start3A_113 = arith.constant 0 : i32
    %dma_start3A_114 = tpu.memref_slice %arg3[%dma_start3A_102, %dma_start3A_112, %dma_start3A_113] : memref<26x100000x32xf32, #tpu.memory_space<hbm>> -> memref<1x100000x32xf32, #tpu.memory_space<hbm>>
    %dma_start3A_115 = tpu.memref_squeeze %dma_start3A_114 : memref<1x100000x32xf32, #tpu.memory_space<hbm>> -> memref<100000x32xf32, #tpu.memory_space<hbm>>
    %dma_start3A_116 = arith.constant 0 : i32
    %dma_start3A_117 = arith.constant 0 : i32
    %dma_start3A_118 = tpu.memref_slice %dma_start3A_115[%dma_start3A_116, %dma_start3A_117] : memref<100000x32xf32, #tpu.memory_space<hbm>> -> memref<100000x32xf32, #tpu.memory_space<hbm>>
    tpu.enqueue_indirect_dma source(%dma_start3A_118 : memref<100000x32xf32, #tpu.memory_space<hbm>>) target(%dma_start3A_108 : memref<128x32xf32, #tpu.memory_space<vmem>>) offsets(%dma_start3A_111 : memref<128xi32, #tpu.memory_space<vmem>>) semaphore(%arg7 : memref<!tpu.dma_semaphore, #tpu.memory_space<semaphore_mem>>)
    %dma_start3A_119 = arith.constant 7 : i32
    %dma_start3A_120 = arith.constant 7 : i32
    %dma_start3A_121 = arith.constant 7 : i32
    %dma_start3A_122 = arith.constant 0 : i32
    %dma_start3A_123 = arith.constant 0 : i32
    %dma_start3A_124 = tpu.memref_slice %arg6[%dma_start3A_121, %dma_start3A_122, %dma_start3A_123] : memref<26x128x32xf32, #tpu.memory_space<vmem>> -> memref<1x128x32xf32, #tpu.memory_space<vmem>>
    %dma_start3A_125 = tpu.memref_squeeze %dma_start3A_124 : memref<1x128x32xf32, #tpu.memory_space<vmem>> -> memref<128x32xf32, #tpu.memory_space<vmem>>
    %dma_start3A_126 = arith.constant 0 : i32
    %dma_start3A_127 = tpu.memref_slice %arg5[%dma_start3A_120, %dma_start3A_126] : memref<26x128xi32, #tpu.memory_space<vmem>> -> memref<1x128xi32, #tpu.memory_space<vmem>>
    %dma_start3A_128 = tpu.memref_squeeze %dma_start3A_127 : memref<1x128xi32, #tpu.memory_space<vmem>> -> memref<128xi32, #tpu.memory_space<vmem>>
    %dma_start3A_129 = arith.constant 0 : i32
    %dma_start3A_130 = arith.constant 0 : i32
    %dma_start3A_131 = tpu.memref_slice %arg3[%dma_start3A_119, %dma_start3A_129, %dma_start3A_130] : memref<26x100000x32xf32, #tpu.memory_space<hbm>> -> memref<1x100000x32xf32, #tpu.memory_space<hbm>>
    %dma_start3A_132 = tpu.memref_squeeze %dma_start3A_131 : memref<1x100000x32xf32, #tpu.memory_space<hbm>> -> memref<100000x32xf32, #tpu.memory_space<hbm>>
    %dma_start3A_133 = arith.constant 0 : i32
    %dma_start3A_134 = arith.constant 0 : i32
    %dma_start3A_135 = tpu.memref_slice %dma_start3A_132[%dma_start3A_133, %dma_start3A_134] : memref<100000x32xf32, #tpu.memory_space<hbm>> -> memref<100000x32xf32, #tpu.memory_space<hbm>>
    tpu.enqueue_indirect_dma source(%dma_start3A_135 : memref<100000x32xf32, #tpu.memory_space<hbm>>) target(%dma_start3A_125 : memref<128x32xf32, #tpu.memory_space<vmem>>) offsets(%dma_start3A_128 : memref<128xi32, #tpu.memory_space<vmem>>) semaphore(%arg7 : memref<!tpu.dma_semaphore, #tpu.memory_space<semaphore_mem>>)
    %dma_start3A_136 = arith.constant 8 : i32
    %dma_start3A_137 = arith.constant 8 : i32
    %dma_start3A_138 = arith.constant 8 : i32
    %dma_start3A_139 = arith.constant 0 : i32
    %dma_start3A_140 = arith.constant 0 : i32
    %dma_start3A_141 = tpu.memref_slice %arg6[%dma_start3A_138, %dma_start3A_139, %dma_start3A_140] : memref<26x128x32xf32, #tpu.memory_space<vmem>> -> memref<1x128x32xf32, #tpu.memory_space<vmem>>
    %dma_start3A_142 = tpu.memref_squeeze %dma_start3A_141 : memref<1x128x32xf32, #tpu.memory_space<vmem>> -> memref<128x32xf32, #tpu.memory_space<vmem>>
    %dma_start3A_143 = arith.constant 0 : i32
    %dma_start3A_144 = tpu.memref_slice %arg5[%dma_start3A_137, %dma_start3A_143] : memref<26x128xi32, #tpu.memory_space<vmem>> -> memref<1x128xi32, #tpu.memory_space<vmem>>
    %dma_start3A_145 = tpu.memref_squeeze %dma_start3A_144 : memref<1x128xi32, #tpu.memory_space<vmem>> -> memref<128xi32, #tpu.memory_space<vmem>>
    %dma_start3A_146 = arith.constant 0 : i32
    %dma_start3A_147 = arith.constant 0 : i32
    %dma_start3A_148 = tpu.memref_slice %arg3[%dma_start3A_136, %dma_start3A_146, %dma_start3A_147] : memref<26x100000x32xf32, #tpu.memory_space<hbm>> -> memref<1x100000x32xf32, #tpu.memory_space<hbm>>
    %dma_start3A_149 = tpu.memref_squeeze %dma_start3A_148 : memref<1x100000x32xf32, #tpu.memory_space<hbm>> -> memref<100000x32xf32, #tpu.memory_space<hbm>>
    %dma_start3A_150 = arith.constant 0 : i32
    %dma_start3A_151 = arith.constant 0 : i32
    %dma_start3A_152 = tpu.memref_slice %dma_start3A_149[%dma_start3A_150, %dma_start3A_151] : memref<100000x32xf32, #tpu.memory_space<hbm>> -> memref<100000x32xf32, #tpu.memory_space<hbm>>
    tpu.enqueue_indirect_dma source(%dma_start3A_152 : memref<100000x32xf32, #tpu.memory_space<hbm>>) target(%dma_start3A_142 : memref<128x32xf32, #tpu.memory_space<vmem>>) offsets(%dma_start3A_145 : memref<128xi32, #tpu.memory_space<vmem>>) semaphore(%arg7 : memref<!tpu.dma_semaphore, #tpu.memory_space<semaphore_mem>>)
    %dma_start3A_153 = arith.constant 9 : i32
    %dma_start3A_154 = arith.constant 9 : i32
    %dma_start3A_155 = arith.constant 9 : i32
    %dma_start3A_156 = arith.constant 0 : i32
    %dma_start3A_157 = arith.constant 0 : i32
    %dma_start3A_158 = tpu.memref_slice %arg6[%dma_start3A_155, %dma_start3A_156, %dma_start3A_157] : memref<26x128x32xf32, #tpu.memory_space<vmem>> -> memref<1x128x32xf32, #tpu.memory_space<vmem>>
    %dma_start3A_159 = tpu.memref_squeeze %dma_start3A_158 : memref<1x128x32xf32, #tpu.memory_space<vmem>> -> memref<128x32xf32, #tpu.memory_space<vmem>>
    %dma_start3A_160 = arith.constant 0 : i32
    %dma_start3A_161 = tpu.memref_slice %arg5[%dma_start3A_154, %dma_start3A_160] : memref<26x128xi32, #tpu.memory_space<vmem>> -> memref<1x128xi32, #tpu.memory_space<vmem>>
    %dma_start3A_162 = tpu.memref_squeeze %dma_start3A_161 : memref<1x128xi32, #tpu.memory_space<vmem>> -> memref<128xi32, #tpu.memory_space<vmem>>
    %dma_start3A_163 = arith.constant 0 : i32
    %dma_start3A_164 = arith.constant 0 : i32
    %dma_start3A_165 = tpu.memref_slice %arg3[%dma_start3A_153, %dma_start3A_163, %dma_start3A_164] : memref<26x100000x32xf32, #tpu.memory_space<hbm>> -> memref<1x100000x32xf32, #tpu.memory_space<hbm>>
    %dma_start3A_166 = tpu.memref_squeeze %dma_start3A_165 : memref<1x100000x32xf32, #tpu.memory_space<hbm>> -> memref<100000x32xf32, #tpu.memory_space<hbm>>
    %dma_start3A_167 = arith.constant 0 : i32
    %dma_start3A_168 = arith.constant 0 : i32
    %dma_start3A_169 = tpu.memref_slice %dma_start3A_166[%dma_start3A_167, %dma_start3A_168] : memref<100000x32xf32, #tpu.memory_space<hbm>> -> memref<100000x32xf32, #tpu.memory_space<hbm>>
    tpu.enqueue_indirect_dma source(%dma_start3A_169 : memref<100000x32xf32, #tpu.memory_space<hbm>>) target(%dma_start3A_159 : memref<128x32xf32, #tpu.memory_space<vmem>>) offsets(%dma_start3A_162 : memref<128xi32, #tpu.memory_space<vmem>>) semaphore(%arg7 : memref<!tpu.dma_semaphore, #tpu.memory_space<semaphore_mem>>)
    %dma_start3A_170 = arith.constant 10 : i32
    %dma_start3A_171 = arith.constant 10 : i32
    %dma_start3A_172 = arith.constant 10 : i32
    %dma_start3A_173 = arith.constant 0 : i32
    %dma_start3A_174 = arith.constant 0 : i32
    %dma_start3A_175 = tpu.memref_slice %arg6[%dma_start3A_172, %dma_start3A_173, %dma_start3A_174] : memref<26x128x32xf32, #tpu.memory_space<vmem>> -> memref<1x128x32xf32, #tpu.memory_space<vmem>>
    %dma_start3A_176 = tpu.memref_squeeze %dma_start3A_175 : memref<1x128x32xf32, #tpu.memory_space<vmem>> -> memref<128x32xf32, #tpu.memory_space<vmem>>
    %dma_start3A_177 = arith.constant 0 : i32
    %dma_start3A_178 = tpu.memref_slice %arg5[%dma_start3A_171, %dma_start3A_177] : memref<26x128xi32, #tpu.memory_space<vmem>> -> memref<1x128xi32, #tpu.memory_space<vmem>>
    %dma_start3A_179 = tpu.memref_squeeze %dma_start3A_178 : memref<1x128xi32, #tpu.memory_space<vmem>> -> memref<128xi32, #tpu.memory_space<vmem>>
    %dma_start3A_180 = arith.constant 0 : i32
    %dma_start3A_181 = arith.constant 0 : i32
    %dma_start3A_182 = tpu.memref_slice %arg3[%dma_start3A_170, %dma_start3A_180, %dma_start3A_181] : memref<26x100000x32xf32, #tpu.memory_space<hbm>> -> memref<1x100000x32xf32, #tpu.memory_space<hbm>>
    %dma_start3A_183 = tpu.memref_squeeze %dma_start3A_182 : memref<1x100000x32xf32, #tpu.memory_space<hbm>> -> memref<100000x32xf32, #tpu.memory_space<hbm>>
    %dma_start3A_184 = arith.constant 0 : i32
    %dma_start3A_185 = arith.constant 0 : i32
    %dma_start3A_186 = tpu.memref_slice %dma_start3A_183[%dma_start3A_184, %dma_start3A_185] : memref<100000x32xf32, #tpu.memory_space<hbm>> -> memref<100000x32xf32, #tpu.memory_space<hbm>>
    tpu.enqueue_indirect_dma source(%dma_start3A_186 : memref<100000x32xf32, #tpu.memory_space<hbm>>) target(%dma_start3A_176 : memref<128x32xf32, #tpu.memory_space<vmem>>) offsets(%dma_start3A_179 : memref<128xi32, #tpu.memory_space<vmem>>) semaphore(%arg7 : memref<!tpu.dma_semaphore, #tpu.memory_space<semaphore_mem>>)
    %dma_start3A_187 = arith.constant 11 : i32
    %dma_start3A_188 = arith.constant 11 : i32
    %dma_start3A_189 = arith.constant 11 : i32
    %dma_start3A_190 = arith.constant 0 : i32
    %dma_start3A_191 = arith.constant 0 : i32
    %dma_start3A_192 = tpu.memref_slice %arg6[%dma_start3A_189, %dma_start3A_190, %dma_start3A_191] : memref<26x128x32xf32, #tpu.memory_space<vmem>> -> memref<1x128x32xf32, #tpu.memory_space<vmem>>
    %dma_start3A_193 = tpu.memref_squeeze %dma_start3A_192 : memref<1x128x32xf32, #tpu.memory_space<vmem>> -> memref<128x32xf32, #tpu.memory_space<vmem>>
    %dma_start3A_194 = arith.constant 0 : i32
    %dma_start3A_195 = tpu.memref_slice %arg5[%dma_start3A_188, %dma_start3A_194] : memref<26x128xi32, #tpu.memory_space<vmem>> -> memref<1x128xi32, #tpu.memory_space<vmem>>
    %dma_start3A_196 = tpu.memref_squeeze %dma_start3A_195 : memref<1x128xi32, #tpu.memory_space<vmem>> -> memref<128xi32, #tpu.memory_space<vmem>>
    %dma_start3A_197 = arith.constant 0 : i32
    %dma_start3A_198 = arith.constant 0 : i32
    %dma_start3A_199 = tpu.memref_slice %arg3[%dma_start3A_187, %dma_start3A_197, %dma_start3A_198] : memref<26x100000x32xf32, #tpu.memory_space<hbm>> -> memref<1x100000x32xf32, #tpu.memory_space<hbm>>
    %dma_start3A_200 = tpu.memref_squeeze %dma_start3A_199 : memref<1x100000x32xf32, #tpu.memory_space<hbm>> -> memref<100000x32xf32, #tpu.memory_space<hbm>>
    %dma_start3A_201 = arith.constant 0 : i32
    %dma_start3A_202 = arith.constant 0 : i32
    %dma_start3A_203 = tpu.memref_slice %dma_start3A_200[%dma_start3A_201, %dma_start3A_202] : memref<100000x32xf32, #tpu.memory_space<hbm>> -> memref<100000x32xf32, #tpu.memory_space<hbm>>
    tpu.enqueue_indirect_dma source(%dma_start3A_203 : memref<100000x32xf32, #tpu.memory_space<hbm>>) target(%dma_start3A_193 : memref<128x32xf32, #tpu.memory_space<vmem>>) offsets(%dma_start3A_196 : memref<128xi32, #tpu.memory_space<vmem>>) semaphore(%arg7 : memref<!tpu.dma_semaphore, #tpu.memory_space<semaphore_mem>>)
    %dma_start3A_204 = arith.constant 12 : i32
    %dma_start3A_205 = arith.constant 12 : i32
    %dma_start3A_206 = arith.constant 12 : i32
    %dma_start3A_207 = arith.constant 0 : i32
    %dma_start3A_208 = arith.constant 0 : i32
    %dma_start3A_209 = tpu.memref_slice %arg6[%dma_start3A_206, %dma_start3A_207, %dma_start3A_208] : memref<26x128x32xf32, #tpu.memory_space<vmem>> -> memref<1x128x32xf32, #tpu.memory_space<vmem>>
    %dma_start3A_210 = tpu.memref_squeeze %dma_start3A_209 : memref<1x128x32xf32, #tpu.memory_space<vmem>> -> memref<128x32xf32, #tpu.memory_space<vmem>>
    %dma_start3A_211 = arith.constant 0 : i32
    %dma_start3A_212 = tpu.memref_slice %arg5[%dma_start3A_205, %dma_start3A_211] : memref<26x128xi32, #tpu.memory_space<vmem>> -> memref<1x128xi32, #tpu.memory_space<vmem>>
    %dma_start3A_213 = tpu.memref_squeeze %dma_start3A_212 : memref<1x128xi32, #tpu.memory_space<vmem>> -> memref<128xi32, #tpu.memory_space<vmem>>
    %dma_start3A_214 = arith.constant 0 : i32
    %dma_start3A_215 = arith.constant 0 : i32
    %dma_start3A_216 = tpu.memref_slice %arg3[%dma_start3A_204, %dma_start3A_214, %dma_start3A_215] : memref<26x100000x32xf32, #tpu.memory_space<hbm>> -> memref<1x100000x32xf32, #tpu.memory_space<hbm>>
    %dma_start3A_217 = tpu.memref_squeeze %dma_start3A_216 : memref<1x100000x32xf32, #tpu.memory_space<hbm>> -> memref<100000x32xf32, #tpu.memory_space<hbm>>
    %dma_start3A_218 = arith.constant 0 : i32
    %dma_start3A_219 = arith.constant 0 : i32
    %dma_start3A_220 = tpu.memref_slice %dma_start3A_217[%dma_start3A_218, %dma_start3A_219] : memref<100000x32xf32, #tpu.memory_space<hbm>> -> memref<100000x32xf32, #tpu.memory_space<hbm>>
    tpu.enqueue_indirect_dma source(%dma_start3A_220 : memref<100000x32xf32, #tpu.memory_space<hbm>>) target(%dma_start3A_210 : memref<128x32xf32, #tpu.memory_space<vmem>>) offsets(%dma_start3A_213 : memref<128xi32, #tpu.memory_space<vmem>>) semaphore(%arg7 : memref<!tpu.dma_semaphore, #tpu.memory_space<semaphore_mem>>)
    %dma_wait3A = arith.constant 0 : i32
    %dma_wait3A_221 = arith.constant 0 : i32
    %dma_wait3A_222 = arith.constant 0 : i32
    %dma_wait3A_223 = arith.constant 0 : i32
    %dma_wait3A_224 = arith.constant 0 : i32
    %dma_wait3A_225 = tpu.memref_slice %arg6[%dma_wait3A_222, %dma_wait3A_223, %dma_wait3A_224] : memref<26x128x32xf32, #tpu.memory_space<vmem>> -> memref<1x128x32xf32, #tpu.memory_space<vmem>>
    %dma_wait3A_226 = tpu.memref_squeeze %dma_wait3A_225 : memref<1x128x32xf32, #tpu.memory_space<vmem>> -> memref<128x32xf32, #tpu.memory_space<vmem>>
    %dma_wait3A_227 = arith.constant 0 : i32
    %dma_wait3A_228 = tpu.memref_slice %arg5[%dma_wait3A_221, %dma_wait3A_227] : memref<26x128xi32, #tpu.memory_space<vmem>> -> memref<1x128xi32, #tpu.memory_space<vmem>>
    %dma_wait3A_229 = tpu.memref_squeeze %dma_wait3A_228 : memref<1x128xi32, #tpu.memory_space<vmem>> -> memref<128xi32, #tpu.memory_space<vmem>>
    %dma_wait3A_230 = arith.constant 0 : i32
    %dma_wait3A_231 = arith.constant 0 : i32
    %dma_wait3A_232 = tpu.memref_slice %arg3[%dma_wait3A, %dma_wait3A_230, %dma_wait3A_231] : memref<26x100000x32xf32, #tpu.memory_space<hbm>> -> memref<1x100000x32xf32, #tpu.memory_space<hbm>>
    %dma_wait3A_233 = tpu.memref_squeeze %dma_wait3A_232 : memref<1x100000x32xf32, #tpu.memory_space<hbm>> -> memref<100000x32xf32, #tpu.memory_space<hbm>>
    %dma_wait3A_234 = arith.constant 0 : i32
    %dma_wait3A_235 = arith.constant 0 : i32
    %dma_wait3A_236 = tpu.memref_slice %dma_wait3A_233[%dma_wait3A_234, %dma_wait3A_235] : memref<100000x32xf32, #tpu.memory_space<hbm>> -> memref<100000x32xf32, #tpu.memory_space<hbm>>
    tpu.wait_indirect_dma semaphore(%arg7 : memref<!tpu.dma_semaphore, #tpu.memory_space<semaphore_mem>>) src(%dma_wait3A_236 : memref<100000x32xf32, #tpu.memory_space<hbm>>) dst(%dma_wait3A_226 : memref<128x32xf32, #tpu.memory_space<vmem>>)
    %dma_wait3A_237 = arith.constant 1 : i32
    %dma_wait3A_238 = arith.constant 1 : i32
    %dma_wait3A_239 = arith.constant 1 : i32
    %dma_wait3A_240 = arith.constant 0 : i32
    %dma_wait3A_241 = arith.constant 0 : i32
    %dma_wait3A_242 = tpu.memref_slice %arg6[%dma_wait3A_239, %dma_wait3A_240, %dma_wait3A_241] : memref<26x128x32xf32, #tpu.memory_space<vmem>> -> memref<1x128x32xf32, #tpu.memory_space<vmem>>
    %dma_wait3A_243 = tpu.memref_squeeze %dma_wait3A_242 : memref<1x128x32xf32, #tpu.memory_space<vmem>> -> memref<128x32xf32, #tpu.memory_space<vmem>>
    %dma_wait3A_244 = arith.constant 0 : i32
    %dma_wait3A_245 = tpu.memref_slice %arg5[%dma_wait3A_238, %dma_wait3A_244] : memref<26x128xi32, #tpu.memory_space<vmem>> -> memref<1x128xi32, #tpu.memory_space<vmem>>
    %dma_wait3A_246 = tpu.memref_squeeze %dma_wait3A_245 : memref<1x128xi32, #tpu.memory_space<vmem>> -> memref<128xi32, #tpu.memory_space<vmem>>
    %dma_wait3A_247 = arith.constant 0 : i32
    %dma_wait3A_248 = arith.constant 0 : i32
    %dma_wait3A_249 = tpu.memref_slice %arg3[%dma_wait3A_237, %dma_wait3A_247, %dma_wait3A_248] : memref<26x100000x32xf32, #tpu.memory_space<hbm>> -> memref<1x100000x32xf32, #tpu.memory_space<hbm>>
    %dma_wait3A_250 = tpu.memref_squeeze %dma_wait3A_249 : memref<1x100000x32xf32, #tpu.memory_space<hbm>> -> memref<100000x32xf32, #tpu.memory_space<hbm>>
    %dma_wait3A_251 = arith.constant 0 : i32
    %dma_wait3A_252 = arith.constant 0 : i32
    %dma_wait3A_253 = tpu.memref_slice %dma_wait3A_250[%dma_wait3A_251, %dma_wait3A_252] : memref<100000x32xf32, #tpu.memory_space<hbm>> -> memref<100000x32xf32, #tpu.memory_space<hbm>>
    tpu.wait_indirect_dma semaphore(%arg7 : memref<!tpu.dma_semaphore, #tpu.memory_space<semaphore_mem>>) src(%dma_wait3A_253 : memref<100000x32xf32, #tpu.memory_space<hbm>>) dst(%dma_wait3A_243 : memref<128x32xf32, #tpu.memory_space<vmem>>)
    %dma_wait3A_254 = arith.constant 2 : i32
    %dma_wait3A_255 = arith.constant 2 : i32
    %dma_wait3A_256 = arith.constant 2 : i32
    %dma_wait3A_257 = arith.constant 0 : i32
    %dma_wait3A_258 = arith.constant 0 : i32
    %dma_wait3A_259 = tpu.memref_slice %arg6[%dma_wait3A_256, %dma_wait3A_257, %dma_wait3A_258] : memref<26x128x32xf32, #tpu.memory_space<vmem>> -> memref<1x128x32xf32, #tpu.memory_space<vmem>>
    %dma_wait3A_260 = tpu.memref_squeeze %dma_wait3A_259 : memref<1x128x32xf32, #tpu.memory_space<vmem>> -> memref<128x32xf32, #tpu.memory_space<vmem>>
    %dma_wait3A_261 = arith.constant 0 : i32
    %dma_wait3A_262 = tpu.memref_slice %arg5[%dma_wait3A_255, %dma_wait3A_261] : memref<26x128xi32, #tpu.memory_space<vmem>> -> memref<1x128xi32, #tpu.memory_space<vmem>>
    %dma_wait3A_263 = tpu.memref_squeeze %dma_wait3A_262 : memref<1x128xi32, #tpu.memory_space<vmem>> -> memref<128xi32, #tpu.memory_space<vmem>>
    %dma_wait3A_264 = arith.constant 0 : i32
    %dma_wait3A_265 = arith.constant 0 : i32
    %dma_wait3A_266 = tpu.memref_slice %arg3[%dma_wait3A_254, %dma_wait3A_264, %dma_wait3A_265] : memref<26x100000x32xf32, #tpu.memory_space<hbm>> -> memref<1x100000x32xf32, #tpu.memory_space<hbm>>
    %dma_wait3A_267 = tpu.memref_squeeze %dma_wait3A_266 : memref<1x100000x32xf32, #tpu.memory_space<hbm>> -> memref<100000x32xf32, #tpu.memory_space<hbm>>
    %dma_wait3A_268 = arith.constant 0 : i32
    %dma_wait3A_269 = arith.constant 0 : i32
    %dma_wait3A_270 = tpu.memref_slice %dma_wait3A_267[%dma_wait3A_268, %dma_wait3A_269] : memref<100000x32xf32, #tpu.memory_space<hbm>> -> memref<100000x32xf32, #tpu.memory_space<hbm>>
    tpu.wait_indirect_dma semaphore(%arg7 : memref<!tpu.dma_semaphore, #tpu.memory_space<semaphore_mem>>) src(%dma_wait3A_270 : memref<100000x32xf32, #tpu.memory_space<hbm>>) dst(%dma_wait3A_260 : memref<128x32xf32, #tpu.memory_space<vmem>>)
    %dma_wait3A_271 = arith.constant 3 : i32
    %dma_wait3A_272 = arith.constant 3 : i32
    %dma_wait3A_273 = arith.constant 3 : i32
    %dma_wait3A_274 = arith.constant 0 : i32
    %dma_wait3A_275 = arith.constant 0 : i32
    %dma_wait3A_276 = tpu.memref_slice %arg6[%dma_wait3A_273, %dma_wait3A_274, %dma_wait3A_275] : memref<26x128x32xf32, #tpu.memory_space<vmem>> -> memref<1x128x32xf32, #tpu.memory_space<vmem>>
    %dma_wait3A_277 = tpu.memref_squeeze %dma_wait3A_276 : memref<1x128x32xf32, #tpu.memory_space<vmem>> -> memref<128x32xf32, #tpu.memory_space<vmem>>
    %dma_wait3A_278 = arith.constant 0 : i32
    %dma_wait3A_279 = tpu.memref_slice %arg5[%dma_wait3A_272, %dma_wait3A_278] : memref<26x128xi32, #tpu.memory_space<vmem>> -> memref<1x128xi32, #tpu.memory_space<vmem>>
    %dma_wait3A_280 = tpu.memref_squeeze %dma_wait3A_279 : memref<1x128xi32, #tpu.memory_space<vmem>> -> memref<128xi32, #tpu.memory_space<vmem>>
    %dma_wait3A_281 = arith.constant 0 : i32
    %dma_wait3A_282 = arith.constant 0 : i32
    %dma_wait3A_283 = tpu.memref_slice %arg3[%dma_wait3A_271, %dma_wait3A_281, %dma_wait3A_282] : memref<26x100000x32xf32, #tpu.memory_space<hbm>> -> memref<1x100000x32xf32, #tpu.memory_space<hbm>>
    %dma_wait3A_284 = tpu.memref_squeeze %dma_wait3A_283 : memref<1x100000x32xf32, #tpu.memory_space<hbm>> -> memref<100000x32xf32, #tpu.memory_space<hbm>>
    %dma_wait3A_285 = arith.constant 0 : i32
    %dma_wait3A_286 = arith.constant 0 : i32
    %dma_wait3A_287 = tpu.memref_slice %dma_wait3A_284[%dma_wait3A_285, %dma_wait3A_286] : memref<100000x32xf32, #tpu.memory_space<hbm>> -> memref<100000x32xf32, #tpu.memory_space<hbm>>
    tpu.wait_indirect_dma semaphore(%arg7 : memref<!tpu.dma_semaphore, #tpu.memory_space<semaphore_mem>>) src(%dma_wait3A_287 : memref<100000x32xf32, #tpu.memory_space<hbm>>) dst(%dma_wait3A_277 : memref<128x32xf32, #tpu.memory_space<vmem>>)
    %dma_wait3A_288 = arith.constant 4 : i32
    %dma_wait3A_289 = arith.constant 4 : i32
    %dma_wait3A_290 = arith.constant 4 : i32
    %dma_wait3A_291 = arith.constant 0 : i32
    %dma_wait3A_292 = arith.constant 0 : i32
    %dma_wait3A_293 = tpu.memref_slice %arg6[%dma_wait3A_290, %dma_wait3A_291, %dma_wait3A_292] : memref<26x128x32xf32, #tpu.memory_space<vmem>> -> memref<1x128x32xf32, #tpu.memory_space<vmem>>
    %dma_wait3A_294 = tpu.memref_squeeze %dma_wait3A_293 : memref<1x128x32xf32, #tpu.memory_space<vmem>> -> memref<128x32xf32, #tpu.memory_space<vmem>>
    %dma_wait3A_295 = arith.constant 0 : i32
    %dma_wait3A_296 = tpu.memref_slice %arg5[%dma_wait3A_289, %dma_wait3A_295] : memref<26x128xi32, #tpu.memory_space<vmem>> -> memref<1x128xi32, #tpu.memory_space<vmem>>
    %dma_wait3A_297 = tpu.memref_squeeze %dma_wait3A_296 : memref<1x128xi32, #tpu.memory_space<vmem>> -> memref<128xi32, #tpu.memory_space<vmem>>
    %dma_wait3A_298 = arith.constant 0 : i32
    %dma_wait3A_299 = arith.constant 0 : i32
    %dma_wait3A_300 = tpu.memref_slice %arg3[%dma_wait3A_288, %dma_wait3A_298, %dma_wait3A_299] : memref<26x100000x32xf32, #tpu.memory_space<hbm>> -> memref<1x100000x32xf32, #tpu.memory_space<hbm>>
    %dma_wait3A_301 = tpu.memref_squeeze %dma_wait3A_300 : memref<1x100000x32xf32, #tpu.memory_space<hbm>> -> memref<100000x32xf32, #tpu.memory_space<hbm>>
    %dma_wait3A_302 = arith.constant 0 : i32
    %dma_wait3A_303 = arith.constant 0 : i32
    %dma_wait3A_304 = tpu.memref_slice %dma_wait3A_301[%dma_wait3A_302, %dma_wait3A_303] : memref<100000x32xf32, #tpu.memory_space<hbm>> -> memref<100000x32xf32, #tpu.memory_space<hbm>>
    tpu.wait_indirect_dma semaphore(%arg7 : memref<!tpu.dma_semaphore, #tpu.memory_space<semaphore_mem>>) src(%dma_wait3A_304 : memref<100000x32xf32, #tpu.memory_space<hbm>>) dst(%dma_wait3A_294 : memref<128x32xf32, #tpu.memory_space<vmem>>)
    %dma_wait3A_305 = arith.constant 5 : i32
    %dma_wait3A_306 = arith.constant 5 : i32
    %dma_wait3A_307 = arith.constant 5 : i32
    %dma_wait3A_308 = arith.constant 0 : i32
    %dma_wait3A_309 = arith.constant 0 : i32
    %dma_wait3A_310 = tpu.memref_slice %arg6[%dma_wait3A_307, %dma_wait3A_308, %dma_wait3A_309] : memref<26x128x32xf32, #tpu.memory_space<vmem>> -> memref<1x128x32xf32, #tpu.memory_space<vmem>>
    %dma_wait3A_311 = tpu.memref_squeeze %dma_wait3A_310 : memref<1x128x32xf32, #tpu.memory_space<vmem>> -> memref<128x32xf32, #tpu.memory_space<vmem>>
    %dma_wait3A_312 = arith.constant 0 : i32
    %dma_wait3A_313 = tpu.memref_slice %arg5[%dma_wait3A_306, %dma_wait3A_312] : memref<26x128xi32, #tpu.memory_space<vmem>> -> memref<1x128xi32, #tpu.memory_space<vmem>>
    %dma_wait3A_314 = tpu.memref_squeeze %dma_wait3A_313 : memref<1x128xi32, #tpu.memory_space<vmem>> -> memref<128xi32, #tpu.memory_space<vmem>>
    %dma_wait3A_315 = arith.constant 0 : i32
    %dma_wait3A_316 = arith.constant 0 : i32
    %dma_wait3A_317 = tpu.memref_slice %arg3[%dma_wait3A_305, %dma_wait3A_315, %dma_wait3A_316] : memref<26x100000x32xf32, #tpu.memory_space<hbm>> -> memref<1x100000x32xf32, #tpu.memory_space<hbm>>
    %dma_wait3A_318 = tpu.memref_squeeze %dma_wait3A_317 : memref<1x100000x32xf32, #tpu.memory_space<hbm>> -> memref<100000x32xf32, #tpu.memory_space<hbm>>
    %dma_wait3A_319 = arith.constant 0 : i32
    %dma_wait3A_320 = arith.constant 0 : i32
    %dma_wait3A_321 = tpu.memref_slice %dma_wait3A_318[%dma_wait3A_319, %dma_wait3A_320] : memref<100000x32xf32, #tpu.memory_space<hbm>> -> memref<100000x32xf32, #tpu.memory_space<hbm>>
    tpu.wait_indirect_dma semaphore(%arg7 : memref<!tpu.dma_semaphore, #tpu.memory_space<semaphore_mem>>) src(%dma_wait3A_321 : memref<100000x32xf32, #tpu.memory_space<hbm>>) dst(%dma_wait3A_311 : memref<128x32xf32, #tpu.memory_space<vmem>>)
    %dma_wait3A_322 = arith.constant 6 : i32
    %dma_wait3A_323 = arith.constant 6 : i32
    %dma_wait3A_324 = arith.constant 6 : i32
    %dma_wait3A_325 = arith.constant 0 : i32
    %dma_wait3A_326 = arith.constant 0 : i32
    %dma_wait3A_327 = tpu.memref_slice %arg6[%dma_wait3A_324, %dma_wait3A_325, %dma_wait3A_326] : memref<26x128x32xf32, #tpu.memory_space<vmem>> -> memref<1x128x32xf32, #tpu.memory_space<vmem>>
    %dma_wait3A_328 = tpu.memref_squeeze %dma_wait3A_327 : memref<1x128x32xf32, #tpu.memory_space<vmem>> -> memref<128x32xf32, #tpu.memory_space<vmem>>
    %dma_wait3A_329 = arith.constant 0 : i32
    %dma_wait3A_330 = tpu.memref_slice %arg5[%dma_wait3A_323, %dma_wait3A_329] : memref<26x128xi32, #tpu.memory_space<vmem>> -> memref<1x128xi32, #tpu.memory_space<vmem>>
    %dma_wait3A_331 = tpu.memref_squeeze %dma_wait3A_330 : memref<1x128xi32, #tpu.memory_space<vmem>> -> memref<128xi32, #tpu.memory_space<vmem>>
    %dma_wait3A_332 = arith.constant 0 : i32
    %dma_wait3A_333 = arith.constant 0 : i32
    %dma_wait3A_334 = tpu.memref_slice %arg3[%dma_wait3A_322, %dma_wait3A_332, %dma_wait3A_333] : memref<26x100000x32xf32, #tpu.memory_space<hbm>> -> memref<1x100000x32xf32, #tpu.memory_space<hbm>>
    %dma_wait3A_335 = tpu.memref_squeeze %dma_wait3A_334 : memref<1x100000x32xf32, #tpu.memory_space<hbm>> -> memref<100000x32xf32, #tpu.memory_space<hbm>>
    %dma_wait3A_336 = arith.constant 0 : i32
    %dma_wait3A_337 = arith.constant 0 : i32
    %dma_wait3A_338 = tpu.memref_slice %dma_wait3A_335[%dma_wait3A_336, %dma_wait3A_337] : memref<100000x32xf32, #tpu.memory_space<hbm>> -> memref<100000x32xf32, #tpu.memory_space<hbm>>
    tpu.wait_indirect_dma semaphore(%arg7 : memref<!tpu.dma_semaphore, #tpu.memory_space<semaphore_mem>>) src(%dma_wait3A_338 : memref<100000x32xf32, #tpu.memory_space<hbm>>) dst(%dma_wait3A_328 : memref<128x32xf32, #tpu.memory_space<vmem>>)
    %dma_wait3A_339 = arith.constant 7 : i32
    %dma_wait3A_340 = arith.constant 7 : i32
    %dma_wait3A_341 = arith.constant 7 : i32
    %dma_wait3A_342 = arith.constant 0 : i32
    %dma_wait3A_343 = arith.constant 0 : i32
    %dma_wait3A_344 = tpu.memref_slice %arg6[%dma_wait3A_341, %dma_wait3A_342, %dma_wait3A_343] : memref<26x128x32xf32, #tpu.memory_space<vmem>> -> memref<1x128x32xf32, #tpu.memory_space<vmem>>
    %dma_wait3A_345 = tpu.memref_squeeze %dma_wait3A_344 : memref<1x128x32xf32, #tpu.memory_space<vmem>> -> memref<128x32xf32, #tpu.memory_space<vmem>>
    %dma_wait3A_346 = arith.constant 0 : i32
    %dma_wait3A_347 = tpu.memref_slice %arg5[%dma_wait3A_340, %dma_wait3A_346] : memref<26x128xi32, #tpu.memory_space<vmem>> -> memref<1x128xi32, #tpu.memory_space<vmem>>
    %dma_wait3A_348 = tpu.memref_squeeze %dma_wait3A_347 : memref<1x128xi32, #tpu.memory_space<vmem>> -> memref<128xi32, #tpu.memory_space<vmem>>
    %dma_wait3A_349 = arith.constant 0 : i32
    %dma_wait3A_350 = arith.constant 0 : i32
    %dma_wait3A_351 = tpu.memref_slice %arg3[%dma_wait3A_339, %dma_wait3A_349, %dma_wait3A_350] : memref<26x100000x32xf32, #tpu.memory_space<hbm>> -> memref<1x100000x32xf32, #tpu.memory_space<hbm>>
    %dma_wait3A_352 = tpu.memref_squeeze %dma_wait3A_351 : memref<1x100000x32xf32, #tpu.memory_space<hbm>> -> memref<100000x32xf32, #tpu.memory_space<hbm>>
    %dma_wait3A_353 = arith.constant 0 : i32
    %dma_wait3A_354 = arith.constant 0 : i32
    %dma_wait3A_355 = tpu.memref_slice %dma_wait3A_352[%dma_wait3A_353, %dma_wait3A_354] : memref<100000x32xf32, #tpu.memory_space<hbm>> -> memref<100000x32xf32, #tpu.memory_space<hbm>>
    tpu.wait_indirect_dma semaphore(%arg7 : memref<!tpu.dma_semaphore, #tpu.memory_space<semaphore_mem>>) src(%dma_wait3A_355 : memref<100000x32xf32, #tpu.memory_space<hbm>>) dst(%dma_wait3A_345 : memref<128x32xf32, #tpu.memory_space<vmem>>)
    %dma_wait3A_356 = arith.constant 8 : i32
    %dma_wait3A_357 = arith.constant 8 : i32
    %dma_wait3A_358 = arith.constant 8 : i32
    %dma_wait3A_359 = arith.constant 0 : i32
    %dma_wait3A_360 = arith.constant 0 : i32
    %dma_wait3A_361 = tpu.memref_slice %arg6[%dma_wait3A_358, %dma_wait3A_359, %dma_wait3A_360] : memref<26x128x32xf32, #tpu.memory_space<vmem>> -> memref<1x128x32xf32, #tpu.memory_space<vmem>>
    %dma_wait3A_362 = tpu.memref_squeeze %dma_wait3A_361 : memref<1x128x32xf32, #tpu.memory_space<vmem>> -> memref<128x32xf32, #tpu.memory_space<vmem>>
    %dma_wait3A_363 = arith.constant 0 : i32
    %dma_wait3A_364 = tpu.memref_slice %arg5[%dma_wait3A_357, %dma_wait3A_363] : memref<26x128xi32, #tpu.memory_space<vmem>> -> memref<1x128xi32, #tpu.memory_space<vmem>>
    %dma_wait3A_365 = tpu.memref_squeeze %dma_wait3A_364 : memref<1x128xi32, #tpu.memory_space<vmem>> -> memref<128xi32, #tpu.memory_space<vmem>>
    %dma_wait3A_366 = arith.constant 0 : i32
    %dma_wait3A_367 = arith.constant 0 : i32
    %dma_wait3A_368 = tpu.memref_slice %arg3[%dma_wait3A_356, %dma_wait3A_366, %dma_wait3A_367] : memref<26x100000x32xf32, #tpu.memory_space<hbm>> -> memref<1x100000x32xf32, #tpu.memory_space<hbm>>
    %dma_wait3A_369 = tpu.memref_squeeze %dma_wait3A_368 : memref<1x100000x32xf32, #tpu.memory_space<hbm>> -> memref<100000x32xf32, #tpu.memory_space<hbm>>
    %dma_wait3A_370 = arith.constant 0 : i32
    %dma_wait3A_371 = arith.constant 0 : i32
    %dma_wait3A_372 = tpu.memref_slice %dma_wait3A_369[%dma_wait3A_370, %dma_wait3A_371] : memref<100000x32xf32, #tpu.memory_space<hbm>> -> memref<100000x32xf32, #tpu.memory_space<hbm>>
    tpu.wait_indirect_dma semaphore(%arg7 : memref<!tpu.dma_semaphore, #tpu.memory_space<semaphore_mem>>) src(%dma_wait3A_372 : memref<100000x32xf32, #tpu.memory_space<hbm>>) dst(%dma_wait3A_362 : memref<128x32xf32, #tpu.memory_space<vmem>>)
    %dma_wait3A_373 = arith.constant 9 : i32
    %dma_wait3A_374 = arith.constant 9 : i32
    %dma_wait3A_375 = arith.constant 9 : i32
    %dma_wait3A_376 = arith.constant 0 : i32
    %dma_wait3A_377 = arith.constant 0 : i32
    %dma_wait3A_378 = tpu.memref_slice %arg6[%dma_wait3A_375, %dma_wait3A_376, %dma_wait3A_377] : memref<26x128x32xf32, #tpu.memory_space<vmem>> -> memref<1x128x32xf32, #tpu.memory_space<vmem>>
    %dma_wait3A_379 = tpu.memref_squeeze %dma_wait3A_378 : memref<1x128x32xf32, #tpu.memory_space<vmem>> -> memref<128x32xf32, #tpu.memory_space<vmem>>
    %dma_wait3A_380 = arith.constant 0 : i32
    %dma_wait3A_381 = tpu.memref_slice %arg5[%dma_wait3A_374, %dma_wait3A_380] : memref<26x128xi32, #tpu.memory_space<vmem>> -> memref<1x128xi32, #tpu.memory_space<vmem>>
    %dma_wait3A_382 = tpu.memref_squeeze %dma_wait3A_381 : memref<1x128xi32, #tpu.memory_space<vmem>> -> memref<128xi32, #tpu.memory_space<vmem>>
    %dma_wait3A_383 = arith.constant 0 : i32
    %dma_wait3A_384 = arith.constant 0 : i32
    %dma_wait3A_385 = tpu.memref_slice %arg3[%dma_wait3A_373, %dma_wait3A_383, %dma_wait3A_384] : memref<26x100000x32xf32, #tpu.memory_space<hbm>> -> memref<1x100000x32xf32, #tpu.memory_space<hbm>>
    %dma_wait3A_386 = tpu.memref_squeeze %dma_wait3A_385 : memref<1x100000x32xf32, #tpu.memory_space<hbm>> -> memref<100000x32xf32, #tpu.memory_space<hbm>>
    %dma_wait3A_387 = arith.constant 0 : i32
    %dma_wait3A_388 = arith.constant 0 : i32
    %dma_wait3A_389 = tpu.memref_slice %dma_wait3A_386[%dma_wait3A_387, %dma_wait3A_388] : memref<100000x32xf32, #tpu.memory_space<hbm>> -> memref<100000x32xf32, #tpu.memory_space<hbm>>
    tpu.wait_indirect_dma semaphore(%arg7 : memref<!tpu.dma_semaphore, #tpu.memory_space<semaphore_mem>>) src(%dma_wait3A_389 : memref<100000x32xf32, #tpu.memory_space<hbm>>) dst(%dma_wait3A_379 : memref<128x32xf32, #tpu.memory_space<vmem>>)
    %dma_wait3A_390 = arith.constant 10 : i32
    %dma_wait3A_391 = arith.constant 10 : i32
    %dma_wait3A_392 = arith.constant 10 : i32
    %dma_wait3A_393 = arith.constant 0 : i32
    %dma_wait3A_394 = arith.constant 0 : i32
    %dma_wait3A_395 = tpu.memref_slice %arg6[%dma_wait3A_392, %dma_wait3A_393, %dma_wait3A_394] : memref<26x128x32xf32, #tpu.memory_space<vmem>> -> memref<1x128x32xf32, #tpu.memory_space<vmem>>
    %dma_wait3A_396 = tpu.memref_squeeze %dma_wait3A_395 : memref<1x128x32xf32, #tpu.memory_space<vmem>> -> memref<128x32xf32, #tpu.memory_space<vmem>>
    %dma_wait3A_397 = arith.constant 0 : i32
    %dma_wait3A_398 = tpu.memref_slice %arg5[%dma_wait3A_391, %dma_wait3A_397] : memref<26x128xi32, #tpu.memory_space<vmem>> -> memref<1x128xi32, #tpu.memory_space<vmem>>
    %dma_wait3A_399 = tpu.memref_squeeze %dma_wait3A_398 : memref<1x128xi32, #tpu.memory_space<vmem>> -> memref<128xi32, #tpu.memory_space<vmem>>
    %dma_wait3A_400 = arith.constant 0 : i32
    %dma_wait3A_401 = arith.constant 0 : i32
    %dma_wait3A_402 = tpu.memref_slice %arg3[%dma_wait3A_390, %dma_wait3A_400, %dma_wait3A_401] : memref<26x100000x32xf32, #tpu.memory_space<hbm>> -> memref<1x100000x32xf32, #tpu.memory_space<hbm>>
    %dma_wait3A_403 = tpu.memref_squeeze %dma_wait3A_402 : memref<1x100000x32xf32, #tpu.memory_space<hbm>> -> memref<100000x32xf32, #tpu.memory_space<hbm>>
    %dma_wait3A_404 = arith.constant 0 : i32
    %dma_wait3A_405 = arith.constant 0 : i32
    %dma_wait3A_406 = tpu.memref_slice %dma_wait3A_403[%dma_wait3A_404, %dma_wait3A_405] : memref<100000x32xf32, #tpu.memory_space<hbm>> -> memref<100000x32xf32, #tpu.memory_space<hbm>>
    tpu.wait_indirect_dma semaphore(%arg7 : memref<!tpu.dma_semaphore, #tpu.memory_space<semaphore_mem>>) src(%dma_wait3A_406 : memref<100000x32xf32, #tpu.memory_space<hbm>>) dst(%dma_wait3A_396 : memref<128x32xf32, #tpu.memory_space<vmem>>)
    %dma_wait3A_407 = arith.constant 11 : i32
    %dma_wait3A_408 = arith.constant 11 : i32
    %dma_wait3A_409 = arith.constant 11 : i32
    %dma_wait3A_410 = arith.constant 0 : i32
    %dma_wait3A_411 = arith.constant 0 : i32
    %dma_wait3A_412 = tpu.memref_slice %arg6[%dma_wait3A_409, %dma_wait3A_410, %dma_wait3A_411] : memref<26x128x32xf32, #tpu.memory_space<vmem>> -> memref<1x128x32xf32, #tpu.memory_space<vmem>>
    %dma_wait3A_413 = tpu.memref_squeeze %dma_wait3A_412 : memref<1x128x32xf32, #tpu.memory_space<vmem>> -> memref<128x32xf32, #tpu.memory_space<vmem>>
    %dma_wait3A_414 = arith.constant 0 : i32
    %dma_wait3A_415 = tpu.memref_slice %arg5[%dma_wait3A_408, %dma_wait3A_414] : memref<26x128xi32, #tpu.memory_space<vmem>> -> memref<1x128xi32, #tpu.memory_space<vmem>>
    %dma_wait3A_416 = tpu.memref_squeeze %dma_wait3A_415 : memref<1x128xi32, #tpu.memory_space<vmem>> -> memref<128xi32, #tpu.memory_space<vmem>>
    %dma_wait3A_417 = arith.constant 0 : i32
    %dma_wait3A_418 = arith.constant 0 : i32
    %dma_wait3A_419 = tpu.memref_slice %arg3[%dma_wait3A_407, %dma_wait3A_417, %dma_wait3A_418] : memref<26x100000x32xf32, #tpu.memory_space<hbm>> -> memref<1x100000x32xf32, #tpu.memory_space<hbm>>
    %dma_wait3A_420 = tpu.memref_squeeze %dma_wait3A_419 : memref<1x100000x32xf32, #tpu.memory_space<hbm>> -> memref<100000x32xf32, #tpu.memory_space<hbm>>
    %dma_wait3A_421 = arith.constant 0 : i32
    %dma_wait3A_422 = arith.constant 0 : i32
    %dma_wait3A_423 = tpu.memref_slice %dma_wait3A_420[%dma_wait3A_421, %dma_wait3A_422] : memref<100000x32xf32, #tpu.memory_space<hbm>> -> memref<100000x32xf32, #tpu.memory_space<hbm>>
    tpu.wait_indirect_dma semaphore(%arg7 : memref<!tpu.dma_semaphore, #tpu.memory_space<semaphore_mem>>) src(%dma_wait3A_423 : memref<100000x32xf32, #tpu.memory_space<hbm>>) dst(%dma_wait3A_413 : memref<128x32xf32, #tpu.memory_space<vmem>>)
    %dma_wait3A_424 = arith.constant 12 : i32
    %dma_wait3A_425 = arith.constant 12 : i32
    %dma_wait3A_426 = arith.constant 12 : i32
    %dma_wait3A_427 = arith.constant 0 : i32
    %dma_wait3A_428 = arith.constant 0 : i32
    %dma_wait3A_429 = tpu.memref_slice %arg6[%dma_wait3A_426, %dma_wait3A_427, %dma_wait3A_428] : memref<26x128x32xf32, #tpu.memory_space<vmem>> -> memref<1x128x32xf32, #tpu.memory_space<vmem>>
    %dma_wait3A_430 = tpu.memref_squeeze %dma_wait3A_429 : memref<1x128x32xf32, #tpu.memory_space<vmem>> -> memref<128x32xf32, #tpu.memory_space<vmem>>
    %dma_wait3A_431 = arith.constant 0 : i32
    %dma_wait3A_432 = tpu.memref_slice %arg5[%dma_wait3A_425, %dma_wait3A_431] : memref<26x128xi32, #tpu.memory_space<vmem>> -> memref<1x128xi32, #tpu.memory_space<vmem>>
    %dma_wait3A_433 = tpu.memref_squeeze %dma_wait3A_432 : memref<1x128xi32, #tpu.memory_space<vmem>> -> memref<128xi32, #tpu.memory_space<vmem>>
    %dma_wait3A_434 = arith.constant 0 : i32
    %dma_wait3A_435 = arith.constant 0 : i32
    %dma_wait3A_436 = tpu.memref_slice %arg3[%dma_wait3A_424, %dma_wait3A_434, %dma_wait3A_435] : memref<26x100000x32xf32, #tpu.memory_space<hbm>> -> memref<1x100000x32xf32, #tpu.memory_space<hbm>>
    %dma_wait3A_437 = tpu.memref_squeeze %dma_wait3A_436 : memref<1x100000x32xf32, #tpu.memory_space<hbm>> -> memref<100000x32xf32, #tpu.memory_space<hbm>>
    %dma_wait3A_438 = arith.constant 0 : i32
    %dma_wait3A_439 = arith.constant 0 : i32
    %dma_wait3A_440 = tpu.memref_slice %dma_wait3A_437[%dma_wait3A_438, %dma_wait3A_439] : memref<100000x32xf32, #tpu.memory_space<hbm>> -> memref<100000x32xf32, #tpu.memory_space<hbm>>
    tpu.wait_indirect_dma semaphore(%arg7 : memref<!tpu.dma_semaphore, #tpu.memory_space<semaphore_mem>>) src(%dma_wait3A_440 : memref<100000x32xf32, #tpu.memory_space<hbm>>) dst(%dma_wait3A_430 : memref<128x32xf32, #tpu.memory_space<vmem>>)
    %dma_start3A_441 = arith.constant 13 : i32
    %dma_start3A_442 = arith.constant 13 : i32
    %dma_start3A_443 = arith.constant 13 : i32
    %dma_start3A_444 = arith.constant 0 : i32
    %dma_start3A_445 = arith.constant 0 : i32
    %dma_start3A_446 = tpu.memref_slice %arg6[%dma_start3A_443, %dma_start3A_444, %dma_start3A_445] : memref<26x128x32xf32, #tpu.memory_space<vmem>> -> memref<1x128x32xf32, #tpu.memory_space<vmem>>
    %dma_start3A_447 = tpu.memref_squeeze %dma_start3A_446 : memref<1x128x32xf32, #tpu.memory_space<vmem>> -> memref<128x32xf32, #tpu.memory_space<vmem>>
    %dma_start3A_448 = arith.constant 0 : i32
    %dma_start3A_449 = tpu.memref_slice %arg5[%dma_start3A_442, %dma_start3A_448] : memref<26x128xi32, #tpu.memory_space<vmem>> -> memref<1x128xi32, #tpu.memory_space<vmem>>
    %dma_start3A_450 = tpu.memref_squeeze %dma_start3A_449 : memref<1x128xi32, #tpu.memory_space<vmem>> -> memref<128xi32, #tpu.memory_space<vmem>>
    %dma_start3A_451 = arith.constant 0 : i32
    %dma_start3A_452 = arith.constant 0 : i32
    %dma_start3A_453 = tpu.memref_slice %arg3[%dma_start3A_441, %dma_start3A_451, %dma_start3A_452] : memref<26x100000x32xf32, #tpu.memory_space<hbm>> -> memref<1x100000x32xf32, #tpu.memory_space<hbm>>
    %dma_start3A_454 = tpu.memref_squeeze %dma_start3A_453 : memref<1x100000x32xf32, #tpu.memory_space<hbm>> -> memref<100000x32xf32, #tpu.memory_space<hbm>>
    %dma_start3A_455 = arith.constant 0 : i32
    %dma_start3A_456 = arith.constant 0 : i32
    %dma_start3A_457 = tpu.memref_slice %dma_start3A_454[%dma_start3A_455, %dma_start3A_456] : memref<100000x32xf32, #tpu.memory_space<hbm>> -> memref<100000x32xf32, #tpu.memory_space<hbm>>
    tpu.enqueue_indirect_dma source(%dma_start3A_457 : memref<100000x32xf32, #tpu.memory_space<hbm>>) target(%dma_start3A_447 : memref<128x32xf32, #tpu.memory_space<vmem>>) offsets(%dma_start3A_450 : memref<128xi32, #tpu.memory_space<vmem>>) semaphore(%arg7 : memref<!tpu.dma_semaphore, #tpu.memory_space<semaphore_mem>>)
    %dma_start3A_458 = arith.constant 14 : i32
    %dma_start3A_459 = arith.constant 14 : i32
    %dma_start3A_460 = arith.constant 14 : i32
    %dma_start3A_461 = arith.constant 0 : i32
    %dma_start3A_462 = arith.constant 0 : i32
    %dma_start3A_463 = tpu.memref_slice %arg6[%dma_start3A_460, %dma_start3A_461, %dma_start3A_462] : memref<26x128x32xf32, #tpu.memory_space<vmem>> -> memref<1x128x32xf32, #tpu.memory_space<vmem>>
    %dma_start3A_464 = tpu.memref_squeeze %dma_start3A_463 : memref<1x128x32xf32, #tpu.memory_space<vmem>> -> memref<128x32xf32, #tpu.memory_space<vmem>>
    %dma_start3A_465 = arith.constant 0 : i32
    %dma_start3A_466 = tpu.memref_slice %arg5[%dma_start3A_459, %dma_start3A_465] : memref<26x128xi32, #tpu.memory_space<vmem>> -> memref<1x128xi32, #tpu.memory_space<vmem>>
    %dma_start3A_467 = tpu.memref_squeeze %dma_start3A_466 : memref<1x128xi32, #tpu.memory_space<vmem>> -> memref<128xi32, #tpu.memory_space<vmem>>
    %dma_start3A_468 = arith.constant 0 : i32
    %dma_start3A_469 = arith.constant 0 : i32
    %dma_start3A_470 = tpu.memref_slice %arg3[%dma_start3A_458, %dma_start3A_468, %dma_start3A_469] : memref<26x100000x32xf32, #tpu.memory_space<hbm>> -> memref<1x100000x32xf32, #tpu.memory_space<hbm>>
    %dma_start3A_471 = tpu.memref_squeeze %dma_start3A_470 : memref<1x100000x32xf32, #tpu.memory_space<hbm>> -> memref<100000x32xf32, #tpu.memory_space<hbm>>
    %dma_start3A_472 = arith.constant 0 : i32
    %dma_start3A_473 = arith.constant 0 : i32
    %dma_start3A_474 = tpu.memref_slice %dma_start3A_471[%dma_start3A_472, %dma_start3A_473] : memref<100000x32xf32, #tpu.memory_space<hbm>> -> memref<100000x32xf32, #tpu.memory_space<hbm>>
    tpu.enqueue_indirect_dma source(%dma_start3A_474 : memref<100000x32xf32, #tpu.memory_space<hbm>>) target(%dma_start3A_464 : memref<128x32xf32, #tpu.memory_space<vmem>>) offsets(%dma_start3A_467 : memref<128xi32, #tpu.memory_space<vmem>>) semaphore(%arg7 : memref<!tpu.dma_semaphore, #tpu.memory_space<semaphore_mem>>)
    %dma_start3A_475 = arith.constant 15 : i32
    %dma_start3A_476 = arith.constant 15 : i32
    %dma_start3A_477 = arith.constant 15 : i32
    %dma_start3A_478 = arith.constant 0 : i32
    %dma_start3A_479 = arith.constant 0 : i32
    %dma_start3A_480 = tpu.memref_slice %arg6[%dma_start3A_477, %dma_start3A_478, %dma_start3A_479] : memref<26x128x32xf32, #tpu.memory_space<vmem>> -> memref<1x128x32xf32, #tpu.memory_space<vmem>>
    %dma_start3A_481 = tpu.memref_squeeze %dma_start3A_480 : memref<1x128x32xf32, #tpu.memory_space<vmem>> -> memref<128x32xf32, #tpu.memory_space<vmem>>
    %dma_start3A_482 = arith.constant 0 : i32
    %dma_start3A_483 = tpu.memref_slice %arg5[%dma_start3A_476, %dma_start3A_482] : memref<26x128xi32, #tpu.memory_space<vmem>> -> memref<1x128xi32, #tpu.memory_space<vmem>>
    %dma_start3A_484 = tpu.memref_squeeze %dma_start3A_483 : memref<1x128xi32, #tpu.memory_space<vmem>> -> memref<128xi32, #tpu.memory_space<vmem>>
    %dma_start3A_485 = arith.constant 0 : i32
    %dma_start3A_486 = arith.constant 0 : i32
    %dma_start3A_487 = tpu.memref_slice %arg3[%dma_start3A_475, %dma_start3A_485, %dma_start3A_486] : memref<26x100000x32xf32, #tpu.memory_space<hbm>> -> memref<1x100000x32xf32, #tpu.memory_space<hbm>>
    %dma_start3A_488 = tpu.memref_squeeze %dma_start3A_487 : memref<1x100000x32xf32, #tpu.memory_space<hbm>> -> memref<100000x32xf32, #tpu.memory_space<hbm>>
    %dma_start3A_489 = arith.constant 0 : i32
    %dma_start3A_490 = arith.constant 0 : i32
    %dma_start3A_491 = tpu.memref_slice %dma_start3A_488[%dma_start3A_489, %dma_start3A_490] : memref<100000x32xf32, #tpu.memory_space<hbm>> -> memref<100000x32xf32, #tpu.memory_space<hbm>>
    tpu.enqueue_indirect_dma source(%dma_start3A_491 : memref<100000x32xf32, #tpu.memory_space<hbm>>) target(%dma_start3A_481 : memref<128x32xf32, #tpu.memory_space<vmem>>) offsets(%dma_start3A_484 : memref<128xi32, #tpu.memory_space<vmem>>) semaphore(%arg7 : memref<!tpu.dma_semaphore, #tpu.memory_space<semaphore_mem>>)
    %dma_start3A_492 = arith.constant 16 : i32
    %dma_start3A_493 = arith.constant 16 : i32
    %dma_start3A_494 = arith.constant 16 : i32
    %dma_start3A_495 = arith.constant 0 : i32
    %dma_start3A_496 = arith.constant 0 : i32
    %dma_start3A_497 = tpu.memref_slice %arg6[%dma_start3A_494, %dma_start3A_495, %dma_start3A_496] : memref<26x128x32xf32, #tpu.memory_space<vmem>> -> memref<1x128x32xf32, #tpu.memory_space<vmem>>
    %dma_start3A_498 = tpu.memref_squeeze %dma_start3A_497 : memref<1x128x32xf32, #tpu.memory_space<vmem>> -> memref<128x32xf32, #tpu.memory_space<vmem>>
    %dma_start3A_499 = arith.constant 0 : i32
    %dma_start3A_500 = tpu.memref_slice %arg5[%dma_start3A_493, %dma_start3A_499] : memref<26x128xi32, #tpu.memory_space<vmem>> -> memref<1x128xi32, #tpu.memory_space<vmem>>
    %dma_start3A_501 = tpu.memref_squeeze %dma_start3A_500 : memref<1x128xi32, #tpu.memory_space<vmem>> -> memref<128xi32, #tpu.memory_space<vmem>>
    %dma_start3A_502 = arith.constant 0 : i32
    %dma_start3A_503 = arith.constant 0 : i32
    %dma_start3A_504 = tpu.memref_slice %arg3[%dma_start3A_492, %dma_start3A_502, %dma_start3A_503] : memref<26x100000x32xf32, #tpu.memory_space<hbm>> -> memref<1x100000x32xf32, #tpu.memory_space<hbm>>
    %dma_start3A_505 = tpu.memref_squeeze %dma_start3A_504 : memref<1x100000x32xf32, #tpu.memory_space<hbm>> -> memref<100000x32xf32, #tpu.memory_space<hbm>>
    %dma_start3A_506 = arith.constant 0 : i32
    %dma_start3A_507 = arith.constant 0 : i32
    %dma_start3A_508 = tpu.memref_slice %dma_start3A_505[%dma_start3A_506, %dma_start3A_507] : memref<100000x32xf32, #tpu.memory_space<hbm>> -> memref<100000x32xf32, #tpu.memory_space<hbm>>
    tpu.enqueue_indirect_dma source(%dma_start3A_508 : memref<100000x32xf32, #tpu.memory_space<hbm>>) target(%dma_start3A_498 : memref<128x32xf32, #tpu.memory_space<vmem>>) offsets(%dma_start3A_501 : memref<128xi32, #tpu.memory_space<vmem>>) semaphore(%arg7 : memref<!tpu.dma_semaphore, #tpu.memory_space<semaphore_mem>>)
    %dma_start3A_509 = arith.constant 17 : i32
    %dma_start3A_510 = arith.constant 17 : i32
    %dma_start3A_511 = arith.constant 17 : i32
    %dma_start3A_512 = arith.constant 0 : i32
    %dma_start3A_513 = arith.constant 0 : i32
    %dma_start3A_514 = tpu.memref_slice %arg6[%dma_start3A_511, %dma_start3A_512, %dma_start3A_513] : memref<26x128x32xf32, #tpu.memory_space<vmem>> -> memref<1x128x32xf32, #tpu.memory_space<vmem>>
    %dma_start3A_515 = tpu.memref_squeeze %dma_start3A_514 : memref<1x128x32xf32, #tpu.memory_space<vmem>> -> memref<128x32xf32, #tpu.memory_space<vmem>>
    %dma_start3A_516 = arith.constant 0 : i32
    %dma_start3A_517 = tpu.memref_slice %arg5[%dma_start3A_510, %dma_start3A_516] : memref<26x128xi32, #tpu.memory_space<vmem>> -> memref<1x128xi32, #tpu.memory_space<vmem>>
    %dma_start3A_518 = tpu.memref_squeeze %dma_start3A_517 : memref<1x128xi32, #tpu.memory_space<vmem>> -> memref<128xi32, #tpu.memory_space<vmem>>
    %dma_start3A_519 = arith.constant 0 : i32
    %dma_start3A_520 = arith.constant 0 : i32
    %dma_start3A_521 = tpu.memref_slice %arg3[%dma_start3A_509, %dma_start3A_519, %dma_start3A_520] : memref<26x100000x32xf32, #tpu.memory_space<hbm>> -> memref<1x100000x32xf32, #tpu.memory_space<hbm>>
    %dma_start3A_522 = tpu.memref_squeeze %dma_start3A_521 : memref<1x100000x32xf32, #tpu.memory_space<hbm>> -> memref<100000x32xf32, #tpu.memory_space<hbm>>
    %dma_start3A_523 = arith.constant 0 : i32
    %dma_start3A_524 = arith.constant 0 : i32
    %dma_start3A_525 = tpu.memref_slice %dma_start3A_522[%dma_start3A_523, %dma_start3A_524] : memref<100000x32xf32, #tpu.memory_space<hbm>> -> memref<100000x32xf32, #tpu.memory_space<hbm>>
    tpu.enqueue_indirect_dma source(%dma_start3A_525 : memref<100000x32xf32, #tpu.memory_space<hbm>>) target(%dma_start3A_515 : memref<128x32xf32, #tpu.memory_space<vmem>>) offsets(%dma_start3A_518 : memref<128xi32, #tpu.memory_space<vmem>>) semaphore(%arg7 : memref<!tpu.dma_semaphore, #tpu.memory_space<semaphore_mem>>)
    %dma_start3A_526 = arith.constant 18 : i32
    %dma_start3A_527 = arith.constant 18 : i32
    %dma_start3A_528 = arith.constant 18 : i32
    %dma_start3A_529 = arith.constant 0 : i32
    %dma_start3A_530 = arith.constant 0 : i32
    %dma_start3A_531 = tpu.memref_slice %arg6[%dma_start3A_528, %dma_start3A_529, %dma_start3A_530] : memref<26x128x32xf32, #tpu.memory_space<vmem>> -> memref<1x128x32xf32, #tpu.memory_space<vmem>>
    %dma_start3A_532 = tpu.memref_squeeze %dma_start3A_531 : memref<1x128x32xf32, #tpu.memory_space<vmem>> -> memref<128x32xf32, #tpu.memory_space<vmem>>
    %dma_start3A_533 = arith.constant 0 : i32
    %dma_start3A_534 = tpu.memref_slice %arg5[%dma_start3A_527, %dma_start3A_533] : memref<26x128xi32, #tpu.memory_space<vmem>> -> memref<1x128xi32, #tpu.memory_space<vmem>>
    %dma_start3A_535 = tpu.memref_squeeze %dma_start3A_534 : memref<1x128xi32, #tpu.memory_space<vmem>> -> memref<128xi32, #tpu.memory_space<vmem>>
    %dma_start3A_536 = arith.constant 0 : i32
    %dma_start3A_537 = arith.constant 0 : i32
    %dma_start3A_538 = tpu.memref_slice %arg3[%dma_start3A_526, %dma_start3A_536, %dma_start3A_537] : memref<26x100000x32xf32, #tpu.memory_space<hbm>> -> memref<1x100000x32xf32, #tpu.memory_space<hbm>>
    %dma_start3A_539 = tpu.memref_squeeze %dma_start3A_538 : memref<1x100000x32xf32, #tpu.memory_space<hbm>> -> memref<100000x32xf32, #tpu.memory_space<hbm>>
    %dma_start3A_540 = arith.constant 0 : i32
    %dma_start3A_541 = arith.constant 0 : i32
    %dma_start3A_542 = tpu.memref_slice %dma_start3A_539[%dma_start3A_540, %dma_start3A_541] : memref<100000x32xf32, #tpu.memory_space<hbm>> -> memref<100000x32xf32, #tpu.memory_space<hbm>>
    tpu.enqueue_indirect_dma source(%dma_start3A_542 : memref<100000x32xf32, #tpu.memory_space<hbm>>) target(%dma_start3A_532 : memref<128x32xf32, #tpu.memory_space<vmem>>) offsets(%dma_start3A_535 : memref<128xi32, #tpu.memory_space<vmem>>) semaphore(%arg7 : memref<!tpu.dma_semaphore, #tpu.memory_space<semaphore_mem>>)
    %dma_start3A_543 = arith.constant 19 : i32
    %dma_start3A_544 = arith.constant 19 : i32
    %dma_start3A_545 = arith.constant 19 : i32
    %dma_start3A_546 = arith.constant 0 : i32
    %dma_start3A_547 = arith.constant 0 : i32
    %dma_start3A_548 = tpu.memref_slice %arg6[%dma_start3A_545, %dma_start3A_546, %dma_start3A_547] : memref<26x128x32xf32, #tpu.memory_space<vmem>> -> memref<1x128x32xf32, #tpu.memory_space<vmem>>
    %dma_start3A_549 = tpu.memref_squeeze %dma_start3A_548 : memref<1x128x32xf32, #tpu.memory_space<vmem>> -> memref<128x32xf32, #tpu.memory_space<vmem>>
    %dma_start3A_550 = arith.constant 0 : i32
    %dma_start3A_551 = tpu.memref_slice %arg5[%dma_start3A_544, %dma_start3A_550] : memref<26x128xi32, #tpu.memory_space<vmem>> -> memref<1x128xi32, #tpu.memory_space<vmem>>
    %dma_start3A_552 = tpu.memref_squeeze %dma_start3A_551 : memref<1x128xi32, #tpu.memory_space<vmem>> -> memref<128xi32, #tpu.memory_space<vmem>>
    %dma_start3A_553 = arith.constant 0 : i32
    %dma_start3A_554 = arith.constant 0 : i32
    %dma_start3A_555 = tpu.memref_slice %arg3[%dma_start3A_543, %dma_start3A_553, %dma_start3A_554] : memref<26x100000x32xf32, #tpu.memory_space<hbm>> -> memref<1x100000x32xf32, #tpu.memory_space<hbm>>
    %dma_start3A_556 = tpu.memref_squeeze %dma_start3A_555 : memref<1x100000x32xf32, #tpu.memory_space<hbm>> -> memref<100000x32xf32, #tpu.memory_space<hbm>>
    %dma_start3A_557 = arith.constant 0 : i32
    %dma_start3A_558 = arith.constant 0 : i32
    %dma_start3A_559 = tpu.memref_slice %dma_start3A_556[%dma_start3A_557, %dma_start3A_558] : memref<100000x32xf32, #tpu.memory_space<hbm>> -> memref<100000x32xf32, #tpu.memory_space<hbm>>
    tpu.enqueue_indirect_dma source(%dma_start3A_559 : memref<100000x32xf32, #tpu.memory_space<hbm>>) target(%dma_start3A_549 : memref<128x32xf32, #tpu.memory_space<vmem>>) offsets(%dma_start3A_552 : memref<128xi32, #tpu.memory_space<vmem>>) semaphore(%arg7 : memref<!tpu.dma_semaphore, #tpu.memory_space<semaphore_mem>>)
    %dma_start3A_560 = arith.constant 20 : i32
    %dma_start3A_561 = arith.constant 20 : i32
    %dma_start3A_562 = arith.constant 20 : i32
    %dma_start3A_563 = arith.constant 0 : i32
    %dma_start3A_564 = arith.constant 0 : i32
    %dma_start3A_565 = tpu.memref_slice %arg6[%dma_start3A_562, %dma_start3A_563, %dma_start3A_564] : memref<26x128x32xf32, #tpu.memory_space<vmem>> -> memref<1x128x32xf32, #tpu.memory_space<vmem>>
    %dma_start3A_566 = tpu.memref_squeeze %dma_start3A_565 : memref<1x128x32xf32, #tpu.memory_space<vmem>> -> memref<128x32xf32, #tpu.memory_space<vmem>>
    %dma_start3A_567 = arith.constant 0 : i32
    %dma_start3A_568 = tpu.memref_slice %arg5[%dma_start3A_561, %dma_start3A_567] : memref<26x128xi32, #tpu.memory_space<vmem>> -> memref<1x128xi32, #tpu.memory_space<vmem>>
    %dma_start3A_569 = tpu.memref_squeeze %dma_start3A_568 : memref<1x128xi32, #tpu.memory_space<vmem>> -> memref<128xi32, #tpu.memory_space<vmem>>
    %dma_start3A_570 = arith.constant 0 : i32
    %dma_start3A_571 = arith.constant 0 : i32
    %dma_start3A_572 = tpu.memref_slice %arg3[%dma_start3A_560, %dma_start3A_570, %dma_start3A_571] : memref<26x100000x32xf32, #tpu.memory_space<hbm>> -> memref<1x100000x32xf32, #tpu.memory_space<hbm>>
    %dma_start3A_573 = tpu.memref_squeeze %dma_start3A_572 : memref<1x100000x32xf32, #tpu.memory_space<hbm>> -> memref<100000x32xf32, #tpu.memory_space<hbm>>
    %dma_start3A_574 = arith.constant 0 : i32
    %dma_start3A_575 = arith.constant 0 : i32
    %dma_start3A_576 = tpu.memref_slice %dma_start3A_573[%dma_start3A_574, %dma_start3A_575] : memref<100000x32xf32, #tpu.memory_space<hbm>> -> memref<100000x32xf32, #tpu.memory_space<hbm>>
    tpu.enqueue_indirect_dma source(%dma_start3A_576 : memref<100000x32xf32, #tpu.memory_space<hbm>>) target(%dma_start3A_566 : memref<128x32xf32, #tpu.memory_space<vmem>>) offsets(%dma_start3A_569 : memref<128xi32, #tpu.memory_space<vmem>>) semaphore(%arg7 : memref<!tpu.dma_semaphore, #tpu.memory_space<semaphore_mem>>)
    %dma_start3A_577 = arith.constant 21 : i32
    %dma_start3A_578 = arith.constant 21 : i32
    %dma_start3A_579 = arith.constant 21 : i32
    %dma_start3A_580 = arith.constant 0 : i32
    %dma_start3A_581 = arith.constant 0 : i32
    %dma_start3A_582 = tpu.memref_slice %arg6[%dma_start3A_579, %dma_start3A_580, %dma_start3A_581] : memref<26x128x32xf32, #tpu.memory_space<vmem>> -> memref<1x128x32xf32, #tpu.memory_space<vmem>>
    %dma_start3A_583 = tpu.memref_squeeze %dma_start3A_582 : memref<1x128x32xf32, #tpu.memory_space<vmem>> -> memref<128x32xf32, #tpu.memory_space<vmem>>
    %dma_start3A_584 = arith.constant 0 : i32
    %dma_start3A_585 = tpu.memref_slice %arg5[%dma_start3A_578, %dma_start3A_584] : memref<26x128xi32, #tpu.memory_space<vmem>> -> memref<1x128xi32, #tpu.memory_space<vmem>>
    %dma_start3A_586 = tpu.memref_squeeze %dma_start3A_585 : memref<1x128xi32, #tpu.memory_space<vmem>> -> memref<128xi32, #tpu.memory_space<vmem>>
    %dma_start3A_587 = arith.constant 0 : i32
    %dma_start3A_588 = arith.constant 0 : i32
    %dma_start3A_589 = tpu.memref_slice %arg3[%dma_start3A_577, %dma_start3A_587, %dma_start3A_588] : memref<26x100000x32xf32, #tpu.memory_space<hbm>> -> memref<1x100000x32xf32, #tpu.memory_space<hbm>>
    %dma_start3A_590 = tpu.memref_squeeze %dma_start3A_589 : memref<1x100000x32xf32, #tpu.memory_space<hbm>> -> memref<100000x32xf32, #tpu.memory_space<hbm>>
    %dma_start3A_591 = arith.constant 0 : i32
    %dma_start3A_592 = arith.constant 0 : i32
    %dma_start3A_593 = tpu.memref_slice %dma_start3A_590[%dma_start3A_591, %dma_start3A_592] : memref<100000x32xf32, #tpu.memory_space<hbm>> -> memref<100000x32xf32, #tpu.memory_space<hbm>>
    tpu.enqueue_indirect_dma source(%dma_start3A_593 : memref<100000x32xf32, #tpu.memory_space<hbm>>) target(%dma_start3A_583 : memref<128x32xf32, #tpu.memory_space<vmem>>) offsets(%dma_start3A_586 : memref<128xi32, #tpu.memory_space<vmem>>) semaphore(%arg7 : memref<!tpu.dma_semaphore, #tpu.memory_space<semaphore_mem>>)
    %dma_start3A_594 = arith.constant 22 : i32
    %dma_start3A_595 = arith.constant 22 : i32
    %dma_start3A_596 = arith.constant 22 : i32
    %dma_start3A_597 = arith.constant 0 : i32
    %dma_start3A_598 = arith.constant 0 : i32
    %dma_start3A_599 = tpu.memref_slice %arg6[%dma_start3A_596, %dma_start3A_597, %dma_start3A_598] : memref<26x128x32xf32, #tpu.memory_space<vmem>> -> memref<1x128x32xf32, #tpu.memory_space<vmem>>
    %dma_start3A_600 = tpu.memref_squeeze %dma_start3A_599 : memref<1x128x32xf32, #tpu.memory_space<vmem>> -> memref<128x32xf32, #tpu.memory_space<vmem>>
    %dma_start3A_601 = arith.constant 0 : i32
    %dma_start3A_602 = tpu.memref_slice %arg5[%dma_start3A_595, %dma_start3A_601] : memref<26x128xi32, #tpu.memory_space<vmem>> -> memref<1x128xi32, #tpu.memory_space<vmem>>
    %dma_start3A_603 = tpu.memref_squeeze %dma_start3A_602 : memref<1x128xi32, #tpu.memory_space<vmem>> -> memref<128xi32, #tpu.memory_space<vmem>>
    %dma_start3A_604 = arith.constant 0 : i32
    %dma_start3A_605 = arith.constant 0 : i32
    %dma_start3A_606 = tpu.memref_slice %arg3[%dma_start3A_594, %dma_start3A_604, %dma_start3A_605] : memref<26x100000x32xf32, #tpu.memory_space<hbm>> -> memref<1x100000x32xf32, #tpu.memory_space<hbm>>
    %dma_start3A_607 = tpu.memref_squeeze %dma_start3A_606 : memref<1x100000x32xf32, #tpu.memory_space<hbm>> -> memref<100000x32xf32, #tpu.memory_space<hbm>>
    %dma_start3A_608 = arith.constant 0 : i32
    %dma_start3A_609 = arith.constant 0 : i32
    %dma_start3A_610 = tpu.memref_slice %dma_start3A_607[%dma_start3A_608, %dma_start3A_609] : memref<100000x32xf32, #tpu.memory_space<hbm>> -> memref<100000x32xf32, #tpu.memory_space<hbm>>
    tpu.enqueue_indirect_dma source(%dma_start3A_610 : memref<100000x32xf32, #tpu.memory_space<hbm>>) target(%dma_start3A_600 : memref<128x32xf32, #tpu.memory_space<vmem>>) offsets(%dma_start3A_603 : memref<128xi32, #tpu.memory_space<vmem>>) semaphore(%arg7 : memref<!tpu.dma_semaphore, #tpu.memory_space<semaphore_mem>>)
    %dma_start3A_611 = arith.constant 23 : i32
    %dma_start3A_612 = arith.constant 23 : i32
    %dma_start3A_613 = arith.constant 23 : i32
    %dma_start3A_614 = arith.constant 0 : i32
    %dma_start3A_615 = arith.constant 0 : i32
    %dma_start3A_616 = tpu.memref_slice %arg6[%dma_start3A_613, %dma_start3A_614, %dma_start3A_615] : memref<26x128x32xf32, #tpu.memory_space<vmem>> -> memref<1x128x32xf32, #tpu.memory_space<vmem>>
    %dma_start3A_617 = tpu.memref_squeeze %dma_start3A_616 : memref<1x128x32xf32, #tpu.memory_space<vmem>> -> memref<128x32xf32, #tpu.memory_space<vmem>>
    %dma_start3A_618 = arith.constant 0 : i32
    %dma_start3A_619 = tpu.memref_slice %arg5[%dma_start3A_612, %dma_start3A_618] : memref<26x128xi32, #tpu.memory_space<vmem>> -> memref<1x128xi32, #tpu.memory_space<vmem>>
    %dma_start3A_620 = tpu.memref_squeeze %dma_start3A_619 : memref<1x128xi32, #tpu.memory_space<vmem>> -> memref<128xi32, #tpu.memory_space<vmem>>
    %dma_start3A_621 = arith.constant 0 : i32
    %dma_start3A_622 = arith.constant 0 : i32
    %dma_start3A_623 = tpu.memref_slice %arg3[%dma_start3A_611, %dma_start3A_621, %dma_start3A_622] : memref<26x100000x32xf32, #tpu.memory_space<hbm>> -> memref<1x100000x32xf32, #tpu.memory_space<hbm>>
    %dma_start3A_624 = tpu.memref_squeeze %dma_start3A_623 : memref<1x100000x32xf32, #tpu.memory_space<hbm>> -> memref<100000x32xf32, #tpu.memory_space<hbm>>
    %dma_start3A_625 = arith.constant 0 : i32
    %dma_start3A_626 = arith.constant 0 : i32
    %dma_start3A_627 = tpu.memref_slice %dma_start3A_624[%dma_start3A_625, %dma_start3A_626] : memref<100000x32xf32, #tpu.memory_space<hbm>> -> memref<100000x32xf32, #tpu.memory_space<hbm>>
    tpu.enqueue_indirect_dma source(%dma_start3A_627 : memref<100000x32xf32, #tpu.memory_space<hbm>>) target(%dma_start3A_617 : memref<128x32xf32, #tpu.memory_space<vmem>>) offsets(%dma_start3A_620 : memref<128xi32, #tpu.memory_space<vmem>>) semaphore(%arg7 : memref<!tpu.dma_semaphore, #tpu.memory_space<semaphore_mem>>)
    %dma_start3A_628 = arith.constant 24 : i32
    %dma_start3A_629 = arith.constant 24 : i32
    %dma_start3A_630 = arith.constant 24 : i32
    %dma_start3A_631 = arith.constant 0 : i32
    %dma_start3A_632 = arith.constant 0 : i32
    %dma_start3A_633 = tpu.memref_slice %arg6[%dma_start3A_630, %dma_start3A_631, %dma_start3A_632] : memref<26x128x32xf32, #tpu.memory_space<vmem>> -> memref<1x128x32xf32, #tpu.memory_space<vmem>>
    %dma_start3A_634 = tpu.memref_squeeze %dma_start3A_633 : memref<1x128x32xf32, #tpu.memory_space<vmem>> -> memref<128x32xf32, #tpu.memory_space<vmem>>
    %dma_start3A_635 = arith.constant 0 : i32
    %dma_start3A_636 = tpu.memref_slice %arg5[%dma_start3A_629, %dma_start3A_635] : memref<26x128xi32, #tpu.memory_space<vmem>> -> memref<1x128xi32, #tpu.memory_space<vmem>>
    %dma_start3A_637 = tpu.memref_squeeze %dma_start3A_636 : memref<1x128xi32, #tpu.memory_space<vmem>> -> memref<128xi32, #tpu.memory_space<vmem>>
    %dma_start3A_638 = arith.constant 0 : i32
    %dma_start3A_639 = arith.constant 0 : i32
    %dma_start3A_640 = tpu.memref_slice %arg3[%dma_start3A_628, %dma_start3A_638, %dma_start3A_639] : memref<26x100000x32xf32, #tpu.memory_space<hbm>> -> memref<1x100000x32xf32, #tpu.memory_space<hbm>>
    %dma_start3A_641 = tpu.memref_squeeze %dma_start3A_640 : memref<1x100000x32xf32, #tpu.memory_space<hbm>> -> memref<100000x32xf32, #tpu.memory_space<hbm>>
    %dma_start3A_642 = arith.constant 0 : i32
    %dma_start3A_643 = arith.constant 0 : i32
    %dma_start3A_644 = tpu.memref_slice %dma_start3A_641[%dma_start3A_642, %dma_start3A_643] : memref<100000x32xf32, #tpu.memory_space<hbm>> -> memref<100000x32xf32, #tpu.memory_space<hbm>>
    tpu.enqueue_indirect_dma source(%dma_start3A_644 : memref<100000x32xf32, #tpu.memory_space<hbm>>) target(%dma_start3A_634 : memref<128x32xf32, #tpu.memory_space<vmem>>) offsets(%dma_start3A_637 : memref<128xi32, #tpu.memory_space<vmem>>) semaphore(%arg7 : memref<!tpu.dma_semaphore, #tpu.memory_space<semaphore_mem>>)
    %dma_start3A_645 = arith.constant 25 : i32
    %dma_start3A_646 = arith.constant 25 : i32
    %dma_start3A_647 = arith.constant 25 : i32
    %dma_start3A_648 = arith.constant 0 : i32
    %dma_start3A_649 = arith.constant 0 : i32
    %dma_start3A_650 = tpu.memref_slice %arg6[%dma_start3A_647, %dma_start3A_648, %dma_start3A_649] : memref<26x128x32xf32, #tpu.memory_space<vmem>> -> memref<1x128x32xf32, #tpu.memory_space<vmem>>
    %dma_start3A_651 = tpu.memref_squeeze %dma_start3A_650 : memref<1x128x32xf32, #tpu.memory_space<vmem>> -> memref<128x32xf32, #tpu.memory_space<vmem>>
    %dma_start3A_652 = arith.constant 0 : i32
    %dma_start3A_653 = tpu.memref_slice %arg5[%dma_start3A_646, %dma_start3A_652] : memref<26x128xi32, #tpu.memory_space<vmem>> -> memref<1x128xi32, #tpu.memory_space<vmem>>
    %dma_start3A_654 = tpu.memref_squeeze %dma_start3A_653 : memref<1x128xi32, #tpu.memory_space<vmem>> -> memref<128xi32, #tpu.memory_space<vmem>>
    %dma_start3A_655 = arith.constant 0 : i32
    %dma_start3A_656 = arith.constant 0 : i32
    %dma_start3A_657 = tpu.memref_slice %arg3[%dma_start3A_645, %dma_start3A_655, %dma_start3A_656] : memref<26x100000x32xf32, #tpu.memory_space<hbm>> -> memref<1x100000x32xf32, #tpu.memory_space<hbm>>
    %dma_start3A_658 = tpu.memref_squeeze %dma_start3A_657 : memref<1x100000x32xf32, #tpu.memory_space<hbm>> -> memref<100000x32xf32, #tpu.memory_space<hbm>>
    %dma_start3A_659 = arith.constant 0 : i32
    %dma_start3A_660 = arith.constant 0 : i32
    %dma_start3A_661 = tpu.memref_slice %dma_start3A_658[%dma_start3A_659, %dma_start3A_660] : memref<100000x32xf32, #tpu.memory_space<hbm>> -> memref<100000x32xf32, #tpu.memory_space<hbm>>
    tpu.enqueue_indirect_dma source(%dma_start3A_661 : memref<100000x32xf32, #tpu.memory_space<hbm>>) target(%dma_start3A_651 : memref<128x32xf32, #tpu.memory_space<vmem>>) offsets(%dma_start3A_654 : memref<128xi32, #tpu.memory_space<vmem>>) semaphore(%arg7 : memref<!tpu.dma_semaphore, #tpu.memory_space<semaphore_mem>>)
    %dma_wait3A_662 = arith.constant 13 : i32
    %dma_wait3A_663 = arith.constant 13 : i32
    %dma_wait3A_664 = arith.constant 13 : i32
    %dma_wait3A_665 = arith.constant 0 : i32
    %dma_wait3A_666 = arith.constant 0 : i32
    %dma_wait3A_667 = tpu.memref_slice %arg6[%dma_wait3A_664, %dma_wait3A_665, %dma_wait3A_666] : memref<26x128x32xf32, #tpu.memory_space<vmem>> -> memref<1x128x32xf32, #tpu.memory_space<vmem>>
    %dma_wait3A_668 = tpu.memref_squeeze %dma_wait3A_667 : memref<1x128x32xf32, #tpu.memory_space<vmem>> -> memref<128x32xf32, #tpu.memory_space<vmem>>
    %dma_wait3A_669 = arith.constant 0 : i32
    %dma_wait3A_670 = tpu.memref_slice %arg5[%dma_wait3A_663, %dma_wait3A_669] : memref<26x128xi32, #tpu.memory_space<vmem>> -> memref<1x128xi32, #tpu.memory_space<vmem>>
    %dma_wait3A_671 = tpu.memref_squeeze %dma_wait3A_670 : memref<1x128xi32, #tpu.memory_space<vmem>> -> memref<128xi32, #tpu.memory_space<vmem>>
    %dma_wait3A_672 = arith.constant 0 : i32
    %dma_wait3A_673 = arith.constant 0 : i32
    %dma_wait3A_674 = tpu.memref_slice %arg3[%dma_wait3A_662, %dma_wait3A_672, %dma_wait3A_673] : memref<26x100000x32xf32, #tpu.memory_space<hbm>> -> memref<1x100000x32xf32, #tpu.memory_space<hbm>>
    %dma_wait3A_675 = tpu.memref_squeeze %dma_wait3A_674 : memref<1x100000x32xf32, #tpu.memory_space<hbm>> -> memref<100000x32xf32, #tpu.memory_space<hbm>>
    %dma_wait3A_676 = arith.constant 0 : i32
    %dma_wait3A_677 = arith.constant 0 : i32
    %dma_wait3A_678 = tpu.memref_slice %dma_wait3A_675[%dma_wait3A_676, %dma_wait3A_677] : memref<100000x32xf32, #tpu.memory_space<hbm>> -> memref<100000x32xf32, #tpu.memory_space<hbm>>
    tpu.wait_indirect_dma semaphore(%arg7 : memref<!tpu.dma_semaphore, #tpu.memory_space<semaphore_mem>>) src(%dma_wait3A_678 : memref<100000x32xf32, #tpu.memory_space<hbm>>) dst(%dma_wait3A_668 : memref<128x32xf32, #tpu.memory_space<vmem>>)
    %dma_wait3A_679 = arith.constant 14 : i32
    %dma_wait3A_680 = arith.constant 14 : i32
    %dma_wait3A_681 = arith.constant 14 : i32
    %dma_wait3A_682 = arith.constant 0 : i32
    %dma_wait3A_683 = arith.constant 0 : i32
    %dma_wait3A_684 = tpu.memref_slice %arg6[%dma_wait3A_681, %dma_wait3A_682, %dma_wait3A_683] : memref<26x128x32xf32, #tpu.memory_space<vmem>> -> memref<1x128x32xf32, #tpu.memory_space<vmem>>
    %dma_wait3A_685 = tpu.memref_squeeze %dma_wait3A_684 : memref<1x128x32xf32, #tpu.memory_space<vmem>> -> memref<128x32xf32, #tpu.memory_space<vmem>>
    %dma_wait3A_686 = arith.constant 0 : i32
    %dma_wait3A_687 = tpu.memref_slice %arg5[%dma_wait3A_680, %dma_wait3A_686] : memref<26x128xi32, #tpu.memory_space<vmem>> -> memref<1x128xi32, #tpu.memory_space<vmem>>
    %dma_wait3A_688 = tpu.memref_squeeze %dma_wait3A_687 : memref<1x128xi32, #tpu.memory_space<vmem>> -> memref<128xi32, #tpu.memory_space<vmem>>
    %dma_wait3A_689 = arith.constant 0 : i32
    %dma_wait3A_690 = arith.constant 0 : i32
    %dma_wait3A_691 = tpu.memref_slice %arg3[%dma_wait3A_679, %dma_wait3A_689, %dma_wait3A_690] : memref<26x100000x32xf32, #tpu.memory_space<hbm>> -> memref<1x100000x32xf32, #tpu.memory_space<hbm>>
    %dma_wait3A_692 = tpu.memref_squeeze %dma_wait3A_691 : memref<1x100000x32xf32, #tpu.memory_space<hbm>> -> memref<100000x32xf32, #tpu.memory_space<hbm>>
    %dma_wait3A_693 = arith.constant 0 : i32
    %dma_wait3A_694 = arith.constant 0 : i32
    %dma_wait3A_695 = tpu.memref_slice %dma_wait3A_692[%dma_wait3A_693, %dma_wait3A_694] : memref<100000x32xf32, #tpu.memory_space<hbm>> -> memref<100000x32xf32, #tpu.memory_space<hbm>>
    tpu.wait_indirect_dma semaphore(%arg7 : memref<!tpu.dma_semaphore, #tpu.memory_space<semaphore_mem>>) src(%dma_wait3A_695 : memref<100000x32xf32, #tpu.memory_space<hbm>>) dst(%dma_wait3A_685 : memref<128x32xf32, #tpu.memory_space<vmem>>)
    %dma_wait3A_696 = arith.constant 15 : i32
    %dma_wait3A_697 = arith.constant 15 : i32
    %dma_wait3A_698 = arith.constant 15 : i32
    %dma_wait3A_699 = arith.constant 0 : i32
    %dma_wait3A_700 = arith.constant 0 : i32
    %dma_wait3A_701 = tpu.memref_slice %arg6[%dma_wait3A_698, %dma_wait3A_699, %dma_wait3A_700] : memref<26x128x32xf32, #tpu.memory_space<vmem>> -> memref<1x128x32xf32, #tpu.memory_space<vmem>>
    %dma_wait3A_702 = tpu.memref_squeeze %dma_wait3A_701 : memref<1x128x32xf32, #tpu.memory_space<vmem>> -> memref<128x32xf32, #tpu.memory_space<vmem>>
    %dma_wait3A_703 = arith.constant 0 : i32
    %dma_wait3A_704 = tpu.memref_slice %arg5[%dma_wait3A_697, %dma_wait3A_703] : memref<26x128xi32, #tpu.memory_space<vmem>> -> memref<1x128xi32, #tpu.memory_space<vmem>>
    %dma_wait3A_705 = tpu.memref_squeeze %dma_wait3A_704 : memref<1x128xi32, #tpu.memory_space<vmem>> -> memref<128xi32, #tpu.memory_space<vmem>>
    %dma_wait3A_706 = arith.constant 0 : i32
    %dma_wait3A_707 = arith.constant 0 : i32
    %dma_wait3A_708 = tpu.memref_slice %arg3[%dma_wait3A_696, %dma_wait3A_706, %dma_wait3A_707] : memref<26x100000x32xf32, #tpu.memory_space<hbm>> -> memref<1x100000x32xf32, #tpu.memory_space<hbm>>
    %dma_wait3A_709 = tpu.memref_squeeze %dma_wait3A_708 : memref<1x100000x32xf32, #tpu.memory_space<hbm>> -> memref<100000x32xf32, #tpu.memory_space<hbm>>
    %dma_wait3A_710 = arith.constant 0 : i32
    %dma_wait3A_711 = arith.constant 0 : i32
    %dma_wait3A_712 = tpu.memref_slice %dma_wait3A_709[%dma_wait3A_710, %dma_wait3A_711] : memref<100000x32xf32, #tpu.memory_space<hbm>> -> memref<100000x32xf32, #tpu.memory_space<hbm>>
    tpu.wait_indirect_dma semaphore(%arg7 : memref<!tpu.dma_semaphore, #tpu.memory_space<semaphore_mem>>) src(%dma_wait3A_712 : memref<100000x32xf32, #tpu.memory_space<hbm>>) dst(%dma_wait3A_702 : memref<128x32xf32, #tpu.memory_space<vmem>>)
    %dma_wait3A_713 = arith.constant 16 : i32
    %dma_wait3A_714 = arith.constant 16 : i32
    %dma_wait3A_715 = arith.constant 16 : i32
    %dma_wait3A_716 = arith.constant 0 : i32
    %dma_wait3A_717 = arith.constant 0 : i32
    %dma_wait3A_718 = tpu.memref_slice %arg6[%dma_wait3A_715, %dma_wait3A_716, %dma_wait3A_717] : memref<26x128x32xf32, #tpu.memory_space<vmem>> -> memref<1x128x32xf32, #tpu.memory_space<vmem>>
    %dma_wait3A_719 = tpu.memref_squeeze %dma_wait3A_718 : memref<1x128x32xf32, #tpu.memory_space<vmem>> -> memref<128x32xf32, #tpu.memory_space<vmem>>
    %dma_wait3A_720 = arith.constant 0 : i32
    %dma_wait3A_721 = tpu.memref_slice %arg5[%dma_wait3A_714, %dma_wait3A_720] : memref<26x128xi32, #tpu.memory_space<vmem>> -> memref<1x128xi32, #tpu.memory_space<vmem>>
    %dma_wait3A_722 = tpu.memref_squeeze %dma_wait3A_721 : memref<1x128xi32, #tpu.memory_space<vmem>> -> memref<128xi32, #tpu.memory_space<vmem>>
    %dma_wait3A_723 = arith.constant 0 : i32
    %dma_wait3A_724 = arith.constant 0 : i32
    %dma_wait3A_725 = tpu.memref_slice %arg3[%dma_wait3A_713, %dma_wait3A_723, %dma_wait3A_724] : memref<26x100000x32xf32, #tpu.memory_space<hbm>> -> memref<1x100000x32xf32, #tpu.memory_space<hbm>>
    %dma_wait3A_726 = tpu.memref_squeeze %dma_wait3A_725 : memref<1x100000x32xf32, #tpu.memory_space<hbm>> -> memref<100000x32xf32, #tpu.memory_space<hbm>>
    %dma_wait3A_727 = arith.constant 0 : i32
    %dma_wait3A_728 = arith.constant 0 : i32
    %dma_wait3A_729 = tpu.memref_slice %dma_wait3A_726[%dma_wait3A_727, %dma_wait3A_728] : memref<100000x32xf32, #tpu.memory_space<hbm>> -> memref<100000x32xf32, #tpu.memory_space<hbm>>
    tpu.wait_indirect_dma semaphore(%arg7 : memref<!tpu.dma_semaphore, #tpu.memory_space<semaphore_mem>>) src(%dma_wait3A_729 : memref<100000x32xf32, #tpu.memory_space<hbm>>) dst(%dma_wait3A_719 : memref<128x32xf32, #tpu.memory_space<vmem>>)
    %dma_wait3A_730 = arith.constant 17 : i32
    %dma_wait3A_731 = arith.constant 17 : i32
    %dma_wait3A_732 = arith.constant 17 : i32
    %dma_wait3A_733 = arith.constant 0 : i32
    %dma_wait3A_734 = arith.constant 0 : i32
    %dma_wait3A_735 = tpu.memref_slice %arg6[%dma_wait3A_732, %dma_wait3A_733, %dma_wait3A_734] : memref<26x128x32xf32, #tpu.memory_space<vmem>> -> memref<1x128x32xf32, #tpu.memory_space<vmem>>
    %dma_wait3A_736 = tpu.memref_squeeze %dma_wait3A_735 : memref<1x128x32xf32, #tpu.memory_space<vmem>> -> memref<128x32xf32, #tpu.memory_space<vmem>>
    %dma_wait3A_737 = arith.constant 0 : i32
    %dma_wait3A_738 = tpu.memref_slice %arg5[%dma_wait3A_731, %dma_wait3A_737] : memref<26x128xi32, #tpu.memory_space<vmem>> -> memref<1x128xi32, #tpu.memory_space<vmem>>
    %dma_wait3A_739 = tpu.memref_squeeze %dma_wait3A_738 : memref<1x128xi32, #tpu.memory_space<vmem>> -> memref<128xi32, #tpu.memory_space<vmem>>
    %dma_wait3A_740 = arith.constant 0 : i32
    %dma_wait3A_741 = arith.constant 0 : i32
    %dma_wait3A_742 = tpu.memref_slice %arg3[%dma_wait3A_730, %dma_wait3A_740, %dma_wait3A_741] : memref<26x100000x32xf32, #tpu.memory_space<hbm>> -> memref<1x100000x32xf32, #tpu.memory_space<hbm>>
    %dma_wait3A_743 = tpu.memref_squeeze %dma_wait3A_742 : memref<1x100000x32xf32, #tpu.memory_space<hbm>> -> memref<100000x32xf32, #tpu.memory_space<hbm>>
    %dma_wait3A_744 = arith.constant 0 : i32
    %dma_wait3A_745 = arith.constant 0 : i32
    %dma_wait3A_746 = tpu.memref_slice %dma_wait3A_743[%dma_wait3A_744, %dma_wait3A_745] : memref<100000x32xf32, #tpu.memory_space<hbm>> -> memref<100000x32xf32, #tpu.memory_space<hbm>>
    tpu.wait_indirect_dma semaphore(%arg7 : memref<!tpu.dma_semaphore, #tpu.memory_space<semaphore_mem>>) src(%dma_wait3A_746 : memref<100000x32xf32, #tpu.memory_space<hbm>>) dst(%dma_wait3A_736 : memref<128x32xf32, #tpu.memory_space<vmem>>)
    %dma_wait3A_747 = arith.constant 18 : i32
    %dma_wait3A_748 = arith.constant 18 : i32
    %dma_wait3A_749 = arith.constant 18 : i32
    %dma_wait3A_750 = arith.constant 0 : i32
    %dma_wait3A_751 = arith.constant 0 : i32
    %dma_wait3A_752 = tpu.memref_slice %arg6[%dma_wait3A_749, %dma_wait3A_750, %dma_wait3A_751] : memref<26x128x32xf32, #tpu.memory_space<vmem>> -> memref<1x128x32xf32, #tpu.memory_space<vmem>>
    %dma_wait3A_753 = tpu.memref_squeeze %dma_wait3A_752 : memref<1x128x32xf32, #tpu.memory_space<vmem>> -> memref<128x32xf32, #tpu.memory_space<vmem>>
    %dma_wait3A_754 = arith.constant 0 : i32
    %dma_wait3A_755 = tpu.memref_slice %arg5[%dma_wait3A_748, %dma_wait3A_754] : memref<26x128xi32, #tpu.memory_space<vmem>> -> memref<1x128xi32, #tpu.memory_space<vmem>>
    %dma_wait3A_756 = tpu.memref_squeeze %dma_wait3A_755 : memref<1x128xi32, #tpu.memory_space<vmem>> -> memref<128xi32, #tpu.memory_space<vmem>>
    %dma_wait3A_757 = arith.constant 0 : i32
    %dma_wait3A_758 = arith.constant 0 : i32
    %dma_wait3A_759 = tpu.memref_slice %arg3[%dma_wait3A_747, %dma_wait3A_757, %dma_wait3A_758] : memref<26x100000x32xf32, #tpu.memory_space<hbm>> -> memref<1x100000x32xf32, #tpu.memory_space<hbm>>
    %dma_wait3A_760 = tpu.memref_squeeze %dma_wait3A_759 : memref<1x100000x32xf32, #tpu.memory_space<hbm>> -> memref<100000x32xf32, #tpu.memory_space<hbm>>
    %dma_wait3A_761 = arith.constant 0 : i32
    %dma_wait3A_762 = arith.constant 0 : i32
    %dma_wait3A_763 = tpu.memref_slice %dma_wait3A_760[%dma_wait3A_761, %dma_wait3A_762] : memref<100000x32xf32, #tpu.memory_space<hbm>> -> memref<100000x32xf32, #tpu.memory_space<hbm>>
    tpu.wait_indirect_dma semaphore(%arg7 : memref<!tpu.dma_semaphore, #tpu.memory_space<semaphore_mem>>) src(%dma_wait3A_763 : memref<100000x32xf32, #tpu.memory_space<hbm>>) dst(%dma_wait3A_753 : memref<128x32xf32, #tpu.memory_space<vmem>>)
    %dma_wait3A_764 = arith.constant 19 : i32
    %dma_wait3A_765 = arith.constant 19 : i32
    %dma_wait3A_766 = arith.constant 19 : i32
    %dma_wait3A_767 = arith.constant 0 : i32
    %dma_wait3A_768 = arith.constant 0 : i32
    %dma_wait3A_769 = tpu.memref_slice %arg6[%dma_wait3A_766, %dma_wait3A_767, %dma_wait3A_768] : memref<26x128x32xf32, #tpu.memory_space<vmem>> -> memref<1x128x32xf32, #tpu.memory_space<vmem>>
    %dma_wait3A_770 = tpu.memref_squeeze %dma_wait3A_769 : memref<1x128x32xf32, #tpu.memory_space<vmem>> -> memref<128x32xf32, #tpu.memory_space<vmem>>
    %dma_wait3A_771 = arith.constant 0 : i32
    %dma_wait3A_772 = tpu.memref_slice %arg5[%dma_wait3A_765, %dma_wait3A_771] : memref<26x128xi32, #tpu.memory_space<vmem>> -> memref<1x128xi32, #tpu.memory_space<vmem>>
    %dma_wait3A_773 = tpu.memref_squeeze %dma_wait3A_772 : memref<1x128xi32, #tpu.memory_space<vmem>> -> memref<128xi32, #tpu.memory_space<vmem>>
    %dma_wait3A_774 = arith.constant 0 : i32
    %dma_wait3A_775 = arith.constant 0 : i32
    %dma_wait3A_776 = tpu.memref_slice %arg3[%dma_wait3A_764, %dma_wait3A_774, %dma_wait3A_775] : memref<26x100000x32xf32, #tpu.memory_space<hbm>> -> memref<1x100000x32xf32, #tpu.memory_space<hbm>>
    %dma_wait3A_777 = tpu.memref_squeeze %dma_wait3A_776 : memref<1x100000x32xf32, #tpu.memory_space<hbm>> -> memref<100000x32xf32, #tpu.memory_space<hbm>>
    %dma_wait3A_778 = arith.constant 0 : i32
    %dma_wait3A_779 = arith.constant 0 : i32
    %dma_wait3A_780 = tpu.memref_slice %dma_wait3A_777[%dma_wait3A_778, %dma_wait3A_779] : memref<100000x32xf32, #tpu.memory_space<hbm>> -> memref<100000x32xf32, #tpu.memory_space<hbm>>
    tpu.wait_indirect_dma semaphore(%arg7 : memref<!tpu.dma_semaphore, #tpu.memory_space<semaphore_mem>>) src(%dma_wait3A_780 : memref<100000x32xf32, #tpu.memory_space<hbm>>) dst(%dma_wait3A_770 : memref<128x32xf32, #tpu.memory_space<vmem>>)
    %dma_wait3A_781 = arith.constant 20 : i32
    %dma_wait3A_782 = arith.constant 20 : i32
    %dma_wait3A_783 = arith.constant 20 : i32
    %dma_wait3A_784 = arith.constant 0 : i32
    %dma_wait3A_785 = arith.constant 0 : i32
    %dma_wait3A_786 = tpu.memref_slice %arg6[%dma_wait3A_783, %dma_wait3A_784, %dma_wait3A_785] : memref<26x128x32xf32, #tpu.memory_space<vmem>> -> memref<1x128x32xf32, #tpu.memory_space<vmem>>
    %dma_wait3A_787 = tpu.memref_squeeze %dma_wait3A_786 : memref<1x128x32xf32, #tpu.memory_space<vmem>> -> memref<128x32xf32, #tpu.memory_space<vmem>>
    %dma_wait3A_788 = arith.constant 0 : i32
    %dma_wait3A_789 = tpu.memref_slice %arg5[%dma_wait3A_782, %dma_wait3A_788] : memref<26x128xi32, #tpu.memory_space<vmem>> -> memref<1x128xi32, #tpu.memory_space<vmem>>
    %dma_wait3A_790 = tpu.memref_squeeze %dma_wait3A_789 : memref<1x128xi32, #tpu.memory_space<vmem>> -> memref<128xi32, #tpu.memory_space<vmem>>
    %dma_wait3A_791 = arith.constant 0 : i32
    %dma_wait3A_792 = arith.constant 0 : i32
    %dma_wait3A_793 = tpu.memref_slice %arg3[%dma_wait3A_781, %dma_wait3A_791, %dma_wait3A_792] : memref<26x100000x32xf32, #tpu.memory_space<hbm>> -> memref<1x100000x32xf32, #tpu.memory_space<hbm>>
    %dma_wait3A_794 = tpu.memref_squeeze %dma_wait3A_793 : memref<1x100000x32xf32, #tpu.memory_space<hbm>> -> memref<100000x32xf32, #tpu.memory_space<hbm>>
    %dma_wait3A_795 = arith.constant 0 : i32
    %dma_wait3A_796 = arith.constant 0 : i32
    %dma_wait3A_797 = tpu.memref_slice %dma_wait3A_794[%dma_wait3A_795, %dma_wait3A_796] : memref<100000x32xf32, #tpu.memory_space<hbm>> -> memref<100000x32xf32, #tpu.memory_space<hbm>>
    tpu.wait_indirect_dma semaphore(%arg7 : memref<!tpu.dma_semaphore, #tpu.memory_space<semaphore_mem>>) src(%dma_wait3A_797 : memref<100000x32xf32, #tpu.memory_space<hbm>>) dst(%dma_wait3A_787 : memref<128x32xf32, #tpu.memory_space<vmem>>)
    %dma_wait3A_798 = arith.constant 21 : i32
    %dma_wait3A_799 = arith.constant 21 : i32
    %dma_wait3A_800 = arith.constant 21 : i32
    %dma_wait3A_801 = arith.constant 0 : i32
    %dma_wait3A_802 = arith.constant 0 : i32
    %dma_wait3A_803 = tpu.memref_slice %arg6[%dma_wait3A_800, %dma_wait3A_801, %dma_wait3A_802] : memref<26x128x32xf32, #tpu.memory_space<vmem>> -> memref<1x128x32xf32, #tpu.memory_space<vmem>>
    %dma_wait3A_804 = tpu.memref_squeeze %dma_wait3A_803 : memref<1x128x32xf32, #tpu.memory_space<vmem>> -> memref<128x32xf32, #tpu.memory_space<vmem>>
    %dma_wait3A_805 = arith.constant 0 : i32
    %dma_wait3A_806 = tpu.memref_slice %arg5[%dma_wait3A_799, %dma_wait3A_805] : memref<26x128xi32, #tpu.memory_space<vmem>> -> memref<1x128xi32, #tpu.memory_space<vmem>>
    %dma_wait3A_807 = tpu.memref_squeeze %dma_wait3A_806 : memref<1x128xi32, #tpu.memory_space<vmem>> -> memref<128xi32, #tpu.memory_space<vmem>>
    %dma_wait3A_808 = arith.constant 0 : i32
    %dma_wait3A_809 = arith.constant 0 : i32
    %dma_wait3A_810 = tpu.memref_slice %arg3[%dma_wait3A_798, %dma_wait3A_808, %dma_wait3A_809] : memref<26x100000x32xf32, #tpu.memory_space<hbm>> -> memref<1x100000x32xf32, #tpu.memory_space<hbm>>
    %dma_wait3A_811 = tpu.memref_squeeze %dma_wait3A_810 : memref<1x100000x32xf32, #tpu.memory_space<hbm>> -> memref<100000x32xf32, #tpu.memory_space<hbm>>
    %dma_wait3A_812 = arith.constant 0 : i32
    %dma_wait3A_813 = arith.constant 0 : i32
    %dma_wait3A_814 = tpu.memref_slice %dma_wait3A_811[%dma_wait3A_812, %dma_wait3A_813] : memref<100000x32xf32, #tpu.memory_space<hbm>> -> memref<100000x32xf32, #tpu.memory_space<hbm>>
    tpu.wait_indirect_dma semaphore(%arg7 : memref<!tpu.dma_semaphore, #tpu.memory_space<semaphore_mem>>) src(%dma_wait3A_814 : memref<100000x32xf32, #tpu.memory_space<hbm>>) dst(%dma_wait3A_804 : memref<128x32xf32, #tpu.memory_space<vmem>>)
    %dma_wait3A_815 = arith.constant 22 : i32
    %dma_wait3A_816 = arith.constant 22 : i32
    %dma_wait3A_817 = arith.constant 22 : i32
    %dma_wait3A_818 = arith.constant 0 : i32
    %dma_wait3A_819 = arith.constant 0 : i32
    %dma_wait3A_820 = tpu.memref_slice %arg6[%dma_wait3A_817, %dma_wait3A_818, %dma_wait3A_819] : memref<26x128x32xf32, #tpu.memory_space<vmem>> -> memref<1x128x32xf32, #tpu.memory_space<vmem>>
    %dma_wait3A_821 = tpu.memref_squeeze %dma_wait3A_820 : memref<1x128x32xf32, #tpu.memory_space<vmem>> -> memref<128x32xf32, #tpu.memory_space<vmem>>
    %dma_wait3A_822 = arith.constant 0 : i32
    %dma_wait3A_823 = tpu.memref_slice %arg5[%dma_wait3A_816, %dma_wait3A_822] : memref<26x128xi32, #tpu.memory_space<vmem>> -> memref<1x128xi32, #tpu.memory_space<vmem>>
    %dma_wait3A_824 = tpu.memref_squeeze %dma_wait3A_823 : memref<1x128xi32, #tpu.memory_space<vmem>> -> memref<128xi32, #tpu.memory_space<vmem>>
    %dma_wait3A_825 = arith.constant 0 : i32
    %dma_wait3A_826 = arith.constant 0 : i32
    %dma_wait3A_827 = tpu.memref_slice %arg3[%dma_wait3A_815, %dma_wait3A_825, %dma_wait3A_826] : memref<26x100000x32xf32, #tpu.memory_space<hbm>> -> memref<1x100000x32xf32, #tpu.memory_space<hbm>>
    %dma_wait3A_828 = tpu.memref_squeeze %dma_wait3A_827 : memref<1x100000x32xf32, #tpu.memory_space<hbm>> -> memref<100000x32xf32, #tpu.memory_space<hbm>>
    %dma_wait3A_829 = arith.constant 0 : i32
    %dma_wait3A_830 = arith.constant 0 : i32
    %dma_wait3A_831 = tpu.memref_slice %dma_wait3A_828[%dma_wait3A_829, %dma_wait3A_830] : memref<100000x32xf32, #tpu.memory_space<hbm>> -> memref<100000x32xf32, #tpu.memory_space<hbm>>
    tpu.wait_indirect_dma semaphore(%arg7 : memref<!tpu.dma_semaphore, #tpu.memory_space<semaphore_mem>>) src(%dma_wait3A_831 : memref<100000x32xf32, #tpu.memory_space<hbm>>) dst(%dma_wait3A_821 : memref<128x32xf32, #tpu.memory_space<vmem>>)
    %dma_wait3A_832 = arith.constant 23 : i32
    %dma_wait3A_833 = arith.constant 23 : i32
    %dma_wait3A_834 = arith.constant 23 : i32
    %dma_wait3A_835 = arith.constant 0 : i32
    %dma_wait3A_836 = arith.constant 0 : i32
    %dma_wait3A_837 = tpu.memref_slice %arg6[%dma_wait3A_834, %dma_wait3A_835, %dma_wait3A_836] : memref<26x128x32xf32, #tpu.memory_space<vmem>> -> memref<1x128x32xf32, #tpu.memory_space<vmem>>
    %dma_wait3A_838 = tpu.memref_squeeze %dma_wait3A_837 : memref<1x128x32xf32, #tpu.memory_space<vmem>> -> memref<128x32xf32, #tpu.memory_space<vmem>>
    %dma_wait3A_839 = arith.constant 0 : i32
    %dma_wait3A_840 = tpu.memref_slice %arg5[%dma_wait3A_833, %dma_wait3A_839] : memref<26x128xi32, #tpu.memory_space<vmem>> -> memref<1x128xi32, #tpu.memory_space<vmem>>
    %dma_wait3A_841 = tpu.memref_squeeze %dma_wait3A_840 : memref<1x128xi32, #tpu.memory_space<vmem>> -> memref<128xi32, #tpu.memory_space<vmem>>
    %dma_wait3A_842 = arith.constant 0 : i32
    %dma_wait3A_843 = arith.constant 0 : i32
    %dma_wait3A_844 = tpu.memref_slice %arg3[%dma_wait3A_832, %dma_wait3A_842, %dma_wait3A_843] : memref<26x100000x32xf32, #tpu.memory_space<hbm>> -> memref<1x100000x32xf32, #tpu.memory_space<hbm>>
    %dma_wait3A_845 = tpu.memref_squeeze %dma_wait3A_844 : memref<1x100000x32xf32, #tpu.memory_space<hbm>> -> memref<100000x32xf32, #tpu.memory_space<hbm>>
    %dma_wait3A_846 = arith.constant 0 : i32
    %dma_wait3A_847 = arith.constant 0 : i32
    %dma_wait3A_848 = tpu.memref_slice %dma_wait3A_845[%dma_wait3A_846, %dma_wait3A_847] : memref<100000x32xf32, #tpu.memory_space<hbm>> -> memref<100000x32xf32, #tpu.memory_space<hbm>>
    tpu.wait_indirect_dma semaphore(%arg7 : memref<!tpu.dma_semaphore, #tpu.memory_space<semaphore_mem>>) src(%dma_wait3A_848 : memref<100000x32xf32, #tpu.memory_space<hbm>>) dst(%dma_wait3A_838 : memref<128x32xf32, #tpu.memory_space<vmem>>)
    %dma_wait3A_849 = arith.constant 24 : i32
    %dma_wait3A_850 = arith.constant 24 : i32
    %dma_wait3A_851 = arith.constant 24 : i32
    %dma_wait3A_852 = arith.constant 0 : i32
    %dma_wait3A_853 = arith.constant 0 : i32
    %dma_wait3A_854 = tpu.memref_slice %arg6[%dma_wait3A_851, %dma_wait3A_852, %dma_wait3A_853] : memref<26x128x32xf32, #tpu.memory_space<vmem>> -> memref<1x128x32xf32, #tpu.memory_space<vmem>>
    %dma_wait3A_855 = tpu.memref_squeeze %dma_wait3A_854 : memref<1x128x32xf32, #tpu.memory_space<vmem>> -> memref<128x32xf32, #tpu.memory_space<vmem>>
    %dma_wait3A_856 = arith.constant 0 : i32
    %dma_wait3A_857 = tpu.memref_slice %arg5[%dma_wait3A_850, %dma_wait3A_856] : memref<26x128xi32, #tpu.memory_space<vmem>> -> memref<1x128xi32, #tpu.memory_space<vmem>>
    %dma_wait3A_858 = tpu.memref_squeeze %dma_wait3A_857 : memref<1x128xi32, #tpu.memory_space<vmem>> -> memref<128xi32, #tpu.memory_space<vmem>>
    %dma_wait3A_859 = arith.constant 0 : i32
    %dma_wait3A_860 = arith.constant 0 : i32
    %dma_wait3A_861 = tpu.memref_slice %arg3[%dma_wait3A_849, %dma_wait3A_859, %dma_wait3A_860] : memref<26x100000x32xf32, #tpu.memory_space<hbm>> -> memref<1x100000x32xf32, #tpu.memory_space<hbm>>
    %dma_wait3A_862 = tpu.memref_squeeze %dma_wait3A_861 : memref<1x100000x32xf32, #tpu.memory_space<hbm>> -> memref<100000x32xf32, #tpu.memory_space<hbm>>
    %dma_wait3A_863 = arith.constant 0 : i32
    %dma_wait3A_864 = arith.constant 0 : i32
    %dma_wait3A_865 = tpu.memref_slice %dma_wait3A_862[%dma_wait3A_863, %dma_wait3A_864] : memref<100000x32xf32, #tpu.memory_space<hbm>> -> memref<100000x32xf32, #tpu.memory_space<hbm>>
    tpu.wait_indirect_dma semaphore(%arg7 : memref<!tpu.dma_semaphore, #tpu.memory_space<semaphore_mem>>) src(%dma_wait3A_865 : memref<100000x32xf32, #tpu.memory_space<hbm>>) dst(%dma_wait3A_855 : memref<128x32xf32, #tpu.memory_space<vmem>>)
    %dma_wait3A_866 = arith.constant 25 : i32
    %dma_wait3A_867 = arith.constant 25 : i32
    %dma_wait3A_868 = arith.constant 25 : i32
    %dma_wait3A_869 = arith.constant 0 : i32
    %dma_wait3A_870 = arith.constant 0 : i32
    %dma_wait3A_871 = tpu.memref_slice %arg6[%dma_wait3A_868, %dma_wait3A_869, %dma_wait3A_870] : memref<26x128x32xf32, #tpu.memory_space<vmem>> -> memref<1x128x32xf32, #tpu.memory_space<vmem>>
    %dma_wait3A_872 = tpu.memref_squeeze %dma_wait3A_871 : memref<1x128x32xf32, #tpu.memory_space<vmem>> -> memref<128x32xf32, #tpu.memory_space<vmem>>
    %dma_wait3A_873 = arith.constant 0 : i32
    %dma_wait3A_874 = tpu.memref_slice %arg5[%dma_wait3A_867, %dma_wait3A_873] : memref<26x128xi32, #tpu.memory_space<vmem>> -> memref<1x128xi32, #tpu.memory_space<vmem>>
    %dma_wait3A_875 = tpu.memref_squeeze %dma_wait3A_874 : memref<1x128xi32, #tpu.memory_space<vmem>> -> memref<128xi32, #tpu.memory_space<vmem>>
    %dma_wait3A_876 = arith.constant 0 : i32
    %dma_wait3A_877 = arith.constant 0 : i32
    %dma_wait3A_878 = tpu.memref_slice %arg3[%dma_wait3A_866, %dma_wait3A_876, %dma_wait3A_877] : memref<26x100000x32xf32, #tpu.memory_space<hbm>> -> memref<1x100000x32xf32, #tpu.memory_space<hbm>>
    %dma_wait3A_879 = tpu.memref_squeeze %dma_wait3A_878 : memref<1x100000x32xf32, #tpu.memory_space<hbm>> -> memref<100000x32xf32, #tpu.memory_space<hbm>>
    %dma_wait3A_880 = arith.constant 0 : i32
    %dma_wait3A_881 = arith.constant 0 : i32
    %dma_wait3A_882 = tpu.memref_slice %dma_wait3A_879[%dma_wait3A_880, %dma_wait3A_881] : memref<100000x32xf32, #tpu.memory_space<hbm>> -> memref<100000x32xf32, #tpu.memory_space<hbm>>
    tpu.wait_indirect_dma semaphore(%arg7 : memref<!tpu.dma_semaphore, #tpu.memory_space<semaphore_mem>>) src(%dma_wait3A_882 : memref<100000x32xf32, #tpu.memory_space<hbm>>) dst(%dma_wait3A_872 : memref<128x32xf32, #tpu.memory_space<vmem>>)
    %mul3A_883 = arith.constant 128 : i32
    %mul3A_884 = arith.muli %add3A, %mul3A_883 : i32
    %dma_start3A_885 = arith.constant 0 : i32
    %dma_start3A_886 = arith.constant 0 : i32
    %dma_start3A_887 = arith.constant 0 : i32
    %dma_start3A_888 = tpu.memref_slice %arg6[%dma_start3A_885, %dma_start3A_886, %dma_start3A_887] : memref<26x128x32xf32, #tpu.memory_space<vmem>> -> memref<1x128x32xf32, #tpu.memory_space<vmem>>
    %dma_start3A_889 = tpu.memref_squeeze %dma_start3A_888 : memref<1x128x32xf32, #tpu.memory_space<vmem>> -> memref<128x32xf32, #tpu.memory_space<vmem>>
    %dma_start3A_890 = arith.constant 0 : i32
    %dma_start3A_891 = tpu.memref_slice %arg4[%mul3A_884, %dma_start3A_890] : memref<4096x832xf32, #tpu.memory_space<hbm>> -> memref<128x32xf32, #tpu.memory_space<hbm>>
    %dma_start3A_892 = arith.constant 0 : i32
    %dma_start3A_893 = tpu.memref_slice %arg4[%mul3A_884, %dma_start3A_892] : memref<4096x832xf32, #tpu.memory_space<hbm>> -> memref<128x32xf32, #tpu.memory_space<hbm>>
    %dma_start3A_894 = arith.constant 0 : i32
    %dma_start3A_895 = arith.constant 0 : i32
    %dma_start3A_896 = tpu.memref_slice %arg6[%dma_start3A_885, %dma_start3A_894, %dma_start3A_895] : memref<26x128x32xf32, #tpu.memory_space<vmem>> -> memref<1x128x32xf32, #tpu.memory_space<vmem>>
    %dma_start3A_897 = tpu.memref_squeeze %dma_start3A_896 : memref<1x128x32xf32, #tpu.memory_space<vmem>> -> memref<128x32xf32, #tpu.memory_space<vmem>>
    tpu.enqueue_dma source(%dma_start3A_897 : memref<128x32xf32, #tpu.memory_space<vmem>>) target(%dma_start3A_893 : memref<128x32xf32, #tpu.memory_space<hbm>>) target_semaphore(%arg8 : memref<!tpu.dma_semaphore, #tpu.memory_space<semaphore_mem>>)
    %dma_start3A_898 = arith.constant 1 : i32
    %dma_start3A_899 = arith.constant 0 : i32
    %dma_start3A_900 = arith.constant 0 : i32
    %dma_start3A_901 = tpu.memref_slice %arg6[%dma_start3A_898, %dma_start3A_899, %dma_start3A_900] : memref<26x128x32xf32, #tpu.memory_space<vmem>> -> memref<1x128x32xf32, #tpu.memory_space<vmem>>
    %dma_start3A_902 = tpu.memref_squeeze %dma_start3A_901 : memref<1x128x32xf32, #tpu.memory_space<vmem>> -> memref<128x32xf32, #tpu.memory_space<vmem>>
    %dma_start3A_903 = arith.constant 32 : i32
    %dma_start3A_904 = tpu.memref_slice %arg4[%mul3A_884, %dma_start3A_903] : memref<4096x832xf32, #tpu.memory_space<hbm>> -> memref<128x32xf32, #tpu.memory_space<hbm>>
    %dma_start3A_905 = arith.constant 32 : i32
    %dma_start3A_906 = tpu.memref_slice %arg4[%mul3A_884, %dma_start3A_905] : memref<4096x832xf32, #tpu.memory_space<hbm>> -> memref<128x32xf32, #tpu.memory_space<hbm>>
    %dma_start3A_907 = arith.constant 0 : i32
    %dma_start3A_908 = arith.constant 0 : i32
    %dma_start3A_909 = tpu.memref_slice %arg6[%dma_start3A_898, %dma_start3A_907, %dma_start3A_908] : memref<26x128x32xf32, #tpu.memory_space<vmem>> -> memref<1x128x32xf32, #tpu.memory_space<vmem>>
    %dma_start3A_910 = tpu.memref_squeeze %dma_start3A_909 : memref<1x128x32xf32, #tpu.memory_space<vmem>> -> memref<128x32xf32, #tpu.memory_space<vmem>>
    tpu.enqueue_dma source(%dma_start3A_910 : memref<128x32xf32, #tpu.memory_space<vmem>>) target(%dma_start3A_906 : memref<128x32xf32, #tpu.memory_space<hbm>>) target_semaphore(%arg8 : memref<!tpu.dma_semaphore, #tpu.memory_space<semaphore_mem>>)
    %dma_start3A_911 = arith.constant 2 : i32
    %dma_start3A_912 = arith.constant 0 : i32
    %dma_start3A_913 = arith.constant 0 : i32
    %dma_start3A_914 = tpu.memref_slice %arg6[%dma_start3A_911, %dma_start3A_912, %dma_start3A_913] : memref<26x128x32xf32, #tpu.memory_space<vmem>> -> memref<1x128x32xf32, #tpu.memory_space<vmem>>
    %dma_start3A_915 = tpu.memref_squeeze %dma_start3A_914 : memref<1x128x32xf32, #tpu.memory_space<vmem>> -> memref<128x32xf32, #tpu.memory_space<vmem>>
    %dma_start3A_916 = arith.constant 64 : i32
    %dma_start3A_917 = tpu.memref_slice %arg4[%mul3A_884, %dma_start3A_916] : memref<4096x832xf32, #tpu.memory_space<hbm>> -> memref<128x32xf32, #tpu.memory_space<hbm>>
    %dma_start3A_918 = arith.constant 64 : i32
    %dma_start3A_919 = tpu.memref_slice %arg4[%mul3A_884, %dma_start3A_918] : memref<4096x832xf32, #tpu.memory_space<hbm>> -> memref<128x32xf32, #tpu.memory_space<hbm>>
    %dma_start3A_920 = arith.constant 0 : i32
    %dma_start3A_921 = arith.constant 0 : i32
    %dma_start3A_922 = tpu.memref_slice %arg6[%dma_start3A_911, %dma_start3A_920, %dma_start3A_921] : memref<26x128x32xf32, #tpu.memory_space<vmem>> -> memref<1x128x32xf32, #tpu.memory_space<vmem>>
    %dma_start3A_923 = tpu.memref_squeeze %dma_start3A_922 : memref<1x128x32xf32, #tpu.memory_space<vmem>> -> memref<128x32xf32, #tpu.memory_space<vmem>>
    tpu.enqueue_dma source(%dma_start3A_923 : memref<128x32xf32, #tpu.memory_space<vmem>>) target(%dma_start3A_919 : memref<128x32xf32, #tpu.memory_space<hbm>>) target_semaphore(%arg8 : memref<!tpu.dma_semaphore, #tpu.memory_space<semaphore_mem>>)
    %dma_start3A_924 = arith.constant 3 : i32
    %dma_start3A_925 = arith.constant 0 : i32
    %dma_start3A_926 = arith.constant 0 : i32
    %dma_start3A_927 = tpu.memref_slice %arg6[%dma_start3A_924, %dma_start3A_925, %dma_start3A_926] : memref<26x128x32xf32, #tpu.memory_space<vmem>> -> memref<1x128x32xf32, #tpu.memory_space<vmem>>
    %dma_start3A_928 = tpu.memref_squeeze %dma_start3A_927 : memref<1x128x32xf32, #tpu.memory_space<vmem>> -> memref<128x32xf32, #tpu.memory_space<vmem>>
    %dma_start3A_929 = arith.constant 96 : i32
    %dma_start3A_930 = tpu.memref_slice %arg4[%mul3A_884, %dma_start3A_929] : memref<4096x832xf32, #tpu.memory_space<hbm>> -> memref<128x32xf32, #tpu.memory_space<hbm>>
    %dma_start3A_931 = arith.constant 96 : i32
    %dma_start3A_932 = tpu.memref_slice %arg4[%mul3A_884, %dma_start3A_931] : memref<4096x832xf32, #tpu.memory_space<hbm>> -> memref<128x32xf32, #tpu.memory_space<hbm>>
    %dma_start3A_933 = arith.constant 0 : i32
    %dma_start3A_934 = arith.constant 0 : i32
    %dma_start3A_935 = tpu.memref_slice %arg6[%dma_start3A_924, %dma_start3A_933, %dma_start3A_934] : memref<26x128x32xf32, #tpu.memory_space<vmem>> -> memref<1x128x32xf32, #tpu.memory_space<vmem>>
    %dma_start3A_936 = tpu.memref_squeeze %dma_start3A_935 : memref<1x128x32xf32, #tpu.memory_space<vmem>> -> memref<128x32xf32, #tpu.memory_space<vmem>>
    tpu.enqueue_dma source(%dma_start3A_936 : memref<128x32xf32, #tpu.memory_space<vmem>>) target(%dma_start3A_932 : memref<128x32xf32, #tpu.memory_space<hbm>>) target_semaphore(%arg8 : memref<!tpu.dma_semaphore, #tpu.memory_space<semaphore_mem>>)
    %dma_start3A_937 = arith.constant 4 : i32
    %dma_start3A_938 = arith.constant 0 : i32
    %dma_start3A_939 = arith.constant 0 : i32
    %dma_start3A_940 = tpu.memref_slice %arg6[%dma_start3A_937, %dma_start3A_938, %dma_start3A_939] : memref<26x128x32xf32, #tpu.memory_space<vmem>> -> memref<1x128x32xf32, #tpu.memory_space<vmem>>
    %dma_start3A_941 = tpu.memref_squeeze %dma_start3A_940 : memref<1x128x32xf32, #tpu.memory_space<vmem>> -> memref<128x32xf32, #tpu.memory_space<vmem>>
    %dma_start3A_942 = arith.constant 128 : i32
    %dma_start3A_943 = tpu.memref_slice %arg4[%mul3A_884, %dma_start3A_942] : memref<4096x832xf32, #tpu.memory_space<hbm>> -> memref<128x32xf32, #tpu.memory_space<hbm>>
    %dma_start3A_944 = arith.constant 128 : i32
    %dma_start3A_945 = tpu.memref_slice %arg4[%mul3A_884, %dma_start3A_944] : memref<4096x832xf32, #tpu.memory_space<hbm>> -> memref<128x32xf32, #tpu.memory_space<hbm>>
    %dma_start3A_946 = arith.constant 0 : i32
    %dma_start3A_947 = arith.constant 0 : i32
    %dma_start3A_948 = tpu.memref_slice %arg6[%dma_start3A_937, %dma_start3A_946, %dma_start3A_947] : memref<26x128x32xf32, #tpu.memory_space<vmem>> -> memref<1x128x32xf32, #tpu.memory_space<vmem>>
    %dma_start3A_949 = tpu.memref_squeeze %dma_start3A_948 : memref<1x128x32xf32, #tpu.memory_space<vmem>> -> memref<128x32xf32, #tpu.memory_space<vmem>>
    tpu.enqueue_dma source(%dma_start3A_949 : memref<128x32xf32, #tpu.memory_space<vmem>>) target(%dma_start3A_945 : memref<128x32xf32, #tpu.memory_space<hbm>>) target_semaphore(%arg8 : memref<!tpu.dma_semaphore, #tpu.memory_space<semaphore_mem>>)
    %dma_start3A_950 = arith.constant 5 : i32
    %dma_start3A_951 = arith.constant 0 : i32
    %dma_start3A_952 = arith.constant 0 : i32
    %dma_start3A_953 = tpu.memref_slice %arg6[%dma_start3A_950, %dma_start3A_951, %dma_start3A_952] : memref<26x128x32xf32, #tpu.memory_space<vmem>> -> memref<1x128x32xf32, #tpu.memory_space<vmem>>
    %dma_start3A_954 = tpu.memref_squeeze %dma_start3A_953 : memref<1x128x32xf32, #tpu.memory_space<vmem>> -> memref<128x32xf32, #tpu.memory_space<vmem>>
    %dma_start3A_955 = arith.constant 160 : i32
    %dma_start3A_956 = tpu.memref_slice %arg4[%mul3A_884, %dma_start3A_955] : memref<4096x832xf32, #tpu.memory_space<hbm>> -> memref<128x32xf32, #tpu.memory_space<hbm>>
    %dma_start3A_957 = arith.constant 160 : i32
    %dma_start3A_958 = tpu.memref_slice %arg4[%mul3A_884, %dma_start3A_957] : memref<4096x832xf32, #tpu.memory_space<hbm>> -> memref<128x32xf32, #tpu.memory_space<hbm>>
    %dma_start3A_959 = arith.constant 0 : i32
    %dma_start3A_960 = arith.constant 0 : i32
    %dma_start3A_961 = tpu.memref_slice %arg6[%dma_start3A_950, %dma_start3A_959, %dma_start3A_960] : memref<26x128x32xf32, #tpu.memory_space<vmem>> -> memref<1x128x32xf32, #tpu.memory_space<vmem>>
    %dma_start3A_962 = tpu.memref_squeeze %dma_start3A_961 : memref<1x128x32xf32, #tpu.memory_space<vmem>> -> memref<128x32xf32, #tpu.memory_space<vmem>>
    tpu.enqueue_dma source(%dma_start3A_962 : memref<128x32xf32, #tpu.memory_space<vmem>>) target(%dma_start3A_958 : memref<128x32xf32, #tpu.memory_space<hbm>>) target_semaphore(%arg8 : memref<!tpu.dma_semaphore, #tpu.memory_space<semaphore_mem>>)
    %dma_start3A_963 = arith.constant 6 : i32
    %dma_start3A_964 = arith.constant 0 : i32
    %dma_start3A_965 = arith.constant 0 : i32
    %dma_start3A_966 = tpu.memref_slice %arg6[%dma_start3A_963, %dma_start3A_964, %dma_start3A_965] : memref<26x128x32xf32, #tpu.memory_space<vmem>> -> memref<1x128x32xf32, #tpu.memory_space<vmem>>
    %dma_start3A_967 = tpu.memref_squeeze %dma_start3A_966 : memref<1x128x32xf32, #tpu.memory_space<vmem>> -> memref<128x32xf32, #tpu.memory_space<vmem>>
    %dma_start3A_968 = arith.constant 192 : i32
    %dma_start3A_969 = tpu.memref_slice %arg4[%mul3A_884, %dma_start3A_968] : memref<4096x832xf32, #tpu.memory_space<hbm>> -> memref<128x32xf32, #tpu.memory_space<hbm>>
    %dma_start3A_970 = arith.constant 192 : i32
    %dma_start3A_971 = tpu.memref_slice %arg4[%mul3A_884, %dma_start3A_970] : memref<4096x832xf32, #tpu.memory_space<hbm>> -> memref<128x32xf32, #tpu.memory_space<hbm>>
    %dma_start3A_972 = arith.constant 0 : i32
    %dma_start3A_973 = arith.constant 0 : i32
    %dma_start3A_974 = tpu.memref_slice %arg6[%dma_start3A_963, %dma_start3A_972, %dma_start3A_973] : memref<26x128x32xf32, #tpu.memory_space<vmem>> -> memref<1x128x32xf32, #tpu.memory_space<vmem>>
    %dma_start3A_975 = tpu.memref_squeeze %dma_start3A_974 : memref<1x128x32xf32, #tpu.memory_space<vmem>> -> memref<128x32xf32, #tpu.memory_space<vmem>>
    tpu.enqueue_dma source(%dma_start3A_975 : memref<128x32xf32, #tpu.memory_space<vmem>>) target(%dma_start3A_971 : memref<128x32xf32, #tpu.memory_space<hbm>>) target_semaphore(%arg8 : memref<!tpu.dma_semaphore, #tpu.memory_space<semaphore_mem>>)
    %dma_start3A_976 = arith.constant 7 : i32
    %dma_start3A_977 = arith.constant 0 : i32
    %dma_start3A_978 = arith.constant 0 : i32
    %dma_start3A_979 = tpu.memref_slice %arg6[%dma_start3A_976, %dma_start3A_977, %dma_start3A_978] : memref<26x128x32xf32, #tpu.memory_space<vmem>> -> memref<1x128x32xf32, #tpu.memory_space<vmem>>
    %dma_start3A_980 = tpu.memref_squeeze %dma_start3A_979 : memref<1x128x32xf32, #tpu.memory_space<vmem>> -> memref<128x32xf32, #tpu.memory_space<vmem>>
    %dma_start3A_981 = arith.constant 224 : i32
    %dma_start3A_982 = tpu.memref_slice %arg4[%mul3A_884, %dma_start3A_981] : memref<4096x832xf32, #tpu.memory_space<hbm>> -> memref<128x32xf32, #tpu.memory_space<hbm>>
    %dma_start3A_983 = arith.constant 224 : i32
    %dma_start3A_984 = tpu.memref_slice %arg4[%mul3A_884, %dma_start3A_983] : memref<4096x832xf32, #tpu.memory_space<hbm>> -> memref<128x32xf32, #tpu.memory_space<hbm>>
    %dma_start3A_985 = arith.constant 0 : i32
    %dma_start3A_986 = arith.constant 0 : i32
    %dma_start3A_987 = tpu.memref_slice %arg6[%dma_start3A_976, %dma_start3A_985, %dma_start3A_986] : memref<26x128x32xf32, #tpu.memory_space<vmem>> -> memref<1x128x32xf32, #tpu.memory_space<vmem>>
    %dma_start3A_988 = tpu.memref_squeeze %dma_start3A_987 : memref<1x128x32xf32, #tpu.memory_space<vmem>> -> memref<128x32xf32, #tpu.memory_space<vmem>>
    tpu.enqueue_dma source(%dma_start3A_988 : memref<128x32xf32, #tpu.memory_space<vmem>>) target(%dma_start3A_984 : memref<128x32xf32, #tpu.memory_space<hbm>>) target_semaphore(%arg8 : memref<!tpu.dma_semaphore, #tpu.memory_space<semaphore_mem>>)
    %dma_start3A_989 = arith.constant 8 : i32
    %dma_start3A_990 = arith.constant 0 : i32
    %dma_start3A_991 = arith.constant 0 : i32
    %dma_start3A_992 = tpu.memref_slice %arg6[%dma_start3A_989, %dma_start3A_990, %dma_start3A_991] : memref<26x128x32xf32, #tpu.memory_space<vmem>> -> memref<1x128x32xf32, #tpu.memory_space<vmem>>
    %dma_start3A_993 = tpu.memref_squeeze %dma_start3A_992 : memref<1x128x32xf32, #tpu.memory_space<vmem>> -> memref<128x32xf32, #tpu.memory_space<vmem>>
    %dma_start3A_994 = arith.constant 256 : i32
    %dma_start3A_995 = tpu.memref_slice %arg4[%mul3A_884, %dma_start3A_994] : memref<4096x832xf32, #tpu.memory_space<hbm>> -> memref<128x32xf32, #tpu.memory_space<hbm>>
    %dma_start3A_996 = arith.constant 256 : i32
    %dma_start3A_997 = tpu.memref_slice %arg4[%mul3A_884, %dma_start3A_996] : memref<4096x832xf32, #tpu.memory_space<hbm>> -> memref<128x32xf32, #tpu.memory_space<hbm>>
    %dma_start3A_998 = arith.constant 0 : i32
    %dma_start3A_999 = arith.constant 0 : i32
    %dma_start3A_1000 = tpu.memref_slice %arg6[%dma_start3A_989, %dma_start3A_998, %dma_start3A_999] : memref<26x128x32xf32, #tpu.memory_space<vmem>> -> memref<1x128x32xf32, #tpu.memory_space<vmem>>
    %dma_start3A_1001 = tpu.memref_squeeze %dma_start3A_1000 : memref<1x128x32xf32, #tpu.memory_space<vmem>> -> memref<128x32xf32, #tpu.memory_space<vmem>>
    tpu.enqueue_dma source(%dma_start3A_1001 : memref<128x32xf32, #tpu.memory_space<vmem>>) target(%dma_start3A_997 : memref<128x32xf32, #tpu.memory_space<hbm>>) target_semaphore(%arg8 : memref<!tpu.dma_semaphore, #tpu.memory_space<semaphore_mem>>)
    %dma_start3A_1002 = arith.constant 9 : i32
    %dma_start3A_1003 = arith.constant 0 : i32
    %dma_start3A_1004 = arith.constant 0 : i32
    %dma_start3A_1005 = tpu.memref_slice %arg6[%dma_start3A_1002, %dma_start3A_1003, %dma_start3A_1004] : memref<26x128x32xf32, #tpu.memory_space<vmem>> -> memref<1x128x32xf32, #tpu.memory_space<vmem>>
    %dma_start3A_1006 = tpu.memref_squeeze %dma_start3A_1005 : memref<1x128x32xf32, #tpu.memory_space<vmem>> -> memref<128x32xf32, #tpu.memory_space<vmem>>
    %dma_start3A_1007 = arith.constant 288 : i32
    %dma_start3A_1008 = tpu.memref_slice %arg4[%mul3A_884, %dma_start3A_1007] : memref<4096x832xf32, #tpu.memory_space<hbm>> -> memref<128x32xf32, #tpu.memory_space<hbm>>
    %dma_start3A_1009 = arith.constant 288 : i32
    %dma_start3A_1010 = tpu.memref_slice %arg4[%mul3A_884, %dma_start3A_1009] : memref<4096x832xf32, #tpu.memory_space<hbm>> -> memref<128x32xf32, #tpu.memory_space<hbm>>
    %dma_start3A_1011 = arith.constant 0 : i32
    %dma_start3A_1012 = arith.constant 0 : i32
    %dma_start3A_1013 = tpu.memref_slice %arg6[%dma_start3A_1002, %dma_start3A_1011, %dma_start3A_1012] : memref<26x128x32xf32, #tpu.memory_space<vmem>> -> memref<1x128x32xf32, #tpu.memory_space<vmem>>
    %dma_start3A_1014 = tpu.memref_squeeze %dma_start3A_1013 : memref<1x128x32xf32, #tpu.memory_space<vmem>> -> memref<128x32xf32, #tpu.memory_space<vmem>>
    tpu.enqueue_dma source(%dma_start3A_1014 : memref<128x32xf32, #tpu.memory_space<vmem>>) target(%dma_start3A_1010 : memref<128x32xf32, #tpu.memory_space<hbm>>) target_semaphore(%arg8 : memref<!tpu.dma_semaphore, #tpu.memory_space<semaphore_mem>>)
    %dma_start3A_1015 = arith.constant 10 : i32
    %dma_start3A_1016 = arith.constant 0 : i32
    %dma_start3A_1017 = arith.constant 0 : i32
    %dma_start3A_1018 = tpu.memref_slice %arg6[%dma_start3A_1015, %dma_start3A_1016, %dma_start3A_1017] : memref<26x128x32xf32, #tpu.memory_space<vmem>> -> memref<1x128x32xf32, #tpu.memory_space<vmem>>
    %dma_start3A_1019 = tpu.memref_squeeze %dma_start3A_1018 : memref<1x128x32xf32, #tpu.memory_space<vmem>> -> memref<128x32xf32, #tpu.memory_space<vmem>>
    %dma_start3A_1020 = arith.constant 320 : i32
    %dma_start3A_1021 = tpu.memref_slice %arg4[%mul3A_884, %dma_start3A_1020] : memref<4096x832xf32, #tpu.memory_space<hbm>> -> memref<128x32xf32, #tpu.memory_space<hbm>>
    %dma_start3A_1022 = arith.constant 320 : i32
    %dma_start3A_1023 = tpu.memref_slice %arg4[%mul3A_884, %dma_start3A_1022] : memref<4096x832xf32, #tpu.memory_space<hbm>> -> memref<128x32xf32, #tpu.memory_space<hbm>>
    %dma_start3A_1024 = arith.constant 0 : i32
    %dma_start3A_1025 = arith.constant 0 : i32
    %dma_start3A_1026 = tpu.memref_slice %arg6[%dma_start3A_1015, %dma_start3A_1024, %dma_start3A_1025] : memref<26x128x32xf32, #tpu.memory_space<vmem>> -> memref<1x128x32xf32, #tpu.memory_space<vmem>>
    %dma_start3A_1027 = tpu.memref_squeeze %dma_start3A_1026 : memref<1x128x32xf32, #tpu.memory_space<vmem>> -> memref<128x32xf32, #tpu.memory_space<vmem>>
    tpu.enqueue_dma source(%dma_start3A_1027 : memref<128x32xf32, #tpu.memory_space<vmem>>) target(%dma_start3A_1023 : memref<128x32xf32, #tpu.memory_space<hbm>>) target_semaphore(%arg8 : memref<!tpu.dma_semaphore, #tpu.memory_space<semaphore_mem>>)
    %dma_start3A_1028 = arith.constant 11 : i32
    %dma_start3A_1029 = arith.constant 0 : i32
    %dma_start3A_1030 = arith.constant 0 : i32
    %dma_start3A_1031 = tpu.memref_slice %arg6[%dma_start3A_1028, %dma_start3A_1029, %dma_start3A_1030] : memref<26x128x32xf32, #tpu.memory_space<vmem>> -> memref<1x128x32xf32, #tpu.memory_space<vmem>>
    %dma_start3A_1032 = tpu.memref_squeeze %dma_start3A_1031 : memref<1x128x32xf32, #tpu.memory_space<vmem>> -> memref<128x32xf32, #tpu.memory_space<vmem>>
    %dma_start3A_1033 = arith.constant 352 : i32
    %dma_start3A_1034 = tpu.memref_slice %arg4[%mul3A_884, %dma_start3A_1033] : memref<4096x832xf32, #tpu.memory_space<hbm>> -> memref<128x32xf32, #tpu.memory_space<hbm>>
    %dma_start3A_1035 = arith.constant 352 : i32
    %dma_start3A_1036 = tpu.memref_slice %arg4[%mul3A_884, %dma_start3A_1035] : memref<4096x832xf32, #tpu.memory_space<hbm>> -> memref<128x32xf32, #tpu.memory_space<hbm>>
    %dma_start3A_1037 = arith.constant 0 : i32
    %dma_start3A_1038 = arith.constant 0 : i32
    %dma_start3A_1039 = tpu.memref_slice %arg6[%dma_start3A_1028, %dma_start3A_1037, %dma_start3A_1038] : memref<26x128x32xf32, #tpu.memory_space<vmem>> -> memref<1x128x32xf32, #tpu.memory_space<vmem>>
    %dma_start3A_1040 = tpu.memref_squeeze %dma_start3A_1039 : memref<1x128x32xf32, #tpu.memory_space<vmem>> -> memref<128x32xf32, #tpu.memory_space<vmem>>
    tpu.enqueue_dma source(%dma_start3A_1040 : memref<128x32xf32, #tpu.memory_space<vmem>>) target(%dma_start3A_1036 : memref<128x32xf32, #tpu.memory_space<hbm>>) target_semaphore(%arg8 : memref<!tpu.dma_semaphore, #tpu.memory_space<semaphore_mem>>)
    %dma_start3A_1041 = arith.constant 12 : i32
    %dma_start3A_1042 = arith.constant 0 : i32
    %dma_start3A_1043 = arith.constant 0 : i32
    %dma_start3A_1044 = tpu.memref_slice %arg6[%dma_start3A_1041, %dma_start3A_1042, %dma_start3A_1043] : memref<26x128x32xf32, #tpu.memory_space<vmem>> -> memref<1x128x32xf32, #tpu.memory_space<vmem>>
    %dma_start3A_1045 = tpu.memref_squeeze %dma_start3A_1044 : memref<1x128x32xf32, #tpu.memory_space<vmem>> -> memref<128x32xf32, #tpu.memory_space<vmem>>
    %dma_start3A_1046 = arith.constant 384 : i32
    %dma_start3A_1047 = tpu.memref_slice %arg4[%mul3A_884, %dma_start3A_1046] : memref<4096x832xf32, #tpu.memory_space<hbm>> -> memref<128x32xf32, #tpu.memory_space<hbm>>
    %dma_start3A_1048 = arith.constant 384 : i32
    %dma_start3A_1049 = tpu.memref_slice %arg4[%mul3A_884, %dma_start3A_1048] : memref<4096x832xf32, #tpu.memory_space<hbm>> -> memref<128x32xf32, #tpu.memory_space<hbm>>
    %dma_start3A_1050 = arith.constant 0 : i32
    %dma_start3A_1051 = arith.constant 0 : i32
    %dma_start3A_1052 = tpu.memref_slice %arg6[%dma_start3A_1041, %dma_start3A_1050, %dma_start3A_1051] : memref<26x128x32xf32, #tpu.memory_space<vmem>> -> memref<1x128x32xf32, #tpu.memory_space<vmem>>
    %dma_start3A_1053 = tpu.memref_squeeze %dma_start3A_1052 : memref<1x128x32xf32, #tpu.memory_space<vmem>> -> memref<128x32xf32, #tpu.memory_space<vmem>>
    tpu.enqueue_dma source(%dma_start3A_1053 : memref<128x32xf32, #tpu.memory_space<vmem>>) target(%dma_start3A_1049 : memref<128x32xf32, #tpu.memory_space<hbm>>) target_semaphore(%arg8 : memref<!tpu.dma_semaphore, #tpu.memory_space<semaphore_mem>>)
    %dma_start3A_1054 = arith.constant 13 : i32
    %dma_start3A_1055 = arith.constant 0 : i32
    %dma_start3A_1056 = arith.constant 0 : i32
    %dma_start3A_1057 = tpu.memref_slice %arg6[%dma_start3A_1054, %dma_start3A_1055, %dma_start3A_1056] : memref<26x128x32xf32, #tpu.memory_space<vmem>> -> memref<1x128x32xf32, #tpu.memory_space<vmem>>
    %dma_start3A_1058 = tpu.memref_squeeze %dma_start3A_1057 : memref<1x128x32xf32, #tpu.memory_space<vmem>> -> memref<128x32xf32, #tpu.memory_space<vmem>>
    %dma_start3A_1059 = arith.constant 416 : i32
    %dma_start3A_1060 = tpu.memref_slice %arg4[%mul3A_884, %dma_start3A_1059] : memref<4096x832xf32, #tpu.memory_space<hbm>> -> memref<128x32xf32, #tpu.memory_space<hbm>>
    %dma_start3A_1061 = arith.constant 416 : i32
    %dma_start3A_1062 = tpu.memref_slice %arg4[%mul3A_884, %dma_start3A_1061] : memref<4096x832xf32, #tpu.memory_space<hbm>> -> memref<128x32xf32, #tpu.memory_space<hbm>>
    %dma_start3A_1063 = arith.constant 0 : i32
    %dma_start3A_1064 = arith.constant 0 : i32
    %dma_start3A_1065 = tpu.memref_slice %arg6[%dma_start3A_1054, %dma_start3A_1063, %dma_start3A_1064] : memref<26x128x32xf32, #tpu.memory_space<vmem>> -> memref<1x128x32xf32, #tpu.memory_space<vmem>>
    %dma_start3A_1066 = tpu.memref_squeeze %dma_start3A_1065 : memref<1x128x32xf32, #tpu.memory_space<vmem>> -> memref<128x32xf32, #tpu.memory_space<vmem>>
    tpu.enqueue_dma source(%dma_start3A_1066 : memref<128x32xf32, #tpu.memory_space<vmem>>) target(%dma_start3A_1062 : memref<128x32xf32, #tpu.memory_space<hbm>>) target_semaphore(%arg8 : memref<!tpu.dma_semaphore, #tpu.memory_space<semaphore_mem>>)
    %dma_start3A_1067 = arith.constant 14 : i32
    %dma_start3A_1068 = arith.constant 0 : i32
    %dma_start3A_1069 = arith.constant 0 : i32
    %dma_start3A_1070 = tpu.memref_slice %arg6[%dma_start3A_1067, %dma_start3A_1068, %dma_start3A_1069] : memref<26x128x32xf32, #tpu.memory_space<vmem>> -> memref<1x128x32xf32, #tpu.memory_space<vmem>>
    %dma_start3A_1071 = tpu.memref_squeeze %dma_start3A_1070 : memref<1x128x32xf32, #tpu.memory_space<vmem>> -> memref<128x32xf32, #tpu.memory_space<vmem>>
    %dma_start3A_1072 = arith.constant 448 : i32
    %dma_start3A_1073 = tpu.memref_slice %arg4[%mul3A_884, %dma_start3A_1072] : memref<4096x832xf32, #tpu.memory_space<hbm>> -> memref<128x32xf32, #tpu.memory_space<hbm>>
    %dma_start3A_1074 = arith.constant 448 : i32
    %dma_start3A_1075 = tpu.memref_slice %arg4[%mul3A_884, %dma_start3A_1074] : memref<4096x832xf32, #tpu.memory_space<hbm>> -> memref<128x32xf32, #tpu.memory_space<hbm>>
    %dma_start3A_1076 = arith.constant 0 : i32
    %dma_start3A_1077 = arith.constant 0 : i32
    %dma_start3A_1078 = tpu.memref_slice %arg6[%dma_start3A_1067, %dma_start3A_1076, %dma_start3A_1077] : memref<26x128x32xf32, #tpu.memory_space<vmem>> -> memref<1x128x32xf32, #tpu.memory_space<vmem>>
    %dma_start3A_1079 = tpu.memref_squeeze %dma_start3A_1078 : memref<1x128x32xf32, #tpu.memory_space<vmem>> -> memref<128x32xf32, #tpu.memory_space<vmem>>
    tpu.enqueue_dma source(%dma_start3A_1079 : memref<128x32xf32, #tpu.memory_space<vmem>>) target(%dma_start3A_1075 : memref<128x32xf32, #tpu.memory_space<hbm>>) target_semaphore(%arg8 : memref<!tpu.dma_semaphore, #tpu.memory_space<semaphore_mem>>)
    %dma_start3A_1080 = arith.constant 15 : i32
    %dma_start3A_1081 = arith.constant 0 : i32
    %dma_start3A_1082 = arith.constant 0 : i32
    %dma_start3A_1083 = tpu.memref_slice %arg6[%dma_start3A_1080, %dma_start3A_1081, %dma_start3A_1082] : memref<26x128x32xf32, #tpu.memory_space<vmem>> -> memref<1x128x32xf32, #tpu.memory_space<vmem>>
    %dma_start3A_1084 = tpu.memref_squeeze %dma_start3A_1083 : memref<1x128x32xf32, #tpu.memory_space<vmem>> -> memref<128x32xf32, #tpu.memory_space<vmem>>
    %dma_start3A_1085 = arith.constant 480 : i32
    %dma_start3A_1086 = tpu.memref_slice %arg4[%mul3A_884, %dma_start3A_1085] : memref<4096x832xf32, #tpu.memory_space<hbm>> -> memref<128x32xf32, #tpu.memory_space<hbm>>
    %dma_start3A_1087 = arith.constant 480 : i32
    %dma_start3A_1088 = tpu.memref_slice %arg4[%mul3A_884, %dma_start3A_1087] : memref<4096x832xf32, #tpu.memory_space<hbm>> -> memref<128x32xf32, #tpu.memory_space<hbm>>
    %dma_start3A_1089 = arith.constant 0 : i32
    %dma_start3A_1090 = arith.constant 0 : i32
    %dma_start3A_1091 = tpu.memref_slice %arg6[%dma_start3A_1080, %dma_start3A_1089, %dma_start3A_1090] : memref<26x128x32xf32, #tpu.memory_space<vmem>> -> memref<1x128x32xf32, #tpu.memory_space<vmem>>
    %dma_start3A_1092 = tpu.memref_squeeze %dma_start3A_1091 : memref<1x128x32xf32, #tpu.memory_space<vmem>> -> memref<128x32xf32, #tpu.memory_space<vmem>>
    tpu.enqueue_dma source(%dma_start3A_1092 : memref<128x32xf32, #tpu.memory_space<vmem>>) target(%dma_start3A_1088 : memref<128x32xf32, #tpu.memory_space<hbm>>) target_semaphore(%arg8 : memref<!tpu.dma_semaphore, #tpu.memory_space<semaphore_mem>>)
    %dma_start3A_1093 = arith.constant 16 : i32
    %dma_start3A_1094 = arith.constant 0 : i32
    %dma_start3A_1095 = arith.constant 0 : i32
    %dma_start3A_1096 = tpu.memref_slice %arg6[%dma_start3A_1093, %dma_start3A_1094, %dma_start3A_1095] : memref<26x128x32xf32, #tpu.memory_space<vmem>> -> memref<1x128x32xf32, #tpu.memory_space<vmem>>
    %dma_start3A_1097 = tpu.memref_squeeze %dma_start3A_1096 : memref<1x128x32xf32, #tpu.memory_space<vmem>> -> memref<128x32xf32, #tpu.memory_space<vmem>>
    %dma_start3A_1098 = arith.constant 512 : i32
    %dma_start3A_1099 = tpu.memref_slice %arg4[%mul3A_884, %dma_start3A_1098] : memref<4096x832xf32, #tpu.memory_space<hbm>> -> memref<128x32xf32, #tpu.memory_space<hbm>>
    %dma_start3A_1100 = arith.constant 512 : i32
    %dma_start3A_1101 = tpu.memref_slice %arg4[%mul3A_884, %dma_start3A_1100] : memref<4096x832xf32, #tpu.memory_space<hbm>> -> memref<128x32xf32, #tpu.memory_space<hbm>>
    %dma_start3A_1102 = arith.constant 0 : i32
    %dma_start3A_1103 = arith.constant 0 : i32
    %dma_start3A_1104 = tpu.memref_slice %arg6[%dma_start3A_1093, %dma_start3A_1102, %dma_start3A_1103] : memref<26x128x32xf32, #tpu.memory_space<vmem>> -> memref<1x128x32xf32, #tpu.memory_space<vmem>>
    %dma_start3A_1105 = tpu.memref_squeeze %dma_start3A_1104 : memref<1x128x32xf32, #tpu.memory_space<vmem>> -> memref<128x32xf32, #tpu.memory_space<vmem>>
    tpu.enqueue_dma source(%dma_start3A_1105 : memref<128x32xf32, #tpu.memory_space<vmem>>) target(%dma_start3A_1101 : memref<128x32xf32, #tpu.memory_space<hbm>>) target_semaphore(%arg8 : memref<!tpu.dma_semaphore, #tpu.memory_space<semaphore_mem>>)
    %dma_start3A_1106 = arith.constant 17 : i32
    %dma_start3A_1107 = arith.constant 0 : i32
    %dma_start3A_1108 = arith.constant 0 : i32
    %dma_start3A_1109 = tpu.memref_slice %arg6[%dma_start3A_1106, %dma_start3A_1107, %dma_start3A_1108] : memref<26x128x32xf32, #tpu.memory_space<vmem>> -> memref<1x128x32xf32, #tpu.memory_space<vmem>>
    %dma_start3A_1110 = tpu.memref_squeeze %dma_start3A_1109 : memref<1x128x32xf32, #tpu.memory_space<vmem>> -> memref<128x32xf32, #tpu.memory_space<vmem>>
    %dma_start3A_1111 = arith.constant 544 : i32
    %dma_start3A_1112 = tpu.memref_slice %arg4[%mul3A_884, %dma_start3A_1111] : memref<4096x832xf32, #tpu.memory_space<hbm>> -> memref<128x32xf32, #tpu.memory_space<hbm>>
    %dma_start3A_1113 = arith.constant 544 : i32
    %dma_start3A_1114 = tpu.memref_slice %arg4[%mul3A_884, %dma_start3A_1113] : memref<4096x832xf32, #tpu.memory_space<hbm>> -> memref<128x32xf32, #tpu.memory_space<hbm>>
    %dma_start3A_1115 = arith.constant 0 : i32
    %dma_start3A_1116 = arith.constant 0 : i32
    %dma_start3A_1117 = tpu.memref_slice %arg6[%dma_start3A_1106, %dma_start3A_1115, %dma_start3A_1116] : memref<26x128x32xf32, #tpu.memory_space<vmem>> -> memref<1x128x32xf32, #tpu.memory_space<vmem>>
    %dma_start3A_1118 = tpu.memref_squeeze %dma_start3A_1117 : memref<1x128x32xf32, #tpu.memory_space<vmem>> -> memref<128x32xf32, #tpu.memory_space<vmem>>
    tpu.enqueue_dma source(%dma_start3A_1118 : memref<128x32xf32, #tpu.memory_space<vmem>>) target(%dma_start3A_1114 : memref<128x32xf32, #tpu.memory_space<hbm>>) target_semaphore(%arg8 : memref<!tpu.dma_semaphore, #tpu.memory_space<semaphore_mem>>)
    %dma_start3A_1119 = arith.constant 18 : i32
    %dma_start3A_1120 = arith.constant 0 : i32
    %dma_start3A_1121 = arith.constant 0 : i32
    %dma_start3A_1122 = tpu.memref_slice %arg6[%dma_start3A_1119, %dma_start3A_1120, %dma_start3A_1121] : memref<26x128x32xf32, #tpu.memory_space<vmem>> -> memref<1x128x32xf32, #tpu.memory_space<vmem>>
    %dma_start3A_1123 = tpu.memref_squeeze %dma_start3A_1122 : memref<1x128x32xf32, #tpu.memory_space<vmem>> -> memref<128x32xf32, #tpu.memory_space<vmem>>
    %dma_start3A_1124 = arith.constant 576 : i32
    %dma_start3A_1125 = tpu.memref_slice %arg4[%mul3A_884, %dma_start3A_1124] : memref<4096x832xf32, #tpu.memory_space<hbm>> -> memref<128x32xf32, #tpu.memory_space<hbm>>
    %dma_start3A_1126 = arith.constant 576 : i32
    %dma_start3A_1127 = tpu.memref_slice %arg4[%mul3A_884, %dma_start3A_1126] : memref<4096x832xf32, #tpu.memory_space<hbm>> -> memref<128x32xf32, #tpu.memory_space<hbm>>
    %dma_start3A_1128 = arith.constant 0 : i32
    %dma_start3A_1129 = arith.constant 0 : i32
    %dma_start3A_1130 = tpu.memref_slice %arg6[%dma_start3A_1119, %dma_start3A_1128, %dma_start3A_1129] : memref<26x128x32xf32, #tpu.memory_space<vmem>> -> memref<1x128x32xf32, #tpu.memory_space<vmem>>
    %dma_start3A_1131 = tpu.memref_squeeze %dma_start3A_1130 : memref<1x128x32xf32, #tpu.memory_space<vmem>> -> memref<128x32xf32, #tpu.memory_space<vmem>>
    tpu.enqueue_dma source(%dma_start3A_1131 : memref<128x32xf32, #tpu.memory_space<vmem>>) target(%dma_start3A_1127 : memref<128x32xf32, #tpu.memory_space<hbm>>) target_semaphore(%arg8 : memref<!tpu.dma_semaphore, #tpu.memory_space<semaphore_mem>>)
    %dma_start3A_1132 = arith.constant 19 : i32
    %dma_start3A_1133 = arith.constant 0 : i32
    %dma_start3A_1134 = arith.constant 0 : i32
    %dma_start3A_1135 = tpu.memref_slice %arg6[%dma_start3A_1132, %dma_start3A_1133, %dma_start3A_1134] : memref<26x128x32xf32, #tpu.memory_space<vmem>> -> memref<1x128x32xf32, #tpu.memory_space<vmem>>
    %dma_start3A_1136 = tpu.memref_squeeze %dma_start3A_1135 : memref<1x128x32xf32, #tpu.memory_space<vmem>> -> memref<128x32xf32, #tpu.memory_space<vmem>>
    %dma_start3A_1137 = arith.constant 608 : i32
    %dma_start3A_1138 = tpu.memref_slice %arg4[%mul3A_884, %dma_start3A_1137] : memref<4096x832xf32, #tpu.memory_space<hbm>> -> memref<128x32xf32, #tpu.memory_space<hbm>>
    %dma_start3A_1139 = arith.constant 608 : i32
    %dma_start3A_1140 = tpu.memref_slice %arg4[%mul3A_884, %dma_start3A_1139] : memref<4096x832xf32, #tpu.memory_space<hbm>> -> memref<128x32xf32, #tpu.memory_space<hbm>>
    %dma_start3A_1141 = arith.constant 0 : i32
    %dma_start3A_1142 = arith.constant 0 : i32
    %dma_start3A_1143 = tpu.memref_slice %arg6[%dma_start3A_1132, %dma_start3A_1141, %dma_start3A_1142] : memref<26x128x32xf32, #tpu.memory_space<vmem>> -> memref<1x128x32xf32, #tpu.memory_space<vmem>>
    %dma_start3A_1144 = tpu.memref_squeeze %dma_start3A_1143 : memref<1x128x32xf32, #tpu.memory_space<vmem>> -> memref<128x32xf32, #tpu.memory_space<vmem>>
    tpu.enqueue_dma source(%dma_start3A_1144 : memref<128x32xf32, #tpu.memory_space<vmem>>) target(%dma_start3A_1140 : memref<128x32xf32, #tpu.memory_space<hbm>>) target_semaphore(%arg8 : memref<!tpu.dma_semaphore, #tpu.memory_space<semaphore_mem>>)
    %dma_start3A_1145 = arith.constant 20 : i32
    %dma_start3A_1146 = arith.constant 0 : i32
    %dma_start3A_1147 = arith.constant 0 : i32
    %dma_start3A_1148 = tpu.memref_slice %arg6[%dma_start3A_1145, %dma_start3A_1146, %dma_start3A_1147] : memref<26x128x32xf32, #tpu.memory_space<vmem>> -> memref<1x128x32xf32, #tpu.memory_space<vmem>>
    %dma_start3A_1149 = tpu.memref_squeeze %dma_start3A_1148 : memref<1x128x32xf32, #tpu.memory_space<vmem>> -> memref<128x32xf32, #tpu.memory_space<vmem>>
    %dma_start3A_1150 = arith.constant 640 : i32
    %dma_start3A_1151 = tpu.memref_slice %arg4[%mul3A_884, %dma_start3A_1150] : memref<4096x832xf32, #tpu.memory_space<hbm>> -> memref<128x32xf32, #tpu.memory_space<hbm>>
    %dma_start3A_1152 = arith.constant 640 : i32
    %dma_start3A_1153 = tpu.memref_slice %arg4[%mul3A_884, %dma_start3A_1152] : memref<4096x832xf32, #tpu.memory_space<hbm>> -> memref<128x32xf32, #tpu.memory_space<hbm>>
    %dma_start3A_1154 = arith.constant 0 : i32
    %dma_start3A_1155 = arith.constant 0 : i32
    %dma_start3A_1156 = tpu.memref_slice %arg6[%dma_start3A_1145, %dma_start3A_1154, %dma_start3A_1155] : memref<26x128x32xf32, #tpu.memory_space<vmem>> -> memref<1x128x32xf32, #tpu.memory_space<vmem>>
    %dma_start3A_1157 = tpu.memref_squeeze %dma_start3A_1156 : memref<1x128x32xf32, #tpu.memory_space<vmem>> -> memref<128x32xf32, #tpu.memory_space<vmem>>
    tpu.enqueue_dma source(%dma_start3A_1157 : memref<128x32xf32, #tpu.memory_space<vmem>>) target(%dma_start3A_1153 : memref<128x32xf32, #tpu.memory_space<hbm>>) target_semaphore(%arg8 : memref<!tpu.dma_semaphore, #tpu.memory_space<semaphore_mem>>)
    %dma_start3A_1158 = arith.constant 21 : i32
    %dma_start3A_1159 = arith.constant 0 : i32
    %dma_start3A_1160 = arith.constant 0 : i32
    %dma_start3A_1161 = tpu.memref_slice %arg6[%dma_start3A_1158, %dma_start3A_1159, %dma_start3A_1160] : memref<26x128x32xf32, #tpu.memory_space<vmem>> -> memref<1x128x32xf32, #tpu.memory_space<vmem>>
    %dma_start3A_1162 = tpu.memref_squeeze %dma_start3A_1161 : memref<1x128x32xf32, #tpu.memory_space<vmem>> -> memref<128x32xf32, #tpu.memory_space<vmem>>
    %dma_start3A_1163 = arith.constant 672 : i32
    %dma_start3A_1164 = tpu.memref_slice %arg4[%mul3A_884, %dma_start3A_1163] : memref<4096x832xf32, #tpu.memory_space<hbm>> -> memref<128x32xf32, #tpu.memory_space<hbm>>
    %dma_start3A_1165 = arith.constant 672 : i32
    %dma_start3A_1166 = tpu.memref_slice %arg4[%mul3A_884, %dma_start3A_1165] : memref<4096x832xf32, #tpu.memory_space<hbm>> -> memref<128x32xf32, #tpu.memory_space<hbm>>
    %dma_start3A_1167 = arith.constant 0 : i32
    %dma_start3A_1168 = arith.constant 0 : i32
    %dma_start3A_1169 = tpu.memref_slice %arg6[%dma_start3A_1158, %dma_start3A_1167, %dma_start3A_1168] : memref<26x128x32xf32, #tpu.memory_space<vmem>> -> memref<1x128x32xf32, #tpu.memory_space<vmem>>
    %dma_start3A_1170 = tpu.memref_squeeze %dma_start3A_1169 : memref<1x128x32xf32, #tpu.memory_space<vmem>> -> memref<128x32xf32, #tpu.memory_space<vmem>>
    tpu.enqueue_dma source(%dma_start3A_1170 : memref<128x32xf32, #tpu.memory_space<vmem>>) target(%dma_start3A_1166 : memref<128x32xf32, #tpu.memory_space<hbm>>) target_semaphore(%arg8 : memref<!tpu.dma_semaphore, #tpu.memory_space<semaphore_mem>>)
    %dma_start3A_1171 = arith.constant 22 : i32
    %dma_start3A_1172 = arith.constant 0 : i32
    %dma_start3A_1173 = arith.constant 0 : i32
    %dma_start3A_1174 = tpu.memref_slice %arg6[%dma_start3A_1171, %dma_start3A_1172, %dma_start3A_1173] : memref<26x128x32xf32, #tpu.memory_space<vmem>> -> memref<1x128x32xf32, #tpu.memory_space<vmem>>
    %dma_start3A_1175 = tpu.memref_squeeze %dma_start3A_1174 : memref<1x128x32xf32, #tpu.memory_space<vmem>> -> memref<128x32xf32, #tpu.memory_space<vmem>>
    %dma_start3A_1176 = arith.constant 704 : i32
    %dma_start3A_1177 = tpu.memref_slice %arg4[%mul3A_884, %dma_start3A_1176] : memref<4096x832xf32, #tpu.memory_space<hbm>> -> memref<128x32xf32, #tpu.memory_space<hbm>>
    %dma_start3A_1178 = arith.constant 704 : i32
    %dma_start3A_1179 = tpu.memref_slice %arg4[%mul3A_884, %dma_start3A_1178] : memref<4096x832xf32, #tpu.memory_space<hbm>> -> memref<128x32xf32, #tpu.memory_space<hbm>>
    %dma_start3A_1180 = arith.constant 0 : i32
    %dma_start3A_1181 = arith.constant 0 : i32
    %dma_start3A_1182 = tpu.memref_slice %arg6[%dma_start3A_1171, %dma_start3A_1180, %dma_start3A_1181] : memref<26x128x32xf32, #tpu.memory_space<vmem>> -> memref<1x128x32xf32, #tpu.memory_space<vmem>>
    %dma_start3A_1183 = tpu.memref_squeeze %dma_start3A_1182 : memref<1x128x32xf32, #tpu.memory_space<vmem>> -> memref<128x32xf32, #tpu.memory_space<vmem>>
    tpu.enqueue_dma source(%dma_start3A_1183 : memref<128x32xf32, #tpu.memory_space<vmem>>) target(%dma_start3A_1179 : memref<128x32xf32, #tpu.memory_space<hbm>>) target_semaphore(%arg8 : memref<!tpu.dma_semaphore, #tpu.memory_space<semaphore_mem>>)
    %dma_start3A_1184 = arith.constant 23 : i32
    %dma_start3A_1185 = arith.constant 0 : i32
    %dma_start3A_1186 = arith.constant 0 : i32
    %dma_start3A_1187 = tpu.memref_slice %arg6[%dma_start3A_1184, %dma_start3A_1185, %dma_start3A_1186] : memref<26x128x32xf32, #tpu.memory_space<vmem>> -> memref<1x128x32xf32, #tpu.memory_space<vmem>>
    %dma_start3A_1188 = tpu.memref_squeeze %dma_start3A_1187 : memref<1x128x32xf32, #tpu.memory_space<vmem>> -> memref<128x32xf32, #tpu.memory_space<vmem>>
    %dma_start3A_1189 = arith.constant 736 : i32
    %dma_start3A_1190 = tpu.memref_slice %arg4[%mul3A_884, %dma_start3A_1189] : memref<4096x832xf32, #tpu.memory_space<hbm>> -> memref<128x32xf32, #tpu.memory_space<hbm>>
    %dma_start3A_1191 = arith.constant 736 : i32
    %dma_start3A_1192 = tpu.memref_slice %arg4[%mul3A_884, %dma_start3A_1191] : memref<4096x832xf32, #tpu.memory_space<hbm>> -> memref<128x32xf32, #tpu.memory_space<hbm>>
    %dma_start3A_1193 = arith.constant 0 : i32
    %dma_start3A_1194 = arith.constant 0 : i32
    %dma_start3A_1195 = tpu.memref_slice %arg6[%dma_start3A_1184, %dma_start3A_1193, %dma_start3A_1194] : memref<26x128x32xf32, #tpu.memory_space<vmem>> -> memref<1x128x32xf32, #tpu.memory_space<vmem>>
    %dma_start3A_1196 = tpu.memref_squeeze %dma_start3A_1195 : memref<1x128x32xf32, #tpu.memory_space<vmem>> -> memref<128x32xf32, #tpu.memory_space<vmem>>
    tpu.enqueue_dma source(%dma_start3A_1196 : memref<128x32xf32, #tpu.memory_space<vmem>>) target(%dma_start3A_1192 : memref<128x32xf32, #tpu.memory_space<hbm>>) target_semaphore(%arg8 : memref<!tpu.dma_semaphore, #tpu.memory_space<semaphore_mem>>)
    %dma_start3A_1197 = arith.constant 24 : i32
    %dma_start3A_1198 = arith.constant 0 : i32
    %dma_start3A_1199 = arith.constant 0 : i32
    %dma_start3A_1200 = tpu.memref_slice %arg6[%dma_start3A_1197, %dma_start3A_1198, %dma_start3A_1199] : memref<26x128x32xf32, #tpu.memory_space<vmem>> -> memref<1x128x32xf32, #tpu.memory_space<vmem>>
    %dma_start3A_1201 = tpu.memref_squeeze %dma_start3A_1200 : memref<1x128x32xf32, #tpu.memory_space<vmem>> -> memref<128x32xf32, #tpu.memory_space<vmem>>
    %dma_start3A_1202 = arith.constant 768 : i32
    %dma_start3A_1203 = tpu.memref_slice %arg4[%mul3A_884, %dma_start3A_1202] : memref<4096x832xf32, #tpu.memory_space<hbm>> -> memref<128x32xf32, #tpu.memory_space<hbm>>
    %dma_start3A_1204 = arith.constant 768 : i32
    %dma_start3A_1205 = tpu.memref_slice %arg4[%mul3A_884, %dma_start3A_1204] : memref<4096x832xf32, #tpu.memory_space<hbm>> -> memref<128x32xf32, #tpu.memory_space<hbm>>
    %dma_start3A_1206 = arith.constant 0 : i32
    %dma_start3A_1207 = arith.constant 0 : i32
    %dma_start3A_1208 = tpu.memref_slice %arg6[%dma_start3A_1197, %dma_start3A_1206, %dma_start3A_1207] : memref<26x128x32xf32, #tpu.memory_space<vmem>> -> memref<1x128x32xf32, #tpu.memory_space<vmem>>
    %dma_start3A_1209 = tpu.memref_squeeze %dma_start3A_1208 : memref<1x128x32xf32, #tpu.memory_space<vmem>> -> memref<128x32xf32, #tpu.memory_space<vmem>>
    tpu.enqueue_dma source(%dma_start3A_1209 : memref<128x32xf32, #tpu.memory_space<vmem>>) target(%dma_start3A_1205 : memref<128x32xf32, #tpu.memory_space<hbm>>) target_semaphore(%arg8 : memref<!tpu.dma_semaphore, #tpu.memory_space<semaphore_mem>>)
    %dma_start3A_1210 = arith.constant 25 : i32
    %dma_start3A_1211 = arith.constant 0 : i32
    %dma_start3A_1212 = arith.constant 0 : i32
    %dma_start3A_1213 = tpu.memref_slice %arg6[%dma_start3A_1210, %dma_start3A_1211, %dma_start3A_1212] : memref<26x128x32xf32, #tpu.memory_space<vmem>> -> memref<1x128x32xf32, #tpu.memory_space<vmem>>
    %dma_start3A_1214 = tpu.memref_squeeze %dma_start3A_1213 : memref<1x128x32xf32, #tpu.memory_space<vmem>> -> memref<128x32xf32, #tpu.memory_space<vmem>>
    %dma_start3A_1215 = arith.constant 800 : i32
    %dma_start3A_1216 = tpu.memref_slice %arg4[%mul3A_884, %dma_start3A_1215] : memref<4096x832xf32, #tpu.memory_space<hbm>> -> memref<128x32xf32, #tpu.memory_space<hbm>>
    %dma_start3A_1217 = arith.constant 800 : i32
    %dma_start3A_1218 = tpu.memref_slice %arg4[%mul3A_884, %dma_start3A_1217] : memref<4096x832xf32, #tpu.memory_space<hbm>> -> memref<128x32xf32, #tpu.memory_space<hbm>>
    %dma_start3A_1219 = arith.constant 0 : i32
    %dma_start3A_1220 = arith.constant 0 : i32
    %dma_start3A_1221 = tpu.memref_slice %arg6[%dma_start3A_1210, %dma_start3A_1219, %dma_start3A_1220] : memref<26x128x32xf32, #tpu.memory_space<vmem>> -> memref<1x128x32xf32, #tpu.memory_space<vmem>>
    %dma_start3A_1222 = tpu.memref_squeeze %dma_start3A_1221 : memref<1x128x32xf32, #tpu.memory_space<vmem>> -> memref<128x32xf32, #tpu.memory_space<vmem>>
    tpu.enqueue_dma source(%dma_start3A_1222 : memref<128x32xf32, #tpu.memory_space<vmem>>) target(%dma_start3A_1218 : memref<128x32xf32, #tpu.memory_space<hbm>>) target_semaphore(%arg8 : memref<!tpu.dma_semaphore, #tpu.memory_space<semaphore_mem>>)
    %dma_wait3A_1223 = arith.constant 0 : i32
    %dma_wait3A_1224 = arith.constant 0 : i32
    %dma_wait3A_1225 = arith.constant 0 : i32
    %dma_wait3A_1226 = tpu.memref_slice %arg6[%dma_wait3A_1223, %dma_wait3A_1224, %dma_wait3A_1225] : memref<26x128x32xf32, #tpu.memory_space<vmem>> -> memref<1x128x32xf32, #tpu.memory_space<vmem>>
    %dma_wait3A_1227 = tpu.memref_squeeze %dma_wait3A_1226 : memref<1x128x32xf32, #tpu.memory_space<vmem>> -> memref<128x32xf32, #tpu.memory_space<vmem>>
    %dma_wait3A_1228 = arith.constant 0 : i32
    %dma_wait3A_1229 = tpu.memref_slice %arg4[%mul3A_884, %dma_wait3A_1228] : memref<4096x832xf32, #tpu.memory_space<hbm>> -> memref<128x32xf32, #tpu.memory_space<hbm>>
    %dma_wait3A_1230 = arith.constant 0 : i32
    %dma_wait3A_1231 = tpu.memref_slice %arg4[%mul3A_884, %dma_wait3A_1230] : memref<4096x832xf32, #tpu.memory_space<hbm>> -> memref<128x32xf32, #tpu.memory_space<hbm>>
    %dma_wait3A_1232 = arith.constant 0 : i32
    %dma_wait3A_1233 = arith.constant 0 : i32
    %dma_wait3A_1234 = tpu.memref_slice %arg6[%dma_wait3A_1223, %dma_wait3A_1232, %dma_wait3A_1233] : memref<26x128x32xf32, #tpu.memory_space<vmem>> -> memref<1x128x32xf32, #tpu.memory_space<vmem>>
    %dma_wait3A_1235 = tpu.memref_squeeze %dma_wait3A_1234 : memref<1x128x32xf32, #tpu.memory_space<vmem>> -> memref<128x32xf32, #tpu.memory_space<vmem>>
    tpu.wait_dma2 semaphore(%arg8 : memref<!tpu.dma_semaphore, #tpu.memory_space<semaphore_mem>>) src(%dma_wait3A_1235 : memref<128x32xf32, #tpu.memory_space<vmem>>) dst(%dma_wait3A_1231 : memref<128x32xf32, #tpu.memory_space<hbm>>)
    %dma_wait3A_1236 = arith.constant 1 : i32
    %dma_wait3A_1237 = arith.constant 0 : i32
    %dma_wait3A_1238 = arith.constant 0 : i32
    %dma_wait3A_1239 = tpu.memref_slice %arg6[%dma_wait3A_1236, %dma_wait3A_1237, %dma_wait3A_1238] : memref<26x128x32xf32, #tpu.memory_space<vmem>> -> memref<1x128x32xf32, #tpu.memory_space<vmem>>
    %dma_wait3A_1240 = tpu.memref_squeeze %dma_wait3A_1239 : memref<1x128x32xf32, #tpu.memory_space<vmem>> -> memref<128x32xf32, #tpu.memory_space<vmem>>
    %dma_wait3A_1241 = arith.constant 32 : i32
    %dma_wait3A_1242 = tpu.memref_slice %arg4[%mul3A_884, %dma_wait3A_1241] : memref<4096x832xf32, #tpu.memory_space<hbm>> -> memref<128x32xf32, #tpu.memory_space<hbm>>
    %dma_wait3A_1243 = arith.constant 32 : i32
    %dma_wait3A_1244 = tpu.memref_slice %arg4[%mul3A_884, %dma_wait3A_1243] : memref<4096x832xf32, #tpu.memory_space<hbm>> -> memref<128x32xf32, #tpu.memory_space<hbm>>
    %dma_wait3A_1245 = arith.constant 0 : i32
    %dma_wait3A_1246 = arith.constant 0 : i32
    %dma_wait3A_1247 = tpu.memref_slice %arg6[%dma_wait3A_1236, %dma_wait3A_1245, %dma_wait3A_1246] : memref<26x128x32xf32, #tpu.memory_space<vmem>> -> memref<1x128x32xf32, #tpu.memory_space<vmem>>
    %dma_wait3A_1248 = tpu.memref_squeeze %dma_wait3A_1247 : memref<1x128x32xf32, #tpu.memory_space<vmem>> -> memref<128x32xf32, #tpu.memory_space<vmem>>
    tpu.wait_dma2 semaphore(%arg8 : memref<!tpu.dma_semaphore, #tpu.memory_space<semaphore_mem>>) src(%dma_wait3A_1248 : memref<128x32xf32, #tpu.memory_space<vmem>>) dst(%dma_wait3A_1244 : memref<128x32xf32, #tpu.memory_space<hbm>>)
    %dma_wait3A_1249 = arith.constant 2 : i32
    %dma_wait3A_1250 = arith.constant 0 : i32
    %dma_wait3A_1251 = arith.constant 0 : i32
    %dma_wait3A_1252 = tpu.memref_slice %arg6[%dma_wait3A_1249, %dma_wait3A_1250, %dma_wait3A_1251] : memref<26x128x32xf32, #tpu.memory_space<vmem>> -> memref<1x128x32xf32, #tpu.memory_space<vmem>>
    %dma_wait3A_1253 = tpu.memref_squeeze %dma_wait3A_1252 : memref<1x128x32xf32, #tpu.memory_space<vmem>> -> memref<128x32xf32, #tpu.memory_space<vmem>>
    %dma_wait3A_1254 = arith.constant 64 : i32
    %dma_wait3A_1255 = tpu.memref_slice %arg4[%mul3A_884, %dma_wait3A_1254] : memref<4096x832xf32, #tpu.memory_space<hbm>> -> memref<128x32xf32, #tpu.memory_space<hbm>>
    %dma_wait3A_1256 = arith.constant 64 : i32
    %dma_wait3A_1257 = tpu.memref_slice %arg4[%mul3A_884, %dma_wait3A_1256] : memref<4096x832xf32, #tpu.memory_space<hbm>> -> memref<128x32xf32, #tpu.memory_space<hbm>>
    %dma_wait3A_1258 = arith.constant 0 : i32
    %dma_wait3A_1259 = arith.constant 0 : i32
    %dma_wait3A_1260 = tpu.memref_slice %arg6[%dma_wait3A_1249, %dma_wait3A_1258, %dma_wait3A_1259] : memref<26x128x32xf32, #tpu.memory_space<vmem>> -> memref<1x128x32xf32, #tpu.memory_space<vmem>>
    %dma_wait3A_1261 = tpu.memref_squeeze %dma_wait3A_1260 : memref<1x128x32xf32, #tpu.memory_space<vmem>> -> memref<128x32xf32, #tpu.memory_space<vmem>>
    tpu.wait_dma2 semaphore(%arg8 : memref<!tpu.dma_semaphore, #tpu.memory_space<semaphore_mem>>) src(%dma_wait3A_1261 : memref<128x32xf32, #tpu.memory_space<vmem>>) dst(%dma_wait3A_1257 : memref<128x32xf32, #tpu.memory_space<hbm>>)
    %dma_wait3A_1262 = arith.constant 3 : i32
    %dma_wait3A_1263 = arith.constant 0 : i32
    %dma_wait3A_1264 = arith.constant 0 : i32
    %dma_wait3A_1265 = tpu.memref_slice %arg6[%dma_wait3A_1262, %dma_wait3A_1263, %dma_wait3A_1264] : memref<26x128x32xf32, #tpu.memory_space<vmem>> -> memref<1x128x32xf32, #tpu.memory_space<vmem>>
    %dma_wait3A_1266 = tpu.memref_squeeze %dma_wait3A_1265 : memref<1x128x32xf32, #tpu.memory_space<vmem>> -> memref<128x32xf32, #tpu.memory_space<vmem>>
    %dma_wait3A_1267 = arith.constant 96 : i32
    %dma_wait3A_1268 = tpu.memref_slice %arg4[%mul3A_884, %dma_wait3A_1267] : memref<4096x832xf32, #tpu.memory_space<hbm>> -> memref<128x32xf32, #tpu.memory_space<hbm>>
    %dma_wait3A_1269 = arith.constant 96 : i32
    %dma_wait3A_1270 = tpu.memref_slice %arg4[%mul3A_884, %dma_wait3A_1269] : memref<4096x832xf32, #tpu.memory_space<hbm>> -> memref<128x32xf32, #tpu.memory_space<hbm>>
    %dma_wait3A_1271 = arith.constant 0 : i32
    %dma_wait3A_1272 = arith.constant 0 : i32
    %dma_wait3A_1273 = tpu.memref_slice %arg6[%dma_wait3A_1262, %dma_wait3A_1271, %dma_wait3A_1272] : memref<26x128x32xf32, #tpu.memory_space<vmem>> -> memref<1x128x32xf32, #tpu.memory_space<vmem>>
    %dma_wait3A_1274 = tpu.memref_squeeze %dma_wait3A_1273 : memref<1x128x32xf32, #tpu.memory_space<vmem>> -> memref<128x32xf32, #tpu.memory_space<vmem>>
    tpu.wait_dma2 semaphore(%arg8 : memref<!tpu.dma_semaphore, #tpu.memory_space<semaphore_mem>>) src(%dma_wait3A_1274 : memref<128x32xf32, #tpu.memory_space<vmem>>) dst(%dma_wait3A_1270 : memref<128x32xf32, #tpu.memory_space<hbm>>)
    %dma_wait3A_1275 = arith.constant 4 : i32
    %dma_wait3A_1276 = arith.constant 0 : i32
    %dma_wait3A_1277 = arith.constant 0 : i32
    %dma_wait3A_1278 = tpu.memref_slice %arg6[%dma_wait3A_1275, %dma_wait3A_1276, %dma_wait3A_1277] : memref<26x128x32xf32, #tpu.memory_space<vmem>> -> memref<1x128x32xf32, #tpu.memory_space<vmem>>
    %dma_wait3A_1279 = tpu.memref_squeeze %dma_wait3A_1278 : memref<1x128x32xf32, #tpu.memory_space<vmem>> -> memref<128x32xf32, #tpu.memory_space<vmem>>
    %dma_wait3A_1280 = arith.constant 128 : i32
    %dma_wait3A_1281 = tpu.memref_slice %arg4[%mul3A_884, %dma_wait3A_1280] : memref<4096x832xf32, #tpu.memory_space<hbm>> -> memref<128x32xf32, #tpu.memory_space<hbm>>
    %dma_wait3A_1282 = arith.constant 128 : i32
    %dma_wait3A_1283 = tpu.memref_slice %arg4[%mul3A_884, %dma_wait3A_1282] : memref<4096x832xf32, #tpu.memory_space<hbm>> -> memref<128x32xf32, #tpu.memory_space<hbm>>
    %dma_wait3A_1284 = arith.constant 0 : i32
    %dma_wait3A_1285 = arith.constant 0 : i32
    %dma_wait3A_1286 = tpu.memref_slice %arg6[%dma_wait3A_1275, %dma_wait3A_1284, %dma_wait3A_1285] : memref<26x128x32xf32, #tpu.memory_space<vmem>> -> memref<1x128x32xf32, #tpu.memory_space<vmem>>
    %dma_wait3A_1287 = tpu.memref_squeeze %dma_wait3A_1286 : memref<1x128x32xf32, #tpu.memory_space<vmem>> -> memref<128x32xf32, #tpu.memory_space<vmem>>
    tpu.wait_dma2 semaphore(%arg8 : memref<!tpu.dma_semaphore, #tpu.memory_space<semaphore_mem>>) src(%dma_wait3A_1287 : memref<128x32xf32, #tpu.memory_space<vmem>>) dst(%dma_wait3A_1283 : memref<128x32xf32, #tpu.memory_space<hbm>>)
    %dma_wait3A_1288 = arith.constant 5 : i32
    %dma_wait3A_1289 = arith.constant 0 : i32
    %dma_wait3A_1290 = arith.constant 0 : i32
    %dma_wait3A_1291 = tpu.memref_slice %arg6[%dma_wait3A_1288, %dma_wait3A_1289, %dma_wait3A_1290] : memref<26x128x32xf32, #tpu.memory_space<vmem>> -> memref<1x128x32xf32, #tpu.memory_space<vmem>>
    %dma_wait3A_1292 = tpu.memref_squeeze %dma_wait3A_1291 : memref<1x128x32xf32, #tpu.memory_space<vmem>> -> memref<128x32xf32, #tpu.memory_space<vmem>>
    %dma_wait3A_1293 = arith.constant 160 : i32
    %dma_wait3A_1294 = tpu.memref_slice %arg4[%mul3A_884, %dma_wait3A_1293] : memref<4096x832xf32, #tpu.memory_space<hbm>> -> memref<128x32xf32, #tpu.memory_space<hbm>>
    %dma_wait3A_1295 = arith.constant 160 : i32
    %dma_wait3A_1296 = tpu.memref_slice %arg4[%mul3A_884, %dma_wait3A_1295] : memref<4096x832xf32, #tpu.memory_space<hbm>> -> memref<128x32xf32, #tpu.memory_space<hbm>>
    %dma_wait3A_1297 = arith.constant 0 : i32
    %dma_wait3A_1298 = arith.constant 0 : i32
    %dma_wait3A_1299 = tpu.memref_slice %arg6[%dma_wait3A_1288, %dma_wait3A_1297, %dma_wait3A_1298] : memref<26x128x32xf32, #tpu.memory_space<vmem>> -> memref<1x128x32xf32, #tpu.memory_space<vmem>>
    %dma_wait3A_1300 = tpu.memref_squeeze %dma_wait3A_1299 : memref<1x128x32xf32, #tpu.memory_space<vmem>> -> memref<128x32xf32, #tpu.memory_space<vmem>>
    tpu.wait_dma2 semaphore(%arg8 : memref<!tpu.dma_semaphore, #tpu.memory_space<semaphore_mem>>) src(%dma_wait3A_1300 : memref<128x32xf32, #tpu.memory_space<vmem>>) dst(%dma_wait3A_1296 : memref<128x32xf32, #tpu.memory_space<hbm>>)
    %dma_wait3A_1301 = arith.constant 6 : i32
    %dma_wait3A_1302 = arith.constant 0 : i32
    %dma_wait3A_1303 = arith.constant 0 : i32
    %dma_wait3A_1304 = tpu.memref_slice %arg6[%dma_wait3A_1301, %dma_wait3A_1302, %dma_wait3A_1303] : memref<26x128x32xf32, #tpu.memory_space<vmem>> -> memref<1x128x32xf32, #tpu.memory_space<vmem>>
    %dma_wait3A_1305 = tpu.memref_squeeze %dma_wait3A_1304 : memref<1x128x32xf32, #tpu.memory_space<vmem>> -> memref<128x32xf32, #tpu.memory_space<vmem>>
    %dma_wait3A_1306 = arith.constant 192 : i32
    %dma_wait3A_1307 = tpu.memref_slice %arg4[%mul3A_884, %dma_wait3A_1306] : memref<4096x832xf32, #tpu.memory_space<hbm>> -> memref<128x32xf32, #tpu.memory_space<hbm>>
    %dma_wait3A_1308 = arith.constant 192 : i32
    %dma_wait3A_1309 = tpu.memref_slice %arg4[%mul3A_884, %dma_wait3A_1308] : memref<4096x832xf32, #tpu.memory_space<hbm>> -> memref<128x32xf32, #tpu.memory_space<hbm>>
    %dma_wait3A_1310 = arith.constant 0 : i32
    %dma_wait3A_1311 = arith.constant 0 : i32
    %dma_wait3A_1312 = tpu.memref_slice %arg6[%dma_wait3A_1301, %dma_wait3A_1310, %dma_wait3A_1311] : memref<26x128x32xf32, #tpu.memory_space<vmem>> -> memref<1x128x32xf32, #tpu.memory_space<vmem>>
    %dma_wait3A_1313 = tpu.memref_squeeze %dma_wait3A_1312 : memref<1x128x32xf32, #tpu.memory_space<vmem>> -> memref<128x32xf32, #tpu.memory_space<vmem>>
    tpu.wait_dma2 semaphore(%arg8 : memref<!tpu.dma_semaphore, #tpu.memory_space<semaphore_mem>>) src(%dma_wait3A_1313 : memref<128x32xf32, #tpu.memory_space<vmem>>) dst(%dma_wait3A_1309 : memref<128x32xf32, #tpu.memory_space<hbm>>)
    %dma_wait3A_1314 = arith.constant 7 : i32
    %dma_wait3A_1315 = arith.constant 0 : i32
    %dma_wait3A_1316 = arith.constant 0 : i32
    %dma_wait3A_1317 = tpu.memref_slice %arg6[%dma_wait3A_1314, %dma_wait3A_1315, %dma_wait3A_1316] : memref<26x128x32xf32, #tpu.memory_space<vmem>> -> memref<1x128x32xf32, #tpu.memory_space<vmem>>
    %dma_wait3A_1318 = tpu.memref_squeeze %dma_wait3A_1317 : memref<1x128x32xf32, #tpu.memory_space<vmem>> -> memref<128x32xf32, #tpu.memory_space<vmem>>
    %dma_wait3A_1319 = arith.constant 224 : i32
    %dma_wait3A_1320 = tpu.memref_slice %arg4[%mul3A_884, %dma_wait3A_1319] : memref<4096x832xf32, #tpu.memory_space<hbm>> -> memref<128x32xf32, #tpu.memory_space<hbm>>
    %dma_wait3A_1321 = arith.constant 224 : i32
    %dma_wait3A_1322 = tpu.memref_slice %arg4[%mul3A_884, %dma_wait3A_1321] : memref<4096x832xf32, #tpu.memory_space<hbm>> -> memref<128x32xf32, #tpu.memory_space<hbm>>
    %dma_wait3A_1323 = arith.constant 0 : i32
    %dma_wait3A_1324 = arith.constant 0 : i32
    %dma_wait3A_1325 = tpu.memref_slice %arg6[%dma_wait3A_1314, %dma_wait3A_1323, %dma_wait3A_1324] : memref<26x128x32xf32, #tpu.memory_space<vmem>> -> memref<1x128x32xf32, #tpu.memory_space<vmem>>
    %dma_wait3A_1326 = tpu.memref_squeeze %dma_wait3A_1325 : memref<1x128x32xf32, #tpu.memory_space<vmem>> -> memref<128x32xf32, #tpu.memory_space<vmem>>
    tpu.wait_dma2 semaphore(%arg8 : memref<!tpu.dma_semaphore, #tpu.memory_space<semaphore_mem>>) src(%dma_wait3A_1326 : memref<128x32xf32, #tpu.memory_space<vmem>>) dst(%dma_wait3A_1322 : memref<128x32xf32, #tpu.memory_space<hbm>>)
    %dma_wait3A_1327 = arith.constant 8 : i32
    %dma_wait3A_1328 = arith.constant 0 : i32
    %dma_wait3A_1329 = arith.constant 0 : i32
    %dma_wait3A_1330 = tpu.memref_slice %arg6[%dma_wait3A_1327, %dma_wait3A_1328, %dma_wait3A_1329] : memref<26x128x32xf32, #tpu.memory_space<vmem>> -> memref<1x128x32xf32, #tpu.memory_space<vmem>>
    %dma_wait3A_1331 = tpu.memref_squeeze %dma_wait3A_1330 : memref<1x128x32xf32, #tpu.memory_space<vmem>> -> memref<128x32xf32, #tpu.memory_space<vmem>>
    %dma_wait3A_1332 = arith.constant 256 : i32
    %dma_wait3A_1333 = tpu.memref_slice %arg4[%mul3A_884, %dma_wait3A_1332] : memref<4096x832xf32, #tpu.memory_space<hbm>> -> memref<128x32xf32, #tpu.memory_space<hbm>>
    %dma_wait3A_1334 = arith.constant 256 : i32
    %dma_wait3A_1335 = tpu.memref_slice %arg4[%mul3A_884, %dma_wait3A_1334] : memref<4096x832xf32, #tpu.memory_space<hbm>> -> memref<128x32xf32, #tpu.memory_space<hbm>>
    %dma_wait3A_1336 = arith.constant 0 : i32
    %dma_wait3A_1337 = arith.constant 0 : i32
    %dma_wait3A_1338 = tpu.memref_slice %arg6[%dma_wait3A_1327, %dma_wait3A_1336, %dma_wait3A_1337] : memref<26x128x32xf32, #tpu.memory_space<vmem>> -> memref<1x128x32xf32, #tpu.memory_space<vmem>>
    %dma_wait3A_1339 = tpu.memref_squeeze %dma_wait3A_1338 : memref<1x128x32xf32, #tpu.memory_space<vmem>> -> memref<128x32xf32, #tpu.memory_space<vmem>>
    tpu.wait_dma2 semaphore(%arg8 : memref<!tpu.dma_semaphore, #tpu.memory_space<semaphore_mem>>) src(%dma_wait3A_1339 : memref<128x32xf32, #tpu.memory_space<vmem>>) dst(%dma_wait3A_1335 : memref<128x32xf32, #tpu.memory_space<hbm>>)
    %dma_wait3A_1340 = arith.constant 9 : i32
    %dma_wait3A_1341 = arith.constant 0 : i32
    %dma_wait3A_1342 = arith.constant 0 : i32
    %dma_wait3A_1343 = tpu.memref_slice %arg6[%dma_wait3A_1340, %dma_wait3A_1341, %dma_wait3A_1342] : memref<26x128x32xf32, #tpu.memory_space<vmem>> -> memref<1x128x32xf32, #tpu.memory_space<vmem>>
    %dma_wait3A_1344 = tpu.memref_squeeze %dma_wait3A_1343 : memref<1x128x32xf32, #tpu.memory_space<vmem>> -> memref<128x32xf32, #tpu.memory_space<vmem>>
    %dma_wait3A_1345 = arith.constant 288 : i32
    %dma_wait3A_1346 = tpu.memref_slice %arg4[%mul3A_884, %dma_wait3A_1345] : memref<4096x832xf32, #tpu.memory_space<hbm>> -> memref<128x32xf32, #tpu.memory_space<hbm>>
    %dma_wait3A_1347 = arith.constant 288 : i32
    %dma_wait3A_1348 = tpu.memref_slice %arg4[%mul3A_884, %dma_wait3A_1347] : memref<4096x832xf32, #tpu.memory_space<hbm>> -> memref<128x32xf32, #tpu.memory_space<hbm>>
    %dma_wait3A_1349 = arith.constant 0 : i32
    %dma_wait3A_1350 = arith.constant 0 : i32
    %dma_wait3A_1351 = tpu.memref_slice %arg6[%dma_wait3A_1340, %dma_wait3A_1349, %dma_wait3A_1350] : memref<26x128x32xf32, #tpu.memory_space<vmem>> -> memref<1x128x32xf32, #tpu.memory_space<vmem>>
    %dma_wait3A_1352 = tpu.memref_squeeze %dma_wait3A_1351 : memref<1x128x32xf32, #tpu.memory_space<vmem>> -> memref<128x32xf32, #tpu.memory_space<vmem>>
    tpu.wait_dma2 semaphore(%arg8 : memref<!tpu.dma_semaphore, #tpu.memory_space<semaphore_mem>>) src(%dma_wait3A_1352 : memref<128x32xf32, #tpu.memory_space<vmem>>) dst(%dma_wait3A_1348 : memref<128x32xf32, #tpu.memory_space<hbm>>)
    %dma_wait3A_1353 = arith.constant 10 : i32
    %dma_wait3A_1354 = arith.constant 0 : i32
    %dma_wait3A_1355 = arith.constant 0 : i32
    %dma_wait3A_1356 = tpu.memref_slice %arg6[%dma_wait3A_1353, %dma_wait3A_1354, %dma_wait3A_1355] : memref<26x128x32xf32, #tpu.memory_space<vmem>> -> memref<1x128x32xf32, #tpu.memory_space<vmem>>
    %dma_wait3A_1357 = tpu.memref_squeeze %dma_wait3A_1356 : memref<1x128x32xf32, #tpu.memory_space<vmem>> -> memref<128x32xf32, #tpu.memory_space<vmem>>
    %dma_wait3A_1358 = arith.constant 320 : i32
    %dma_wait3A_1359 = tpu.memref_slice %arg4[%mul3A_884, %dma_wait3A_1358] : memref<4096x832xf32, #tpu.memory_space<hbm>> -> memref<128x32xf32, #tpu.memory_space<hbm>>
    %dma_wait3A_1360 = arith.constant 320 : i32
    %dma_wait3A_1361 = tpu.memref_slice %arg4[%mul3A_884, %dma_wait3A_1360] : memref<4096x832xf32, #tpu.memory_space<hbm>> -> memref<128x32xf32, #tpu.memory_space<hbm>>
    %dma_wait3A_1362 = arith.constant 0 : i32
    %dma_wait3A_1363 = arith.constant 0 : i32
    %dma_wait3A_1364 = tpu.memref_slice %arg6[%dma_wait3A_1353, %dma_wait3A_1362, %dma_wait3A_1363] : memref<26x128x32xf32, #tpu.memory_space<vmem>> -> memref<1x128x32xf32, #tpu.memory_space<vmem>>
    %dma_wait3A_1365 = tpu.memref_squeeze %dma_wait3A_1364 : memref<1x128x32xf32, #tpu.memory_space<vmem>> -> memref<128x32xf32, #tpu.memory_space<vmem>>
    tpu.wait_dma2 semaphore(%arg8 : memref<!tpu.dma_semaphore, #tpu.memory_space<semaphore_mem>>) src(%dma_wait3A_1365 : memref<128x32xf32, #tpu.memory_space<vmem>>) dst(%dma_wait3A_1361 : memref<128x32xf32, #tpu.memory_space<hbm>>)
    %dma_wait3A_1366 = arith.constant 11 : i32
    %dma_wait3A_1367 = arith.constant 0 : i32
    %dma_wait3A_1368 = arith.constant 0 : i32
    %dma_wait3A_1369 = tpu.memref_slice %arg6[%dma_wait3A_1366, %dma_wait3A_1367, %dma_wait3A_1368] : memref<26x128x32xf32, #tpu.memory_space<vmem>> -> memref<1x128x32xf32, #tpu.memory_space<vmem>>
    %dma_wait3A_1370 = tpu.memref_squeeze %dma_wait3A_1369 : memref<1x128x32xf32, #tpu.memory_space<vmem>> -> memref<128x32xf32, #tpu.memory_space<vmem>>
    %dma_wait3A_1371 = arith.constant 352 : i32
    %dma_wait3A_1372 = tpu.memref_slice %arg4[%mul3A_884, %dma_wait3A_1371] : memref<4096x832xf32, #tpu.memory_space<hbm>> -> memref<128x32xf32, #tpu.memory_space<hbm>>
    %dma_wait3A_1373 = arith.constant 352 : i32
    %dma_wait3A_1374 = tpu.memref_slice %arg4[%mul3A_884, %dma_wait3A_1373] : memref<4096x832xf32, #tpu.memory_space<hbm>> -> memref<128x32xf32, #tpu.memory_space<hbm>>
    %dma_wait3A_1375 = arith.constant 0 : i32
    %dma_wait3A_1376 = arith.constant 0 : i32
    %dma_wait3A_1377 = tpu.memref_slice %arg6[%dma_wait3A_1366, %dma_wait3A_1375, %dma_wait3A_1376] : memref<26x128x32xf32, #tpu.memory_space<vmem>> -> memref<1x128x32xf32, #tpu.memory_space<vmem>>
    %dma_wait3A_1378 = tpu.memref_squeeze %dma_wait3A_1377 : memref<1x128x32xf32, #tpu.memory_space<vmem>> -> memref<128x32xf32, #tpu.memory_space<vmem>>
    tpu.wait_dma2 semaphore(%arg8 : memref<!tpu.dma_semaphore, #tpu.memory_space<semaphore_mem>>) src(%dma_wait3A_1378 : memref<128x32xf32, #tpu.memory_space<vmem>>) dst(%dma_wait3A_1374 : memref<128x32xf32, #tpu.memory_space<hbm>>)
    %dma_wait3A_1379 = arith.constant 12 : i32
    %dma_wait3A_1380 = arith.constant 0 : i32
    %dma_wait3A_1381 = arith.constant 0 : i32
    %dma_wait3A_1382 = tpu.memref_slice %arg6[%dma_wait3A_1379, %dma_wait3A_1380, %dma_wait3A_1381] : memref<26x128x32xf32, #tpu.memory_space<vmem>> -> memref<1x128x32xf32, #tpu.memory_space<vmem>>
    %dma_wait3A_1383 = tpu.memref_squeeze %dma_wait3A_1382 : memref<1x128x32xf32, #tpu.memory_space<vmem>> -> memref<128x32xf32, #tpu.memory_space<vmem>>
    %dma_wait3A_1384 = arith.constant 384 : i32
    %dma_wait3A_1385 = tpu.memref_slice %arg4[%mul3A_884, %dma_wait3A_1384] : memref<4096x832xf32, #tpu.memory_space<hbm>> -> memref<128x32xf32, #tpu.memory_space<hbm>>
    %dma_wait3A_1386 = arith.constant 384 : i32
    %dma_wait3A_1387 = tpu.memref_slice %arg4[%mul3A_884, %dma_wait3A_1386] : memref<4096x832xf32, #tpu.memory_space<hbm>> -> memref<128x32xf32, #tpu.memory_space<hbm>>
    %dma_wait3A_1388 = arith.constant 0 : i32
    %dma_wait3A_1389 = arith.constant 0 : i32
    %dma_wait3A_1390 = tpu.memref_slice %arg6[%dma_wait3A_1379, %dma_wait3A_1388, %dma_wait3A_1389] : memref<26x128x32xf32, #tpu.memory_space<vmem>> -> memref<1x128x32xf32, #tpu.memory_space<vmem>>
    %dma_wait3A_1391 = tpu.memref_squeeze %dma_wait3A_1390 : memref<1x128x32xf32, #tpu.memory_space<vmem>> -> memref<128x32xf32, #tpu.memory_space<vmem>>
    tpu.wait_dma2 semaphore(%arg8 : memref<!tpu.dma_semaphore, #tpu.memory_space<semaphore_mem>>) src(%dma_wait3A_1391 : memref<128x32xf32, #tpu.memory_space<vmem>>) dst(%dma_wait3A_1387 : memref<128x32xf32, #tpu.memory_space<hbm>>)
    %dma_wait3A_1392 = arith.constant 13 : i32
    %dma_wait3A_1393 = arith.constant 0 : i32
    %dma_wait3A_1394 = arith.constant 0 : i32
    %dma_wait3A_1395 = tpu.memref_slice %arg6[%dma_wait3A_1392, %dma_wait3A_1393, %dma_wait3A_1394] : memref<26x128x32xf32, #tpu.memory_space<vmem>> -> memref<1x128x32xf32, #tpu.memory_space<vmem>>
    %dma_wait3A_1396 = tpu.memref_squeeze %dma_wait3A_1395 : memref<1x128x32xf32, #tpu.memory_space<vmem>> -> memref<128x32xf32, #tpu.memory_space<vmem>>
    %dma_wait3A_1397 = arith.constant 416 : i32
    %dma_wait3A_1398 = tpu.memref_slice %arg4[%mul3A_884, %dma_wait3A_1397] : memref<4096x832xf32, #tpu.memory_space<hbm>> -> memref<128x32xf32, #tpu.memory_space<hbm>>
    %dma_wait3A_1399 = arith.constant 416 : i32
    %dma_wait3A_1400 = tpu.memref_slice %arg4[%mul3A_884, %dma_wait3A_1399] : memref<4096x832xf32, #tpu.memory_space<hbm>> -> memref<128x32xf32, #tpu.memory_space<hbm>>
    %dma_wait3A_1401 = arith.constant 0 : i32
    %dma_wait3A_1402 = arith.constant 0 : i32
    %dma_wait3A_1403 = tpu.memref_slice %arg6[%dma_wait3A_1392, %dma_wait3A_1401, %dma_wait3A_1402] : memref<26x128x32xf32, #tpu.memory_space<vmem>> -> memref<1x128x32xf32, #tpu.memory_space<vmem>>
    %dma_wait3A_1404 = tpu.memref_squeeze %dma_wait3A_1403 : memref<1x128x32xf32, #tpu.memory_space<vmem>> -> memref<128x32xf32, #tpu.memory_space<vmem>>
    tpu.wait_dma2 semaphore(%arg8 : memref<!tpu.dma_semaphore, #tpu.memory_space<semaphore_mem>>) src(%dma_wait3A_1404 : memref<128x32xf32, #tpu.memory_space<vmem>>) dst(%dma_wait3A_1400 : memref<128x32xf32, #tpu.memory_space<hbm>>)
    %dma_wait3A_1405 = arith.constant 14 : i32
    %dma_wait3A_1406 = arith.constant 0 : i32
    %dma_wait3A_1407 = arith.constant 0 : i32
    %dma_wait3A_1408 = tpu.memref_slice %arg6[%dma_wait3A_1405, %dma_wait3A_1406, %dma_wait3A_1407] : memref<26x128x32xf32, #tpu.memory_space<vmem>> -> memref<1x128x32xf32, #tpu.memory_space<vmem>>
    %dma_wait3A_1409 = tpu.memref_squeeze %dma_wait3A_1408 : memref<1x128x32xf32, #tpu.memory_space<vmem>> -> memref<128x32xf32, #tpu.memory_space<vmem>>
    %dma_wait3A_1410 = arith.constant 448 : i32
    %dma_wait3A_1411 = tpu.memref_slice %arg4[%mul3A_884, %dma_wait3A_1410] : memref<4096x832xf32, #tpu.memory_space<hbm>> -> memref<128x32xf32, #tpu.memory_space<hbm>>
    %dma_wait3A_1412 = arith.constant 448 : i32
    %dma_wait3A_1413 = tpu.memref_slice %arg4[%mul3A_884, %dma_wait3A_1412] : memref<4096x832xf32, #tpu.memory_space<hbm>> -> memref<128x32xf32, #tpu.memory_space<hbm>>
    %dma_wait3A_1414 = arith.constant 0 : i32
    %dma_wait3A_1415 = arith.constant 0 : i32
    %dma_wait3A_1416 = tpu.memref_slice %arg6[%dma_wait3A_1405, %dma_wait3A_1414, %dma_wait3A_1415] : memref<26x128x32xf32, #tpu.memory_space<vmem>> -> memref<1x128x32xf32, #tpu.memory_space<vmem>>
    %dma_wait3A_1417 = tpu.memref_squeeze %dma_wait3A_1416 : memref<1x128x32xf32, #tpu.memory_space<vmem>> -> memref<128x32xf32, #tpu.memory_space<vmem>>
    tpu.wait_dma2 semaphore(%arg8 : memref<!tpu.dma_semaphore, #tpu.memory_space<semaphore_mem>>) src(%dma_wait3A_1417 : memref<128x32xf32, #tpu.memory_space<vmem>>) dst(%dma_wait3A_1413 : memref<128x32xf32, #tpu.memory_space<hbm>>)
    %dma_wait3A_1418 = arith.constant 15 : i32
    %dma_wait3A_1419 = arith.constant 0 : i32
    %dma_wait3A_1420 = arith.constant 0 : i32
    %dma_wait3A_1421 = tpu.memref_slice %arg6[%dma_wait3A_1418, %dma_wait3A_1419, %dma_wait3A_1420] : memref<26x128x32xf32, #tpu.memory_space<vmem>> -> memref<1x128x32xf32, #tpu.memory_space<vmem>>
    %dma_wait3A_1422 = tpu.memref_squeeze %dma_wait3A_1421 : memref<1x128x32xf32, #tpu.memory_space<vmem>> -> memref<128x32xf32, #tpu.memory_space<vmem>>
    %dma_wait3A_1423 = arith.constant 480 : i32
    %dma_wait3A_1424 = tpu.memref_slice %arg4[%mul3A_884, %dma_wait3A_1423] : memref<4096x832xf32, #tpu.memory_space<hbm>> -> memref<128x32xf32, #tpu.memory_space<hbm>>
    %dma_wait3A_1425 = arith.constant 480 : i32
    %dma_wait3A_1426 = tpu.memref_slice %arg4[%mul3A_884, %dma_wait3A_1425] : memref<4096x832xf32, #tpu.memory_space<hbm>> -> memref<128x32xf32, #tpu.memory_space<hbm>>
    %dma_wait3A_1427 = arith.constant 0 : i32
    %dma_wait3A_1428 = arith.constant 0 : i32
    %dma_wait3A_1429 = tpu.memref_slice %arg6[%dma_wait3A_1418, %dma_wait3A_1427, %dma_wait3A_1428] : memref<26x128x32xf32, #tpu.memory_space<vmem>> -> memref<1x128x32xf32, #tpu.memory_space<vmem>>
    %dma_wait3A_1430 = tpu.memref_squeeze %dma_wait3A_1429 : memref<1x128x32xf32, #tpu.memory_space<vmem>> -> memref<128x32xf32, #tpu.memory_space<vmem>>
    tpu.wait_dma2 semaphore(%arg8 : memref<!tpu.dma_semaphore, #tpu.memory_space<semaphore_mem>>) src(%dma_wait3A_1430 : memref<128x32xf32, #tpu.memory_space<vmem>>) dst(%dma_wait3A_1426 : memref<128x32xf32, #tpu.memory_space<hbm>>)
    %dma_wait3A_1431 = arith.constant 16 : i32
    %dma_wait3A_1432 = arith.constant 0 : i32
    %dma_wait3A_1433 = arith.constant 0 : i32
    %dma_wait3A_1434 = tpu.memref_slice %arg6[%dma_wait3A_1431, %dma_wait3A_1432, %dma_wait3A_1433] : memref<26x128x32xf32, #tpu.memory_space<vmem>> -> memref<1x128x32xf32, #tpu.memory_space<vmem>>
    %dma_wait3A_1435 = tpu.memref_squeeze %dma_wait3A_1434 : memref<1x128x32xf32, #tpu.memory_space<vmem>> -> memref<128x32xf32, #tpu.memory_space<vmem>>
    %dma_wait3A_1436 = arith.constant 512 : i32
    %dma_wait3A_1437 = tpu.memref_slice %arg4[%mul3A_884, %dma_wait3A_1436] : memref<4096x832xf32, #tpu.memory_space<hbm>> -> memref<128x32xf32, #tpu.memory_space<hbm>>
    %dma_wait3A_1438 = arith.constant 512 : i32
    %dma_wait3A_1439 = tpu.memref_slice %arg4[%mul3A_884, %dma_wait3A_1438] : memref<4096x832xf32, #tpu.memory_space<hbm>> -> memref<128x32xf32, #tpu.memory_space<hbm>>
    %dma_wait3A_1440 = arith.constant 0 : i32
    %dma_wait3A_1441 = arith.constant 0 : i32
    %dma_wait3A_1442 = tpu.memref_slice %arg6[%dma_wait3A_1431, %dma_wait3A_1440, %dma_wait3A_1441] : memref<26x128x32xf32, #tpu.memory_space<vmem>> -> memref<1x128x32xf32, #tpu.memory_space<vmem>>
    %dma_wait3A_1443 = tpu.memref_squeeze %dma_wait3A_1442 : memref<1x128x32xf32, #tpu.memory_space<vmem>> -> memref<128x32xf32, #tpu.memory_space<vmem>>
    tpu.wait_dma2 semaphore(%arg8 : memref<!tpu.dma_semaphore, #tpu.memory_space<semaphore_mem>>) src(%dma_wait3A_1443 : memref<128x32xf32, #tpu.memory_space<vmem>>) dst(%dma_wait3A_1439 : memref<128x32xf32, #tpu.memory_space<hbm>>)
    %dma_wait3A_1444 = arith.constant 17 : i32
    %dma_wait3A_1445 = arith.constant 0 : i32
    %dma_wait3A_1446 = arith.constant 0 : i32
    %dma_wait3A_1447 = tpu.memref_slice %arg6[%dma_wait3A_1444, %dma_wait3A_1445, %dma_wait3A_1446] : memref<26x128x32xf32, #tpu.memory_space<vmem>> -> memref<1x128x32xf32, #tpu.memory_space<vmem>>
    %dma_wait3A_1448 = tpu.memref_squeeze %dma_wait3A_1447 : memref<1x128x32xf32, #tpu.memory_space<vmem>> -> memref<128x32xf32, #tpu.memory_space<vmem>>
    %dma_wait3A_1449 = arith.constant 544 : i32
    %dma_wait3A_1450 = tpu.memref_slice %arg4[%mul3A_884, %dma_wait3A_1449] : memref<4096x832xf32, #tpu.memory_space<hbm>> -> memref<128x32xf32, #tpu.memory_space<hbm>>
    %dma_wait3A_1451 = arith.constant 544 : i32
    %dma_wait3A_1452 = tpu.memref_slice %arg4[%mul3A_884, %dma_wait3A_1451] : memref<4096x832xf32, #tpu.memory_space<hbm>> -> memref<128x32xf32, #tpu.memory_space<hbm>>
    %dma_wait3A_1453 = arith.constant 0 : i32
    %dma_wait3A_1454 = arith.constant 0 : i32
    %dma_wait3A_1455 = tpu.memref_slice %arg6[%dma_wait3A_1444, %dma_wait3A_1453, %dma_wait3A_1454] : memref<26x128x32xf32, #tpu.memory_space<vmem>> -> memref<1x128x32xf32, #tpu.memory_space<vmem>>
    %dma_wait3A_1456 = tpu.memref_squeeze %dma_wait3A_1455 : memref<1x128x32xf32, #tpu.memory_space<vmem>> -> memref<128x32xf32, #tpu.memory_space<vmem>>
    tpu.wait_dma2 semaphore(%arg8 : memref<!tpu.dma_semaphore, #tpu.memory_space<semaphore_mem>>) src(%dma_wait3A_1456 : memref<128x32xf32, #tpu.memory_space<vmem>>) dst(%dma_wait3A_1452 : memref<128x32xf32, #tpu.memory_space<hbm>>)
    %dma_wait3A_1457 = arith.constant 18 : i32
    %dma_wait3A_1458 = arith.constant 0 : i32
    %dma_wait3A_1459 = arith.constant 0 : i32
    %dma_wait3A_1460 = tpu.memref_slice %arg6[%dma_wait3A_1457, %dma_wait3A_1458, %dma_wait3A_1459] : memref<26x128x32xf32, #tpu.memory_space<vmem>> -> memref<1x128x32xf32, #tpu.memory_space<vmem>>
    %dma_wait3A_1461 = tpu.memref_squeeze %dma_wait3A_1460 : memref<1x128x32xf32, #tpu.memory_space<vmem>> -> memref<128x32xf32, #tpu.memory_space<vmem>>
    %dma_wait3A_1462 = arith.constant 576 : i32
    %dma_wait3A_1463 = tpu.memref_slice %arg4[%mul3A_884, %dma_wait3A_1462] : memref<4096x832xf32, #tpu.memory_space<hbm>> -> memref<128x32xf32, #tpu.memory_space<hbm>>
    %dma_wait3A_1464 = arith.constant 576 : i32
    %dma_wait3A_1465 = tpu.memref_slice %arg4[%mul3A_884, %dma_wait3A_1464] : memref<4096x832xf32, #tpu.memory_space<hbm>> -> memref<128x32xf32, #tpu.memory_space<hbm>>
    %dma_wait3A_1466 = arith.constant 0 : i32
    %dma_wait3A_1467 = arith.constant 0 : i32
    %dma_wait3A_1468 = tpu.memref_slice %arg6[%dma_wait3A_1457, %dma_wait3A_1466, %dma_wait3A_1467] : memref<26x128x32xf32, #tpu.memory_space<vmem>> -> memref<1x128x32xf32, #tpu.memory_space<vmem>>
    %dma_wait3A_1469 = tpu.memref_squeeze %dma_wait3A_1468 : memref<1x128x32xf32, #tpu.memory_space<vmem>> -> memref<128x32xf32, #tpu.memory_space<vmem>>
    tpu.wait_dma2 semaphore(%arg8 : memref<!tpu.dma_semaphore, #tpu.memory_space<semaphore_mem>>) src(%dma_wait3A_1469 : memref<128x32xf32, #tpu.memory_space<vmem>>) dst(%dma_wait3A_1465 : memref<128x32xf32, #tpu.memory_space<hbm>>)
    %dma_wait3A_1470 = arith.constant 19 : i32
    %dma_wait3A_1471 = arith.constant 0 : i32
    %dma_wait3A_1472 = arith.constant 0 : i32
    %dma_wait3A_1473 = tpu.memref_slice %arg6[%dma_wait3A_1470, %dma_wait3A_1471, %dma_wait3A_1472] : memref<26x128x32xf32, #tpu.memory_space<vmem>> -> memref<1x128x32xf32, #tpu.memory_space<vmem>>
    %dma_wait3A_1474 = tpu.memref_squeeze %dma_wait3A_1473 : memref<1x128x32xf32, #tpu.memory_space<vmem>> -> memref<128x32xf32, #tpu.memory_space<vmem>>
    %dma_wait3A_1475 = arith.constant 608 : i32
    %dma_wait3A_1476 = tpu.memref_slice %arg4[%mul3A_884, %dma_wait3A_1475] : memref<4096x832xf32, #tpu.memory_space<hbm>> -> memref<128x32xf32, #tpu.memory_space<hbm>>
    %dma_wait3A_1477 = arith.constant 608 : i32
    %dma_wait3A_1478 = tpu.memref_slice %arg4[%mul3A_884, %dma_wait3A_1477] : memref<4096x832xf32, #tpu.memory_space<hbm>> -> memref<128x32xf32, #tpu.memory_space<hbm>>
    %dma_wait3A_1479 = arith.constant 0 : i32
    %dma_wait3A_1480 = arith.constant 0 : i32
    %dma_wait3A_1481 = tpu.memref_slice %arg6[%dma_wait3A_1470, %dma_wait3A_1479, %dma_wait3A_1480] : memref<26x128x32xf32, #tpu.memory_space<vmem>> -> memref<1x128x32xf32, #tpu.memory_space<vmem>>
    %dma_wait3A_1482 = tpu.memref_squeeze %dma_wait3A_1481 : memref<1x128x32xf32, #tpu.memory_space<vmem>> -> memref<128x32xf32, #tpu.memory_space<vmem>>
    tpu.wait_dma2 semaphore(%arg8 : memref<!tpu.dma_semaphore, #tpu.memory_space<semaphore_mem>>) src(%dma_wait3A_1482 : memref<128x32xf32, #tpu.memory_space<vmem>>) dst(%dma_wait3A_1478 : memref<128x32xf32, #tpu.memory_space<hbm>>)
    %dma_wait3A_1483 = arith.constant 20 : i32
    %dma_wait3A_1484 = arith.constant 0 : i32
    %dma_wait3A_1485 = arith.constant 0 : i32
    %dma_wait3A_1486 = tpu.memref_slice %arg6[%dma_wait3A_1483, %dma_wait3A_1484, %dma_wait3A_1485] : memref<26x128x32xf32, #tpu.memory_space<vmem>> -> memref<1x128x32xf32, #tpu.memory_space<vmem>>
    %dma_wait3A_1487 = tpu.memref_squeeze %dma_wait3A_1486 : memref<1x128x32xf32, #tpu.memory_space<vmem>> -> memref<128x32xf32, #tpu.memory_space<vmem>>
    %dma_wait3A_1488 = arith.constant 640 : i32
    %dma_wait3A_1489 = tpu.memref_slice %arg4[%mul3A_884, %dma_wait3A_1488] : memref<4096x832xf32, #tpu.memory_space<hbm>> -> memref<128x32xf32, #tpu.memory_space<hbm>>
    %dma_wait3A_1490 = arith.constant 640 : i32
    %dma_wait3A_1491 = tpu.memref_slice %arg4[%mul3A_884, %dma_wait3A_1490] : memref<4096x832xf32, #tpu.memory_space<hbm>> -> memref<128x32xf32, #tpu.memory_space<hbm>>
    %dma_wait3A_1492 = arith.constant 0 : i32
    %dma_wait3A_1493 = arith.constant 0 : i32
    %dma_wait3A_1494 = tpu.memref_slice %arg6[%dma_wait3A_1483, %dma_wait3A_1492, %dma_wait3A_1493] : memref<26x128x32xf32, #tpu.memory_space<vmem>> -> memref<1x128x32xf32, #tpu.memory_space<vmem>>
    %dma_wait3A_1495 = tpu.memref_squeeze %dma_wait3A_1494 : memref<1x128x32xf32, #tpu.memory_space<vmem>> -> memref<128x32xf32, #tpu.memory_space<vmem>>
    tpu.wait_dma2 semaphore(%arg8 : memref<!tpu.dma_semaphore, #tpu.memory_space<semaphore_mem>>) src(%dma_wait3A_1495 : memref<128x32xf32, #tpu.memory_space<vmem>>) dst(%dma_wait3A_1491 : memref<128x32xf32, #tpu.memory_space<hbm>>)
    %dma_wait3A_1496 = arith.constant 21 : i32
    %dma_wait3A_1497 = arith.constant 0 : i32
    %dma_wait3A_1498 = arith.constant 0 : i32
    %dma_wait3A_1499 = tpu.memref_slice %arg6[%dma_wait3A_1496, %dma_wait3A_1497, %dma_wait3A_1498] : memref<26x128x32xf32, #tpu.memory_space<vmem>> -> memref<1x128x32xf32, #tpu.memory_space<vmem>>
    %dma_wait3A_1500 = tpu.memref_squeeze %dma_wait3A_1499 : memref<1x128x32xf32, #tpu.memory_space<vmem>> -> memref<128x32xf32, #tpu.memory_space<vmem>>
    %dma_wait3A_1501 = arith.constant 672 : i32
    %dma_wait3A_1502 = tpu.memref_slice %arg4[%mul3A_884, %dma_wait3A_1501] : memref<4096x832xf32, #tpu.memory_space<hbm>> -> memref<128x32xf32, #tpu.memory_space<hbm>>
    %dma_wait3A_1503 = arith.constant 672 : i32
    %dma_wait3A_1504 = tpu.memref_slice %arg4[%mul3A_884, %dma_wait3A_1503] : memref<4096x832xf32, #tpu.memory_space<hbm>> -> memref<128x32xf32, #tpu.memory_space<hbm>>
    %dma_wait3A_1505 = arith.constant 0 : i32
    %dma_wait3A_1506 = arith.constant 0 : i32
    %dma_wait3A_1507 = tpu.memref_slice %arg6[%dma_wait3A_1496, %dma_wait3A_1505, %dma_wait3A_1506] : memref<26x128x32xf32, #tpu.memory_space<vmem>> -> memref<1x128x32xf32, #tpu.memory_space<vmem>>
    %dma_wait3A_1508 = tpu.memref_squeeze %dma_wait3A_1507 : memref<1x128x32xf32, #tpu.memory_space<vmem>> -> memref<128x32xf32, #tpu.memory_space<vmem>>
    tpu.wait_dma2 semaphore(%arg8 : memref<!tpu.dma_semaphore, #tpu.memory_space<semaphore_mem>>) src(%dma_wait3A_1508 : memref<128x32xf32, #tpu.memory_space<vmem>>) dst(%dma_wait3A_1504 : memref<128x32xf32, #tpu.memory_space<hbm>>)
    %dma_wait3A_1509 = arith.constant 22 : i32
    %dma_wait3A_1510 = arith.constant 0 : i32
    %dma_wait3A_1511 = arith.constant 0 : i32
    %dma_wait3A_1512 = tpu.memref_slice %arg6[%dma_wait3A_1509, %dma_wait3A_1510, %dma_wait3A_1511] : memref<26x128x32xf32, #tpu.memory_space<vmem>> -> memref<1x128x32xf32, #tpu.memory_space<vmem>>
    %dma_wait3A_1513 = tpu.memref_squeeze %dma_wait3A_1512 : memref<1x128x32xf32, #tpu.memory_space<vmem>> -> memref<128x32xf32, #tpu.memory_space<vmem>>
    %dma_wait3A_1514 = arith.constant 704 : i32
    %dma_wait3A_1515 = tpu.memref_slice %arg4[%mul3A_884, %dma_wait3A_1514] : memref<4096x832xf32, #tpu.memory_space<hbm>> -> memref<128x32xf32, #tpu.memory_space<hbm>>
    %dma_wait3A_1516 = arith.constant 704 : i32
    %dma_wait3A_1517 = tpu.memref_slice %arg4[%mul3A_884, %dma_wait3A_1516] : memref<4096x832xf32, #tpu.memory_space<hbm>> -> memref<128x32xf32, #tpu.memory_space<hbm>>
    %dma_wait3A_1518 = arith.constant 0 : i32
    %dma_wait3A_1519 = arith.constant 0 : i32
    %dma_wait3A_1520 = tpu.memref_slice %arg6[%dma_wait3A_1509, %dma_wait3A_1518, %dma_wait3A_1519] : memref<26x128x32xf32, #tpu.memory_space<vmem>> -> memref<1x128x32xf32, #tpu.memory_space<vmem>>
    %dma_wait3A_1521 = tpu.memref_squeeze %dma_wait3A_1520 : memref<1x128x32xf32, #tpu.memory_space<vmem>> -> memref<128x32xf32, #tpu.memory_space<vmem>>
    tpu.wait_dma2 semaphore(%arg8 : memref<!tpu.dma_semaphore, #tpu.memory_space<semaphore_mem>>) src(%dma_wait3A_1521 : memref<128x32xf32, #tpu.memory_space<vmem>>) dst(%dma_wait3A_1517 : memref<128x32xf32, #tpu.memory_space<hbm>>)
    %dma_wait3A_1522 = arith.constant 23 : i32
    %dma_wait3A_1523 = arith.constant 0 : i32
    %dma_wait3A_1524 = arith.constant 0 : i32
    %dma_wait3A_1525 = tpu.memref_slice %arg6[%dma_wait3A_1522, %dma_wait3A_1523, %dma_wait3A_1524] : memref<26x128x32xf32, #tpu.memory_space<vmem>> -> memref<1x128x32xf32, #tpu.memory_space<vmem>>
    %dma_wait3A_1526 = tpu.memref_squeeze %dma_wait3A_1525 : memref<1x128x32xf32, #tpu.memory_space<vmem>> -> memref<128x32xf32, #tpu.memory_space<vmem>>
    %dma_wait3A_1527 = arith.constant 736 : i32
    %dma_wait3A_1528 = tpu.memref_slice %arg4[%mul3A_884, %dma_wait3A_1527] : memref<4096x832xf32, #tpu.memory_space<hbm>> -> memref<128x32xf32, #tpu.memory_space<hbm>>
    %dma_wait3A_1529 = arith.constant 736 : i32
    %dma_wait3A_1530 = tpu.memref_slice %arg4[%mul3A_884, %dma_wait3A_1529] : memref<4096x832xf32, #tpu.memory_space<hbm>> -> memref<128x32xf32, #tpu.memory_space<hbm>>
    %dma_wait3A_1531 = arith.constant 0 : i32
    %dma_wait3A_1532 = arith.constant 0 : i32
    %dma_wait3A_1533 = tpu.memref_slice %arg6[%dma_wait3A_1522, %dma_wait3A_1531, %dma_wait3A_1532] : memref<26x128x32xf32, #tpu.memory_space<vmem>> -> memref<1x128x32xf32, #tpu.memory_space<vmem>>
    %dma_wait3A_1534 = tpu.memref_squeeze %dma_wait3A_1533 : memref<1x128x32xf32, #tpu.memory_space<vmem>> -> memref<128x32xf32, #tpu.memory_space<vmem>>
    tpu.wait_dma2 semaphore(%arg8 : memref<!tpu.dma_semaphore, #tpu.memory_space<semaphore_mem>>) src(%dma_wait3A_1534 : memref<128x32xf32, #tpu.memory_space<vmem>>) dst(%dma_wait3A_1530 : memref<128x32xf32, #tpu.memory_space<hbm>>)
    %dma_wait3A_1535 = arith.constant 24 : i32
    %dma_wait3A_1536 = arith.constant 0 : i32
    %dma_wait3A_1537 = arith.constant 0 : i32
    %dma_wait3A_1538 = tpu.memref_slice %arg6[%dma_wait3A_1535, %dma_wait3A_1536, %dma_wait3A_1537] : memref<26x128x32xf32, #tpu.memory_space<vmem>> -> memref<1x128x32xf32, #tpu.memory_space<vmem>>
    %dma_wait3A_1539 = tpu.memref_squeeze %dma_wait3A_1538 : memref<1x128x32xf32, #tpu.memory_space<vmem>> -> memref<128x32xf32, #tpu.memory_space<vmem>>
    %dma_wait3A_1540 = arith.constant 768 : i32
    %dma_wait3A_1541 = tpu.memref_slice %arg4[%mul3A_884, %dma_wait3A_1540] : memref<4096x832xf32, #tpu.memory_space<hbm>> -> memref<128x32xf32, #tpu.memory_space<hbm>>
    %dma_wait3A_1542 = arith.constant 768 : i32
    %dma_wait3A_1543 = tpu.memref_slice %arg4[%mul3A_884, %dma_wait3A_1542] : memref<4096x832xf32, #tpu.memory_space<hbm>> -> memref<128x32xf32, #tpu.memory_space<hbm>>
    %dma_wait3A_1544 = arith.constant 0 : i32
    %dma_wait3A_1545 = arith.constant 0 : i32
    %dma_wait3A_1546 = tpu.memref_slice %arg6[%dma_wait3A_1535, %dma_wait3A_1544, %dma_wait3A_1545] : memref<26x128x32xf32, #tpu.memory_space<vmem>> -> memref<1x128x32xf32, #tpu.memory_space<vmem>>
    %dma_wait3A_1547 = tpu.memref_squeeze %dma_wait3A_1546 : memref<1x128x32xf32, #tpu.memory_space<vmem>> -> memref<128x32xf32, #tpu.memory_space<vmem>>
    tpu.wait_dma2 semaphore(%arg8 : memref<!tpu.dma_semaphore, #tpu.memory_space<semaphore_mem>>) src(%dma_wait3A_1547 : memref<128x32xf32, #tpu.memory_space<vmem>>) dst(%dma_wait3A_1543 : memref<128x32xf32, #tpu.memory_space<hbm>>)
    %dma_wait3A_1548 = arith.constant 25 : i32
    %dma_wait3A_1549 = arith.constant 0 : i32
    %dma_wait3A_1550 = arith.constant 0 : i32
    %dma_wait3A_1551 = tpu.memref_slice %arg6[%dma_wait3A_1548, %dma_wait3A_1549, %dma_wait3A_1550] : memref<26x128x32xf32, #tpu.memory_space<vmem>> -> memref<1x128x32xf32, #tpu.memory_space<vmem>>
    %dma_wait3A_1552 = tpu.memref_squeeze %dma_wait3A_1551 : memref<1x128x32xf32, #tpu.memory_space<vmem>> -> memref<128x32xf32, #tpu.memory_space<vmem>>
    %dma_wait3A_1553 = arith.constant 800 : i32
    %dma_wait3A_1554 = tpu.memref_slice %arg4[%mul3A_884, %dma_wait3A_1553] : memref<4096x832xf32, #tpu.memory_space<hbm>> -> memref<128x32xf32, #tpu.memory_space<hbm>>
    %dma_wait3A_1555 = arith.constant 800 : i32
    %dma_wait3A_1556 = tpu.memref_slice %arg4[%mul3A_884, %dma_wait3A_1555] : memref<4096x832xf32, #tpu.memory_space<hbm>> -> memref<128x32xf32, #tpu.memory_space<hbm>>
    %dma_wait3A_1557 = arith.constant 0 : i32
    %dma_wait3A_1558 = arith.constant 0 : i32
    %dma_wait3A_1559 = tpu.memref_slice %arg6[%dma_wait3A_1548, %dma_wait3A_1557, %dma_wait3A_1558] : memref<26x128x32xf32, #tpu.memory_space<vmem>> -> memref<1x128x32xf32, #tpu.memory_space<vmem>>
    %dma_wait3A_1560 = tpu.memref_squeeze %dma_wait3A_1559 : memref<1x128x32xf32, #tpu.memory_space<vmem>> -> memref<128x32xf32, #tpu.memory_space<vmem>>
    tpu.wait_dma2 semaphore(%arg8 : memref<!tpu.dma_semaphore, #tpu.memory_space<semaphore_mem>>) src(%dma_wait3A_1560 : memref<128x32xf32, #tpu.memory_space<vmem>>) dst(%dma_wait3A_1556 : memref<128x32xf32, #tpu.memory_space<hbm>>)
    return
  }
}

module attributes {stable_mosaic.version = 14 : i64} {
  func.func @_mm_body(%arg0: i32, %arg1: memref<512x832xf32, #tpu.memory_space<vmem>>, %arg2: memref<512x13xf32, #tpu.memory_space<vmem>>, %arg3: memref<832x128xf32, #tpu.memory_space<vmem>>, %arg4: memref<13x128xf32, #tpu.memory_space<vmem>>, %arg5: memref<1x128xf32, #tpu.memory_space<vmem>>, %arg6: memref<512x128xf32, #tpu.memory_space<vmem>>) attributes {dimension_semantics = [#tpu.dimension_semantics<arbitrary>], iteration_bounds = array<i64: 8>, scalar_prefetch = 0 : i64, scratch_operands = 0 : i64, tpu.core_type = #tpu.core_type<tc>, window_params = [{transform_indices = @transform_0, window_bounds = array<i64: 512, 832>}, {transform_indices = @transform_1, window_bounds = array<i64: 512, 13>}, {pipeline_mode = #tpu.pipeline_mode<synchronous>, transform_indices = @transform_2, window_bounds = array<i64: 832, 128>}, {pipeline_mode = #tpu.pipeline_mode<synchronous>, transform_indices = @transform_3, window_bounds = array<i64: 13, 128>}, {pipeline_mode = #tpu.pipeline_mode<synchronous>, transform_indices = @transform_4, window_bounds = array<i64: 1, 128>}, {transform_indices = @transform_5, window_bounds = array<i64: 512, 128>}]} {
    %get3A = arith.constant 0 : index
    %get3A_0 = arith.constant 0 : index
    %get3A_1 = vector.load %arg1[%get3A, %get3A_0] : memref<512x832xf32, #tpu.memory_space<vmem>>, vector<512x832xf32>
    %get3A_2 = arith.constant 0 : index
    %get3A_3 = arith.constant 0 : index
    %get3A_4 = vector.load %arg3[%get3A_2, %get3A_3] : memref<832x128xf32, #tpu.memory_space<vmem>>, vector<832x128xf32>
    %dot_general3A = arith.constant dense<0.000000e+00> : vector<512x128xf32>
    %dot_general3A_5 = tpu.matmul %get3A_1, %get3A_4, %dot_general3A {dimension_numbers = #tpu.dot_dimension_numbers<[1], [0], [0], [1], [0, 0, 1, 1], [], []>, precision = #tpu.contract_precision<fp32>, transpose_lhs_hint = false} : vector<512x832xf32>, vector<832x128xf32>, vector<512x128xf32> -> vector<512x128xf32>
    %get3A_6 = arith.constant 0 : index
    %get3A_7 = arith.constant 0 : index
    %get3A_8 = vector.load %arg2[%get3A_6, %get3A_7] : memref<512x13xf32, #tpu.memory_space<vmem>>, vector<512x13xf32>
    %get3A_9 = arith.constant 0 : index
    %get3A_10 = arith.constant 0 : index
    %get3A_11 = vector.load %arg4[%get3A_9, %get3A_10] : memref<13x128xf32, #tpu.memory_space<vmem>>, vector<13x128xf32>
    %dot_general3A_12 = arith.constant dense<0.000000e+00> : vector<512x128xf32>
    %dot_general3A_13 = tpu.matmul %get3A_8, %get3A_11, %dot_general3A_12 {dimension_numbers = #tpu.dot_dimension_numbers<[1], [0], [0], [1], [0, 0, 1, 1], [], []>, precision = #tpu.contract_precision<fp32>, transpose_lhs_hint = false} : vector<512x13xf32>, vector<13x128xf32>, vector<512x128xf32> -> vector<512x128xf32>
    %add3A = arith.addf %dot_general3A_5, %dot_general3A_13 : vector<512x128xf32>
    %get3A_14 = arith.constant 0 : index
    %get3A_15 = arith.constant 0 : index
    %get3A_16 = vector.load %arg5[%get3A_14, %get3A_15] : memref<1x128xf32, #tpu.memory_space<vmem>>, vector<1x128xf32>
    %add3A_17 = vector.broadcast %get3A_16 : vector<1x128xf32> to vector<512x128xf32>
    %add3A_18 = arith.addf %add3A, %add3A_17 : vector<512x128xf32>
    %swap3A = arith.constant 0 : index
    %swap3A_19 = arith.constant 0 : index
    %swap3A_20 = vector.load %arg6[%swap3A, %swap3A_19] : memref<512x128xf32, #tpu.memory_space<vmem>>, vector<512x128xf32>
    tpu.vector_store %arg6[%swap3A, %swap3A_19], %add3A_18 {strides = array<i32>} : memref<512x128xf32, #tpu.memory_space<vmem>>, vector<512x128xf32>,
    return
  }
  func.func @transform_0(%arg0: i32) -> (i32, i32) {
    %c0_i32 = arith.constant 0 : i32
    %c0_i32_0 = arith.constant 0 : i32
    return %arg0, %c0_i32 : i32, i32
  }
  func.func @transform_1(%arg0: i32) -> (i32, i32) {
    %c0_i32 = arith.constant 0 : i32
    %c0_i32_0 = arith.constant 0 : i32
    return %arg0, %c0_i32 : i32, i32
  }
  func.func @transform_2(%arg0: i32) -> (i32, i32) {
    %c0_i32 = arith.constant 0 : i32
    %c0_i32_0 = arith.constant 0 : i32
    %c0_i32_1 = arith.constant 0 : i32
    return %c0_i32, %c0_i32_0 : i32, i32
  }
  func.func @transform_3(%arg0: i32) -> (i32, i32) {
    %c0_i32 = arith.constant 0 : i32
    %c0_i32_0 = arith.constant 0 : i32
    %c0_i32_1 = arith.constant 0 : i32
    return %c0_i32, %c0_i32_0 : i32, i32
  }
  func.func @transform_4(%arg0: i32) -> (i32, i32) {
    %c0_i32 = arith.constant 0 : i32
    %c0_i32_0 = arith.constant 0 : i32
    %c0_i32_1 = arith.constant 0 : i32
    return %c0_i32, %c0_i32_0 : i32, i32
  }
  func.func @transform_5(%arg0: i32) -> (i32, i32) {
    %c0_i32 = arith.constant 0 : i32
    %c0_i32_0 = arith.constant 0 : i32
    return %arg0, %c0_i32 : i32, i32
  }
}

</mosaic_0001>

<sc_bundles>
// kernel: kernel.4.cloned.1.call-start
scs
__scs_entry_jumppad:
0x0: {  	(pc) =	sbr.rel $0x88, $3  }
0x1: {  	(tag) =	ssettag $0x0;
	lr =	simm.s32 $0x1  }
0x2: {  	[smem:$0x3F9D] =	sst lr;
	_ =	strace $0xD0000000  }
0x3: {  	_ = 	snop  }
0x4: {  	_ = 	snop  }
0x5: {  	_ = 	snop  }
0x6: {  	_ = 	snop  }
0x7: {  	_ = 	snop  }
__scs_overlays_trampoline_lowered:
0x8: {  	[smem:$0x3FAC] =	sst s0  }
0x9: {  	[smem:$0x3FAD] =	sst s1  }
0xa: {  	[smem:$0x3FAE] =	sst s2  }
0xb: {  	[smem:$0x3FAF] =	sst s3  }
0xc: {  	[smem:$0x3FB0] =	sst s4  }
0xd: {  	[smem:$0x3FB1] =	sst s5  }
0xe: {  	[smem:$0x3FB2] =	sst s6  }
0xf: {  	[smem:$0x3FB3] =	sst s7  }
0x10: {  	[smem:$0x3FB4] =	sst s8  }
0x11: {  	[smem:$0x3FB5] =	sst s9;
	s0 =	simm.s32 @!p0 $0x0  }
0x12: {  	s1 =	sld [smem:$0x3F9B];
	s0 =	simm.s32 @p0 $0x1  }
0x13: {  	[smem:$0x3FB6] =	sst s0;
	s0 =	simm.s32 @!p1 $0x0  }
0x14: {  	s2 =	sld [smem:$0x3F9A];
	s0 =	simm.s32 @p1 $0x1  }
0x15: {  	[smem:$0x3FB7] =	sst s0;
	s0 =	simm.s32 @!p2 $0x0  }
0x16: {  	s3 =	sld [smem:$0x3FDB];
	s0 =	simm.s32 @p2 $0x1  }
0x17: {  	s4 =	simm.s32 $0x1BF5;
	[smem:$0x3FB9] =	sst s0  }
0x18: {  	s0 =	sld [smem:$0x3F9C];
	_ =	swait.ge [sflag:s4], $0x0  }
0x19: {  	s7 =	sld [smem:$0x3F9D]  }
0x1a: {  	s8 =	sadd.s32 $0xFFFFE003, lr  }
0x1b: {  	s9 =	sadd.s32 $0xFFFFFEF7, lr;
	s5 =	simm.s32 $0xFFFFFFFF;
	p2 =	slt.u32 s8, $0xFFFFF086  }
0x1c: {  	p1 =	slt.u32 s9, $0xF7A;
	s5 =	simm.s32 @!p2 $0x0  }
0x1d: {  	s5 =	simm.s32 @p1 $0x1;
	p0 =	seq.s32 s7, s2  }
0x1e: {  	s7 =	smul.u32 @!p0 $0xF7A, s2;
	p2 =	seq.s32 @!p0 s5, $0x0  }
0x1f: {  	s9 =	smul.u32 $0xF7A, s1;
	s8 =	simm.s32 @!p0 $0x1BF5;
	p2 =	por !p2, p0  }
0x20: {  	[sflag:s8] =	ssyncset.s32 @!p0 $0xFFFFF086;
	s6 =	sadd.s32 @!p0 s3, s7;
	s7 =	simm.s32 @!p0 $0x108  }
0x21: {  	s3 =	sadd.s32 s3, s9;
	s6 =	sadd.s32 @!p0 $0x88, s6;
	s7 =	simm.s32 @p2 $0x1082  }
0x22: {  	[simem:s7], [sflag:s8] =	dma.local @!p0 [hbm:s6], $0xF7A  }
0x23: {  	s9 =	sor.u32 $0xD0000000, s2;
	s6 =	simm.s32 $0x108;
	_ =	swait.ge @!p0 [sflag:s8], $0x0  }
0x24: {  	s3 =	sadd.s32 $0x88, s3;
	s6 =	simm.s32 @!p1 $0x1082;
	[sflag:s4] =	ssyncset.s32 $0xFFFFF086  }
0x25: {  	[simem:s6], [sflag:s4] =	dma.local [hbm:s3], $0xF7A  }
0x26: {  	[smem:$0x3F9D] =	sst s1;
	(tag) =	ssettag s2;
	_ =	strace s9  }
0x27: {  	s1 =	sld [smem:$0x3FAD]  }
0x28: {  	s2 =	sld [smem:$0x3FAE]  }
0x29: {  	s4 =	sld [smem:$0x3FB0]  }
0x2a: {  	p0 =	seq.s32 s5, $0x0;
	s5 =	sld [smem:$0x3FB1]  }
0x2b: {  	s6 =	sld [smem:$0x3FB2]  }
0x2c: {  	s7 =	sld [smem:$0x3FB3]  }
0x2d: {  	s3 =	simm.s32 $0x108;
	s8 =	sld [smem:$0x3FB4]  }
0x2e: {  	s3 =	simm.s32 @!p0 $0x1082;
	s9 =	sld [smem:$0x3FB5]  }
0x2f: {  	lr =	sadd.s32 s0, s3;
	s0 =	sld [smem:$0x3FAC]  }
0x30: {  	s3 =	sld [smem:$0x3FAF]  }
0x31: {  	[smem:$0x3FB8] =	sst s10  }
0x32: {  	s10 =	sld [smem:$0x3FB6];
	_ =	sdelay $0x3  }
0x33: {  	p0 =	seq.s32 s10, $0x1;
	s10 =	sld [smem:$0x3FB8];
	_ =	sdelay $0x3  }
0x34: {  	[smem:$0x3FB8] =	sst s10  }
0x35: {  	s10 =	sld [smem:$0x3FB7];
	_ =	sdelay $0x3  }
0x36: {  	p1 =	seq.s32 s10, $0x1;
	s10 =	sld [smem:$0x3FB8];
	_ =	sdelay $0x3  }
0x37: {  	[smem:$0x3FB8] =	sst s10  }
0x38: {  	s10 =	sld [smem:$0x3FB9]  }
0x39: {  	_ = 	snop;
	(pc) =	sbr.ind lr, $3  }
0x3a: {  	_ = 	snop  }
0x3b: {  	_ = 	snop  }
0x3c: {  	p2 =	seq.s32 s10, $0x1;
	s10 =	sld [smem:$0x3FB8]  }
0x3d: {  	_ =	shalt  }
0x3e: {  	_ =	shalt  }
0x3f: {  	_ =	shalt  }
0x40: {  	_ =	shalt  }
0x41: {  	_ =	shalt  }
0x42: {  	_ =	shalt  }
0x43: {  	_ =	shalt  }
0x44: {  	_ =	shalt  }
0x45: {  	_ =	shalt  }
0x46: {  	_ =	shalt  }
0x47: {  	_ =	shalt  }
0x48: {  	_ =	shalt  }
0x49: {  	_ =	shalt  }
0x4a: {  	_ =	shalt  }
0x4b: {  	_ =	shalt  }
0x4c: {  	_ =	shalt  }
0x4d: {  	_ =	shalt  }
0x4e: {  	_ =	shalt  }
0x4f: {  	_ =	shalt  }
0x50: {  	_ =	shalt  }
0x51: {  	_ =	shalt  }
0x52: {  	_ =	shalt  }
0x53: {  	_ =	shalt  }
0x54: {  	_ =	shalt  }
0x55: {  	_ =	shalt  }
0x56: {  	_ =	shalt  }
0x57: {  	_ =	shalt  }
0x58: {  	_ =	shalt  }
0x59: {  	_ =	shalt  }
0x5a: {  	_ =	shalt  }
0x5b: {  	_ =	shalt  }
0x5c: {  	_ =	shalt  }
0x5d: {  	_ =	shalt  }
0x5e: {  	_ =	shalt  }
0x5f: {  	_ =	shalt  }
0x60: {  	_ =	shalt  }
0x61: {  	_ =	shalt  }
0x62: {  	_ =	shalt  }
0x63: {  	_ =	shalt  }
0x64: {  	_ =	shalt  }
0x65: {  	_ =	shalt  }
0x66: {  	_ =	shalt  }
0x67: {  	_ =	shalt  }
0x68: {  	_ =	shalt  }
0x69: {  	_ =	shalt  }
0x6a: {  	_ =	shalt  }
0x6b: {  	_ =	shalt  }
0x6c: {  	_ =	shalt  }
0x6d: {  	_ =	shalt  }
0x6e: {  	_ =	shalt  }
0x6f: {  	_ =	shalt  }
0x70: {  	_ =	shalt  }
0x71: {  	_ =	shalt  }
0x72: {  	_ =	shalt  }
0x73: {  	_ =	shalt  }
0x74: {  	_ =	shalt  }
0x75: {  	_ =	shalt  }
0x76: {  	_ =	shalt  }
0x77: {  	_ =	shalt  }
0x78: {  	_ =	shalt  }
0x79: {  	_ =	shalt  }
0x7a: {  	_ =	shalt  }
0x7b: {  	_ =	shalt  }
0x7c: {  	_ =	shalt  }
0x7d: {  	_ =	shalt  }
0x7e: {  	_ =	shalt  }
0x7f: {  	_ =	shalt  }
0x80: {  	_ =	shalt  }
0x81: {  	_ =	shalt  }
0x82: {  	_ =	shalt  }
0x83: {  	_ =	shalt  }
0x84: {  	_ =	shalt  }
0x85: {  	_ =	shalt  }
0x86: {  	_ =	shalt  }
0x87: {  	_ =	shalt  }
.Lfunc_end0:
.L_simem_size_0:
called_computation_lowered:
.L_overlay_start_0:
0x88: {  	s2 =	sld [smem:$0x3FD9]  }
0x89: {  	s3 =	sld [smem:$0x3FFE];
	_ =	sdelay $0x1  }
0x8a: {  	s1 =	srdreg.scid  }
0x8b: {  	s0 =	sand.u32 $0x1, s1  }
0x8c: {  	s17 =	sshll.u32 s0, $0xA;
	s2 =	sadd.s32 s3, s2  }
0x8d: {  	s2 =	sadd.s32 s2, s17  }
0x8e: {  	[smem:$0x3FC4] =	sst s2  }
0x8f: {  	_ = 	snop  }
0x90: {  	s2 =	sld [smem:$0x3FD0];
	(tm) =	ssettm $0x1  }
0x91: {  	s18 =	sld [smem:$0x3FFB];
	_ =	sdelay $0x3  }
0x92: {  	_ =	strace s18  }
0x93: {  	s3 =	sld [smem:$0x3FFC];
	_ =	sdelay $0x3  }
0x94: {  	_ =	strace s3  }
0x95: {  	s3 =	sld [smem:$0x3FFD];
	_ =	sdelay $0x3  }
0x96: {  	_ =	strace s3  }
0x97: {  	_ =	strace $0x8FFFFFFF  }
0x98: {  	s19 =	sld [smem:$0x3FDB];
	_ =	sdelay $0x1  }
0x99: {  	s4 =	simm.s32 $_scs_section_size  }
0x9a: {  	s5 =	simm.s32 $_size__tile_overlayer_lowered;
	s6 =	simm.s32 $_tile_overlayer_lowered  }
0x9b: {  	s22 =	simm.s32 $0x1BFF;
	s21 =	sshll.u32 s6, $0x1;
	s3 =	sadd.s32 s4, s19  }
0x9c: {  	s7 =	simm.s32 $0x0;
	s20 =	sshll.u32 s5, $0x1;
	s5 =	sadd.s32 s21, s3  }
0x9d: {  	[timem:s7], [sflag:s22] =	dma.local [hbm:s5], s20  }
0x9e: {  	_ =	swait.ge [sflag:s22], s20  }
0x9f: {  	s4 =	ssub.s32 $0x0, s20;
	[sflag:s22] =	ssyncset.done $0x0  }
0xa0: {  	[sflag:s22] =	ssyncadd.s32 s4;
	_ =	sdelay $0x1  }
0xa1: {  	s23 =	simm.s32 $0x1B8B  }
0xa2: {  	_ =	swait.ge [sflag:s23], $0x1  }
0xa3: {  	[sflag:s23] =	ssyncset.done $0x0  }
0xa4: {  	s25 =	simm.s32 $0x1B8E;
	s24 =	sld [smem:$0x3FFE];
	[sflag:s23] =	ssyncadd.s32 $0xFFFFFFFF  }
0xa5: {  	s26 =	simm.s32 $execute0_lowered;
	[smem:$0x3FD2] =	sst s25  }
0xa6: {  	s5 =	sshll.u32 s26, $0x1;
	_ =	strace $0x80000046;
	[dreg:$0x1] =	wrdreg $0xFFFFFFFF  }
0xa7: {  	s28 =	simm.s32 $_size_execute0_lowered;
	s3 =	sadd.s32 s3, s5;
	[dreg:$0x0] =	wrdreg $0x0  }
0xa8: {  	s5 =	sshll.u32 s28, $0x1;
	[dreg:$0x2] =	wrdreg s3  }
0xa9: {  	[dreg:$0x3] =	wrdreg s5  }
0xaa: {  	[dreg:$0x4] =	wrdreg $0xC0  }
0xab: {  	_ =	task [dreg:s7], $0x5FFFF  }
0xac: {  	[dreg:$0x1] =	wrdreg $0xFFFFFFFF  }
0xad: {  	[dreg:$0x0] =	wrdreg $0x60  }
0xae: {  	[dreg:$0x2] =	wrdreg s2  }
0xaf: {  	[dreg:$0x3] =	wrdreg s24  }
0xb0: {  	[dreg:$0x4] =	wrdreg $0x9  }
0xb1: {  	_ =	task.clear_ibuf [dreg:s7], $0x5FFFF;
	_ =	strace $0x90000046  }
0xb2: {  	s29 =	simm.s32 $0x9;
	_ =	strace $0x80000048  }
0xb3: {  	_ =	swait.ge [sflag:s29], $0x1  }
0xb4: {  	[sflag:s29] =	ssyncadd.s32 $0xFFFFFFFF  }
0xb5: {  	_ =	strace $0x90000048  }
0xb6: {  	_ =	sfence  }
0xb7: {  	s30 =	sld [smem:$0x0];
	_ =	sdelay $0x2  }
0xb8: {  	s31 =	sshll.u32 s1, $0xD;
	s1 =	sshrl.u32 s1, $0x2  }
0xb9: {  	s3 =	sand.u32 $0x4000, s31;
	s1 =	sadd.s32 s1, s30  }
0xba: {  	s0 =	sor.u32 s3, s0;
	s1 =	sshll.u32 s1, $0x11  }
0xbb: {  	s0 =	sor.u32 s1, s0  }
0xbc: {  	s0 =	sadd.s32 $0x8F2B, s0  }
0xbd: {  	[sflag:s0] =	ssyncadd.remote.s32 $0x1  }
0xbe: {  	_ =	sfence.sel $0xFFFF  }
0xbf: {  	[dreg:$0x0] =	wrdreg $0xFFFFFFFF;
	(pc) =	sbr.abs _section_cstart, $3  }
0xc0: {  	[dreg:$0x1] =	wrdreg $0xFFFFFFFF  }
0xc1: {  	_ =	task.clear_ibuf [dreg:s7], $0x2FFFF;
	_ =	strace $0x9FFFFFFF  }
0xc2: {  	(tm) =	ssettm $0x7FFFFFFF  }
0xc3: {  	_ =	shalt  }
tec
execute0_lowered:
.L_overlay_start_1:
0x0: {  	(tag) =	ssettag $0x1  }
0x1: {  	s1 =	rddreg [dreg:$0x0]  }
0x2: {  	s2 =	srdreg.scid;
	s0 =	rddreg [dreg:$0x1];
	s16 =	simm.s32 $0x0  }
0x3: {  	s4 =	sand.u32 $0x1, s2;
	[smem:$0x7FF] =	sst s16  }
0x4: {  	s25 =	sadd.s32 $0x27ACE00, s0;
	[smem:$0x7FD] =	sst s4  }
0x5: {  	s26 =	sadd.s32 $0x280E880, s0;
	_ =	strace $0x80000047;
	[dreg:$0x3] =	wrdreg s25  }
0x6: {  	s28 =	sadd.s32 $0x2870300, s0;
	[dreg:$0x5] =	wrdreg s26  }
0x7: {  	s29 =	sadd.s32 $0x28D1D80, s0;
	[dreg:$0x6] =	wrdreg s28  }
0x8: {  	s30 =	sadd.s32 $0x2933800, s0;
	[dreg:$0x7] =	wrdreg s29  }
0x9: {  	s3 =	stileid.u32;
	s31 =	sadd.s32 $0x2995280, s0;
	[dreg:$0x8] =	wrdreg s30  }
0xa: {  	s23 =	sshll.u32 s3, $0x1;
	s3 =	sadd.s32 $0x29F6D00, s0;
	[dreg:$0x9] =	wrdreg s31  }
0xb: {  	s2 =	sor.u32 s4, s23;
	s4 =	sadd.s32 $0x2A58780, s0;
	[dreg:$0xa] =	wrdreg s3  }
0xc: {  	s5 =	sadd.s32 $0x2ABA200, s0;
	[dreg:$0xb] =	wrdreg s4  }
0xd: {  	s6 =	sadd.s32 $0x2B1BC80, s0;
	[dreg:$0xc] =	wrdreg s5  }
0xe: {  	s7 =	sadd.s32 $0x2B7D700, s0;
	[dreg:$0xd] =	wrdreg s6  }
0xf: {  	s8 =	sadd.s32 $0x2BDF180, s0;
	[dreg:$0xe] =	wrdreg s7  }
0x10: {  	s9 =	sadd.s32 $0x2C40C00, s0;
	[dreg:$0xf] =	wrdreg s8  }
0x11: {  	s10 =	sadd.s32 $0x2CA2680, s0;
	[dreg:$0x10] =	wrdreg s9  }
0x12: {  	s11 =	sadd.s32 $0x2D04100, s0;
	[dreg:$0x11] =	wrdreg s10  }
0x13: {  	s12 =	sadd.s32 $0x2D65B80, s0;
	[dreg:$0x12] =	wrdreg s11  }
0x14: {  	s13 =	sadd.s32 $0x2DC7600, s0;
	[dreg:$0x13] =	wrdreg s12  }
0x15: {  	s14 =	sadd.s32 $0x2E29080, s0;
	[dreg:$0x14] =	wrdreg s13  }
0x16: {  	s15 =	sadd.s32 $0x2E8AB00, s0;
	[dreg:$0x15] =	wrdreg s14  }
0x17: {  	s17 =	sadd.s32 $0x2EEC580, s0;
	[dreg:$0x16] =	wrdreg s15  }
0x18: {  	s18 =	sadd.s32 $0x2F4E000, s0;
	[dreg:$0x17] =	wrdreg s17  }
0x19: {  	s19 =	sadd.s32 $0x2FAFA80, s0;
	[dreg:$0x18] =	wrdreg s18  }
0x1a: {  	s20 =	sadd.s32 $0x3011500, s0;
	[dreg:$0x19] =	wrdreg s19  }
0x1b: {  	s21 =	sadd.s32 $0x3072F80, s0;
	[dreg:$0x1a] =	wrdreg s20  }
0x1c: {  	s22 =	sadd.s32 $0x30D4A00, s0;
	[dreg:$0x1b] =	wrdreg s21  }
0x1d: {  	s24 =	smul.u32 $0x1A0, s2;
	[dreg:$0x1c] =	wrdreg s22;
	s21 =	simm.s32 $0x100  }
0x1e: {  	s2 =	smul.u32 $0x3400, s2;
	s22 =	simm.s32 $0x180;
	[smem:$0x7D2] =	sst s21  }
0x1f: {  	[smem:$0x7CE] =	sst s22;
	s1 =	sadd.s32 s1, s24  }
0x20: {  	s2 =	sadd.s32 s2, s0;
	s0 =	sadd.s32 $0x3136480, s0;
	[dreg:$0x4] =	wrdreg s1  }
0x21: {  	[dreg:$0x1d] =	wrdreg s0;
	s23 =	sadd.s32 $0xA00, s2  }
0x22: {  	s24 =	sadd.s32 $0xA04, s2;
	[dreg:$0x1e] =	wrdreg s23  }
0x23: {  	s25 =	sadd.s32 $0xA08, s2;
	[dreg:$0x1f] =	wrdreg s24  }
0x24: {  	s26 =	sadd.s32 $0xA0C, s2;
	[smem:$0x7E5] =	sst s25  }
0x25: {  	s28 =	sadd.s32 $0xA10, s2;
	[smem:$0x7E6] =	sst s26  }
0x26: {  	s29 =	sadd.s32 $0xA14, s2;
	[smem:$0x7E7] =	sst s28  }
0x27: {  	s30 =	sadd.s32 $0xA18, s2;
	[smem:$0x7E8] =	sst s29  }
0x28: {  	s31 =	sadd.s32 $0xA1C, s2;
	[smem:$0x7E9] =	sst s30  }
0x29: {  	s1 =	sadd.s32 $0xA20, s2;
	[smem:$0x7EA] =	sst s31  }
0x2a: {  	s3 =	sadd.s32 $0xA24, s2;
	[smem:$0x7EB] =	sst s1  }
0x2b: {  	s4 =	sadd.s32 $0xA28, s2;
	[smem:$0x7EC] =	sst s3  }
0x2c: {  	s5 =	sadd.s32 $0xA2C, s2;
	[smem:$0x7ED] =	sst s4  }
0x2d: {  	s6 =	sadd.s32 $0xA30, s2;
	[smem:$0x7EE] =	sst s5  }
0x2e: {  	s7 =	sadd.s32 $0xA34, s2;
	[smem:$0x7EF] =	sst s6  }
0x2f: {  	s8 =	sadd.s32 $0xA38, s2;
	[smem:$0x7F0] =	sst s7  }
0x30: {  	s9 =	sadd.s32 $0xA3C, s2;
	[smem:$0x7F1] =	sst s8  }
0x31: {  	s10 =	sadd.s32 $0xA40, s2;
	[smem:$0x7F2] =	sst s9  }
0x32: {  	s11 =	sadd.s32 $0xA44, s2;
	[smem:$0x7F3] =	sst s10  }
0x33: {  	s12 =	sadd.s32 $0xA48, s2;
	[smem:$0x7F4] =	sst s11  }
0x34: {  	s13 =	sadd.s32 $0xA4C, s2;
	[smem:$0x7F5] =	sst s12  }
0x35: {  	s14 =	sadd.s32 $0xA50, s2;
	[smem:$0x7F6] =	sst s13  }
0x36: {  	s15 =	sadd.s32 $0xA54, s2;
	[smem:$0x7F7] =	sst s14  }
0x37: {  	s17 =	sadd.s32 $0xA58, s2;
	[smem:$0x7F8] =	sst s15  }
0x38: {  	s18 =	sadd.s32 $0xA5C, s2;
	[smem:$0x7F9] =	sst s17  }
0x39: {  	s19 =	sadd.s32 $0xA60, s2;
	[smem:$0x7FA] =	sst s18  }
0x3a: {  	s20 =	sadd.s32 $0xA64, s2;
	[smem:$0x7FB] =	sst s19  }
0x3b: {  	s2 =	simm.s32 $0x680;
	[smem:$0x7FC] =	sst s20  }
0x3c: {  	[smem:$0x7D8] =	sst s2  }
0x3d: {  	s23 =	simm.s32 $0x200;
	s14 =	rddreg [dreg:$0x4]  }
0x3e: {  	s24 =	simm.s32 $0x280;
	[smem:$0x7D3] =	sst s23  }
0x3f: {  	s25 =	simm.s32 $0x300;
	[smem:$0x7D1] =	sst s24  }
0x40: {  	s26 =	simm.s32 $0x380;
	[smem:$0x7D4] =	sst s25  }
0x41: {  	s28 =	simm.s32 $0x400;
	[smem:$0x7D0] =	sst s26  }
0x42: {  	s29 =	simm.s32 $0x480;
	[smem:$0x7D5] =	sst s28  }
0x43: {  	s30 =	simm.s32 $0x500;
	[smem:$0x7CF] =	sst s29  }
0x44: {  	s31 =	simm.s32 $0x580;
	[smem:$0x7D6] =	sst s30  }
0x45: {  	s1 =	simm.s32 $0x600;
	[smem:$0x7CD] =	sst s31  }
0x46: {  	s3 =	simm.s32 $0x700;
	[smem:$0x7D7] =	sst s1  }
0x47: {  	s4 =	simm.s32 $0x780;
	[smem:$0x7D9] =	sst s3  }
0x48: {  	s5 =	simm.s32 $0x800;
	[smem:$0x7DA] =	sst s4  }
0x49: {  	s6 =	simm.s32 $0x880;
	[smem:$0x7DB] =	sst s5  }
0x4a: {  	s7 =	simm.s32 $0x900;
	[smem:$0x7DC] =	sst s6  }
0x4b: {  	s8 =	simm.s32 $0x980;
	[smem:$0x7DD] =	sst s7  }
0x4c: {  	s9 =	simm.s32 $0xA00;
	[smem:$0x7DE] =	sst s8  }
0x4d: {  	s10 =	simm.s32 $0xA80;
	[smem:$0x7DF] =	sst s9  }
0x4e: {  	s11 =	simm.s32 $0xB00;
	[smem:$0x7E0] =	sst s10  }
0x4f: {  	s12 =	simm.s32 $0xB80;
	[smem:$0x7E1] =	sst s11  }
0x50: {  	s13 =	simm.s32 $0xC00;
	[smem:$0x7E2] =	sst s12  }
0x51: {  	s15 =	simm.s32 $0xC80;
	[smem:$0x7E3] =	sst s13  }
0x52: {  	s17 =	simm.s32 $0x3;
	[smem:$0x7E4] =	sst s15  }
0x53: {  	[tilespmem:s16], [sflag:$0x3] =	stream.linear.gather [hbm4b:s14+s16], $0xD00, $0x38;
	[tilespmem:$0x1AD00] =	vst v63  }
0x54: {  	_ =	swait.ge [sflag:s17], $0xD00  }
0x55: {  	s18 =	sld [smem:$0x7CD]  }
0x56: {  	s20 =	rddreg [dreg:$0x7]  }
0x57: {  	s21 =	sld [smem:$0x7CE]  }
0x58: {  	s5 =	sld [smem:$0x7CF]  }
0x59: {  	s7 =	rddreg [dreg:$0x6]  }
0x5a: {  	s8 =	sld [smem:$0x7D0]  }
0x5b: {  	s9 =	rddreg [dreg:$0x5]  }
0x5c: {  	s11 =	sld [smem:$0x7D1]  }
0x5d: {  	s10 =	sld [smem:$0x7D2]  }
0x5e: {  	s12 =	rddreg [dreg:$0x3]  }
0x5f: {  	s4 =	simm.s32 $0x80;
	s13 =	rddreg [dreg:$0x8];
	[sflag:s17] =	ssyncset.done $0x0  }
0x60: {  	s6 =	simm.s32 $0xD00;
	s14 =	sld [smem:$0x7D3];
	[sflag:s17] =	ssyncadd.s32 $0xFFFFF300  }
0x61: {  	[tilespmem:s6], [sflag:$0x1] =	stream.indirect.gather [hbm4b:s12+s4], $0x20, s16, s4, $0xb8;
	[tilespmem:$0x1AD00] =	vst v63  }
0x62: {  	s22 =	simm.s32 $0x1D00;
	s15 =	rddreg [dreg:$0x9]  }
0x63: {  	[tilespmem:s22], [sflag:$0x1] =	stream.indirect.gather [hbm4b:s9+s4], $0x20, s4, s4, $0xb8;
	[tilespmem:$0x1AD00] =	vst v63  }
0x64: {  	s19 =	simm.s32 $0x2D00;
	s23 =	sld [smem:$0x7D4]  }
0x65: {  	[tilespmem:s19], [sflag:$0x1] =	stream.indirect.gather [hbm4b:s7+s4], $0x20, s10, s4, $0xb8;
	[tilespmem:$0x1AD00] =	vst v63  }
0x66: {  	s24 =	rddreg [dreg:$0xa];
	s16 =	simm.s32 $0x3D00  }
0x67: {  	[tilespmem:s16], [sflag:$0x1] =	stream.indirect.gather [hbm4b:s20+s4], $0x20, s21, s4, $0xb8;
	[tilespmem:$0x1AD00] =	vst v63  }
0x68: {  	s25 =	rddreg [dreg:$0xb];
	s20 =	simm.s32 $0x4D00  }
0x69: {  	[tilespmem:s20], [sflag:$0x1] =	stream.indirect.gather [hbm4b:s13+s4], $0x20, s14, s4, $0xb8;
	[tilespmem:$0x1AD00] =	vst v63  }
0x6a: {  	s26 =	sld [smem:$0x7D5];
	s13 =	simm.s32 $0x5D00  }
0x6b: {  	[tilespmem:s13], [sflag:$0x1] =	stream.indirect.gather [hbm4b:s15+s4], $0x20, s11, s4, $0xb8;
	[tilespmem:$0x1AD00] =	vst v63  }
0x6c: {  	s28 =	rddreg [dreg:$0xc];
	s11 =	simm.s32 $0x6D00  }
0x6d: {  	[tilespmem:s11], [sflag:$0x1] =	stream.indirect.gather [hbm4b:s24+s4], $0x20, s23, s4, $0xb8;
	[tilespmem:$0x1AD00] =	vst v63  }
0x6e: {  	s29 =	rddreg [dreg:$0xd];
	s12 =	simm.s32 $0x7D00  }
0x6f: {  	[tilespmem:s12], [sflag:$0x1] =	stream.indirect.gather [hbm4b:s25+s4], $0x20, s8, s4, $0xb8;
	[tilespmem:$0x1AD00] =	vst v63  }
0x70: {  	s30 =	sld [smem:$0x7D6];
	s10 =	simm.s32 $0x8D00  }
0x71: {  	[tilespmem:s10], [sflag:$0x1] =	stream.indirect.gather [hbm4b:s28+s4], $0x20, s26, s4, $0xb8;
	[tilespmem:$0x1AD00] =	vst v63  }
0x72: {  	s31 =	rddreg [dreg:$0xe];
	s8 =	simm.s32 $0x9D00  }
0x73: {  	[tilespmem:s8], [sflag:$0x1] =	stream.indirect.gather [hbm4b:s29+s4], $0x20, s5, s4, $0xb8;
	[tilespmem:$0x1AD00] =	vst v63  }
0x74: {  	s3 =	rddreg [dreg:$0xf];
	s14 =	simm.s32 $0xAD00  }
0x75: {  	[tilespmem:s14], [sflag:$0x1] =	stream.indirect.gather [hbm4b:s31+s4], $0x20, s30, s4, $0xb8;
	[tilespmem:$0x1AD00] =	vst v63  }
0x76: {  	s6 =	sld [smem:$0x7D7];
	s9 =	simm.s32 $0xBD00  }
0x77: {  	[tilespmem:s9], [sflag:$0x1] =	stream.indirect.gather [hbm4b:s3+s4], $0x20, s18, s4, $0xb8;
	[tilespmem:$0x1AD00] =	vst v63  }
0x78: {  	s7 =	rddreg [dreg:$0x10];
	s15 =	simm.s32 $0xCD00;
	s18 =	simm.s32 $0x1  }
0x79: {  	[tilespmem:s15], [sflag:$0x1] =	stream.indirect.gather [hbm4b:s7+s4], $0x20, s6, s4, $0xb8;
	[tilespmem:$0x1AD00] =	vst v63  }
0x7a: {  	_ =	swait.ge [sflag:s18], $0x1000  }
0x7b: {  	[sflag:s18] =	ssyncset.done $0x0  }
0x7c: {  	[sflag:s18] =	ssyncadd.s32 $0xFFFFF000  }
0x7d: {  	_ =	swait.ge [sflag:s18], $0x1000  }
0x7e: {  	[sflag:s18] =	ssyncset.done $0x0  }
0x7f: {  	[sflag:s18] =	ssyncadd.s32 $0xFFFFF000  }
0x80: {  	_ =	swait.ge [sflag:s18], $0x1000  }
0x81: {  	[sflag:s18] =	ssyncset.done $0x0  }
0x82: {  	[sflag:s18] =	ssyncadd.s32 $0xFFFFF000  }
0x83: {  	_ =	swait.ge [sflag:s18], $0x1000  }
0x84: {  	[sflag:s18] =	ssyncset.done $0x0  }
0x85: {  	[sflag:s18] =	ssyncadd.s32 $0xFFFFF000  }
0x86: {  	_ =	swait.ge [sflag:s18], $0x1000  }
0x87: {  	[sflag:s18] =	ssyncset.done $0x0  }
0x88: {  	[sflag:s18] =	ssyncadd.s32 $0xFFFFF000  }
0x89: {  	_ =	swait.ge [sflag:s18], $0x1000  }
0x8a: {  	[sflag:s18] =	ssyncset.done $0x0  }
0x8b: {  	[sflag:s18] =	ssyncadd.s32 $0xFFFFF000  }
0x8c: {  	_ =	swait.ge [sflag:s18], $0x1000  }
0x8d: {  	[sflag:s18] =	ssyncset.done $0x0  }
0x8e: {  	[sflag:s18] =	ssyncadd.s32 $0xFFFFF000  }
0x8f: {  	_ =	swait.ge [sflag:s18], $0x1000  }
0x90: {  	[sflag:s18] =	ssyncset.done $0x0  }
0x91: {  	[sflag:s18] =	ssyncadd.s32 $0xFFFFF000  }
0x92: {  	_ =	swait.ge [sflag:s18], $0x1000  }
0x93: {  	[sflag:s18] =	ssyncset.done $0x0  }
0x94: {  	[sflag:s18] =	ssyncadd.s32 $0xFFFFF000  }
0x95: {  	_ =	swait.ge [sflag:s18], $0x1000  }
0x96: {  	[sflag:s18] =	ssyncset.done $0x0  }
0x97: {  	[sflag:s18] =	ssyncadd.s32 $0xFFFFF000  }
0x98: {  	_ =	swait.ge [sflag:s18], $0x1000  }
0x99: {  	[sflag:s18] =	ssyncset.done $0x0  }
0x9a: {  	[sflag:s18] =	ssyncadd.s32 $0xFFFFF000  }
0x9b: {  	_ =	swait.ge [sflag:s18], $0x1000  }
0x9c: {  	[sflag:s18] =	ssyncset.done $0x0  }
0x9d: {  	[sflag:s18] =	ssyncadd.s32 $0xFFFFF000  }
0x9e: {  	_ =	swait.ge [sflag:s18], $0x1000  }
0x9f: {  	s17 =	rddreg [dreg:$0x13]  }
0xa0: {  	s22 =	rddreg [dreg:$0x11]  }
0xa1: {  	s23 =	sld [smem:$0x7D8]  }
0xa2: {  	s24 =	rddreg [dreg:$0x12]  }
0xa3: {  	s25 =	sld [smem:$0x7D9]  }
0xa4: {  	s26 =	sld [smem:$0x7DA]  }
0xa5: {  	s28 =	sld [smem:$0x7DB]  }
0xa6: {  	s29 =	rddreg [dreg:$0x14]  }
0xa7: {  	s30 =	sld [smem:$0x7DC]  }
0xa8: {  	s31 =	rddreg [dreg:$0x15]  }
0xa9: {  	s3 =	sld [smem:$0x7DD]  }
0xaa: {  	[sflag:s18] =	ssyncset.done $0x0;
	s5 =	rddreg [dreg:$0x16]  }
0xab: {  	s21 =	simm.s32 $0xDD00;
	s6 =	sld [smem:$0x7DE];
	[sflag:s18] =	ssyncadd.s32 $0xFFFFF000  }
0xac: {  	[tilespmem:s21], [sflag:$0x1] =	stream.indirect.gather [hbm4b:s22+s4], $0x20, s23, s4, $0xb8;
	[tilespmem:$0x1AD00] =	vst v63  }
0xad: {  	s7 =	rddreg [dreg:$0x17];
	s22 =	simm.s32 $0xED00  }
0xae: {  	[tilespmem:s22], [sflag:$0x1] =	stream.indirect.gather [hbm4b:s24+s4], $0x20, s25, s4, $0xb8;
	[tilespmem:$0x1AD00] =	vst v63  }
0xaf: {  	s1 =	sld [smem:$0x7E3];
	s23 =	simm.s32 $0xFD00  }
0xb0: {  	[tilespmem:s23], [sflag:$0x1] =	stream.indirect.gather [hbm4b:s17+s4], $0x20, s26, s4, $0xb8;
	[tilespmem:$0x1AD00] =	vst v63  }
0xb1: {  	s2 =	rddreg [dreg:$0x1c];
	s24 =	simm.s32 $0x10D00  }
0xb2: {  	[tilespmem:s24], [sflag:$0x1] =	stream.indirect.gather [hbm4b:s29+s4], $0x20, s28, s4, $0xb8;
	[tilespmem:$0x1AD00] =	vst v63  }
0xb3: {  	s25 =	simm.s32 $0x11D00;
	s17 =	sld [smem:$0x7DF]  }
0xb4: {  	[tilespmem:s25], [sflag:$0x1] =	stream.indirect.gather [hbm4b:s31+s4], $0x20, s30, s4, $0xb8;
	[tilespmem:$0x1AD00] =	vst v63  }
0xb5: {  	s30 =	rddreg [dreg:$0x18]  }
0xb6: {  	s26 =	simm.s32 $0x12D00;
	s31 =	sld [smem:$0x7E0]  }
0xb7: {  	[tilespmem:s26], [sflag:$0x1] =	stream.indirect.gather [hbm4b:s5+s4], $0x20, s3, s4, $0xb8;
	[tilespmem:$0x1AD00] =	vst v63  }
0xb8: {  	s28 =	simm.s32 $0x13D00;
	s3 =	rddreg [dreg:$0x19]  }
0xb9: {  	[tilespmem:s28], [sflag:$0x1] =	stream.indirect.gather [hbm4b:s7+s4], $0x20, s6, s4, $0xb8;
	[tilespmem:$0x1AD00] =	vst v63  }
0xba: {  	s29 =	simm.s32 $0x14D00;
	s5 =	sld [smem:$0x7E1]  }
0xbb: {  	[tilespmem:s29], [sflag:$0x1] =	stream.indirect.gather [hbm4b:s30+s4], $0x20, s17, s4, $0xb8;
	[tilespmem:$0x1AD00] =	vst v63  }
0xbc: {  	s6 =	rddreg [dreg:$0x1a];
	s30 =	simm.s32 $0x15D00  }
0xbd: {  	[tilespmem:s30], [sflag:$0x1] =	stream.indirect.gather [hbm4b:s3+s4], $0x20, s31, s4, $0xb8;
	[tilespmem:$0x1AD00] =	vst v63  }
0xbe: {  	s7 =	sld [smem:$0x7E2];
	s31 =	simm.s32 $0x16D00  }
0xbf: {  	[tilespmem:s31], [sflag:$0x1] =	stream.indirect.gather [hbm4b:s6+s4], $0x20, s5, s4, $0xb8;
	[tilespmem:$0x1AD00] =	vst v63  }
0xc0: {  	s17 =	rddreg [dreg:$0x1b];
	s6 =	simm.s32 $0x17D00  }
0xc1: {  	[tilespmem:s6], [sflag:$0x1] =	stream.indirect.gather [hbm4b:s17+s4], $0x20, s7, s4, $0xb8;
	[tilespmem:$0x1AD00] =	vst v63  }
0xc2: {  	s3 =	simm.s32 $0x18D00;
	s5 =	sld [smem:$0x7E4]  }
0xc3: {  	[tilespmem:s3], [sflag:$0x1] =	stream.indirect.gather [hbm4b:s2+s4], $0x20, s1, s4, $0xb8;
	[tilespmem:$0x1AD00] =	vst v63  }
0xc4: {  	s7 =	rddreg [dreg:$0x1d];
	s1 =	simm.s32 $0x19D00  }
0xc5: {  	[tilespmem:s1], [sflag:$0x1] =	stream.indirect.gather [hbm4b:s7+s4], $0x20, s5, s4, $0xb8;
	[tilespmem:$0x1AD00] =	vst v63  }
0xc6: {  	_ =	swait.ge [sflag:s18], $0x1000  }
0xc7: {  	[sflag:s18] =	ssyncset.done $0x0  }
0xc8: {  	[sflag:s18] =	ssyncadd.s32 $0xFFFFF000  }
0xc9: {  	_ =	swait.ge [sflag:s18], $0x1000  }
0xca: {  	[sflag:s18] =	ssyncset.done $0x0  }
0xcb: {  	[sflag:s18] =	ssyncadd.s32 $0xFFFFF000  }
0xcc: {  	_ =	swait.ge [sflag:s18], $0x1000  }
0xcd: {  	[sflag:s18] =	ssyncset.done $0x0  }
0xce: {  	[sflag:s18] =	ssyncadd.s32 $0xFFFFF000  }
0xcf: {  	_ =	swait.ge [sflag:s18], $0x1000  }
0xd0: {  	[sflag:s18] =	ssyncset.done $0x0  }
0xd1: {  	[sflag:s18] =	ssyncadd.s32 $0xFFFFF000  }
0xd2: {  	_ =	swait.ge [sflag:s18], $0x1000  }
0xd3: {  	[sflag:s18] =	ssyncset.done $0x0  }
0xd4: {  	[sflag:s18] =	ssyncadd.s32 $0xFFFFF000  }
0xd5: {  	_ =	swait.ge [sflag:s18], $0x1000  }
0xd6: {  	[sflag:s18] =	ssyncset.done $0x0  }
0xd7: {  	[sflag:s18] =	ssyncadd.s32 $0xFFFFF000  }
0xd8: {  	_ =	swait.ge [sflag:s18], $0x1000  }
0xd9: {  	[sflag:s18] =	ssyncset.done $0x0  }
0xda: {  	[sflag:s18] =	ssyncadd.s32 $0xFFFFF000  }
0xdb: {  	_ =	swait.ge [sflag:s18], $0x1000  }
0xdc: {  	[sflag:s18] =	ssyncset.done $0x0  }
0xdd: {  	[sflag:s18] =	ssyncadd.s32 $0xFFFFF000  }
0xde: {  	_ =	swait.ge [sflag:s18], $0x1000  }
0xdf: {  	[sflag:s18] =	ssyncset.done $0x0  }
0xe0: {  	[sflag:s18] =	ssyncadd.s32 $0xFFFFF000  }
0xe1: {  	_ =	swait.ge [sflag:s18], $0x1000  }
0xe2: {  	[sflag:s18] =	ssyncset.done $0x0  }
0xe3: {  	[sflag:s18] =	ssyncadd.s32 $0xFFFFF000  }
0xe4: {  	_ =	swait.ge [sflag:s18], $0x1000  }
0xe5: {  	[sflag:s18] =	ssyncset.done $0x0  }
0xe6: {  	[sflag:s18] =	ssyncadd.s32 $0xFFFFF000  }
0xe7: {  	_ =	swait.ge [sflag:s18], $0x1000  }
0xe8: {  	[sflag:s18] =	ssyncset.done $0x0  }
0xe9: {  	[sflag:s18] =	ssyncadd.s32 $0xFFFFF000  }
0xea: {  	s0 =	simm.s32 $0x20;
	_ =	swait.ge [sflag:s18], $0x1000  }
0xeb: {  	s17 =	simm.s32 $0xD00;
	[sflag:s18] =	ssyncset.done $0x0;
	s5 =	rddreg [dreg:$0x1e]  }
0xec: {  	s2 =	simm.s32 $0x340;
	s7 =	rddreg [dreg:$0x1f];
	[sflag:s18] =	ssyncadd.s32 $0xFFFFF000  }
0xed: {  	[hbm4b:s5+s0] =	stream.strided.scatter [tilespmem:s17], [sflag:$0x2], $0x1000, s2, s0, $0x38;
	[tilespmem:$0x1AD00] =	vst v63  }
0xee: {  	s5 =	sld [smem:$0x7E5];
	s17 =	simm.s32 $0x1D00  }
0xef: {  	[hbm4b:s7+s0] =	stream.strided.scatter [tilespmem:s17], [sflag:$0x2], $0x1000, s2, s0, $0x38;
	[tilespmem:$0x1AD00] =	vst v63  }
0xf0: {  	s7 =	sld [smem:$0x7E6]  }
0xf1: {  	[hbm4b:s5+s0] =	stream.strided.scatter [tilespmem:s19], [sflag:$0x2], $0x1000, s2, s0, $0x38;
	[tilespmem:$0x1AD00] =	vst v63  }
0xf2: {  	s17 =	sld [smem:$0x7E7]  }
0xf3: {  	[hbm4b:s7+s0] =	stream.strided.scatter [tilespmem:s16], [sflag:$0x2], $0x1000, s2, s0, $0x38;
	[tilespmem:$0x1AD00] =	vst v63  }
0xf4: {  	s19 =	sld [smem:$0x7E8]  }
0xf5: {  	[hbm4b:s17+s0] =	stream.strided.scatter [tilespmem:s20], [sflag:$0x2], $0x1000, s2, s0, $0x38;
	[tilespmem:$0x1AD00] =	vst v63  }
0xf6: {  	s16 =	sld [smem:$0x7E9]  }
0xf7: {  	[hbm4b:s19+s0] =	stream.strided.scatter [tilespmem:s13], [sflag:$0x2], $0x1000, s2, s0, $0x38;
	[tilespmem:$0x1AD00] =	vst v63  }
0xf8: {  	s17 =	sld [smem:$0x7EA]  }
0xf9: {  	[hbm4b:s16+s0] =	stream.strided.scatter [tilespmem:s11], [sflag:$0x2], $0x1000, s2, s0, $0x38;
	[tilespmem:$0x1AD00] =	vst v63  }
0xfa: {  	s19 =	sld [smem:$0x7EB]  }
0xfb: {  	[hbm4b:s17+s0] =	stream.strided.scatter [tilespmem:s12], [sflag:$0x2], $0x1000, s2, s0, $0x38;
	[tilespmem:$0x1AD00] =	vst v63  }
0xfc: {  	s20 =	sld [smem:$0x7EC]  }
0xfd: {  	[hbm4b:s19+s0] =	stream.strided.scatter [tilespmem:s10], [sflag:$0x2], $0x1000, s2, s0, $0x38;
	[tilespmem:$0x1AD00] =	vst v63  }
0xfe: {  	s11 =	sld [smem:$0x7ED]  }
0xff: {  	[hbm4b:s20+s0] =	stream.strided.scatter [tilespmem:s8], [sflag:$0x2], $0x1000, s2, s0, $0x38;
	[tilespmem:$0x1AD00] =	vst v63  }
0x100: {  	s12 =	sld [smem:$0x7EE]  }
0x101: {  	[hbm4b:s11+s0] =	stream.strided.scatter [tilespmem:s14], [sflag:$0x2], $0x1000, s2, s0, $0x38;
	[tilespmem:$0x1AD00] =	vst v63  }
0x102: {  	s13 =	sld [smem:$0x7EF]  }
0x103: {  	[hbm4b:s12+s0] =	stream.strided.scatter [tilespmem:s9], [sflag:$0x2], $0x1000, s2, s0, $0x38;
	[tilespmem:$0x1AD00] =	vst v63  }
0x104: {  	s14 =	sld [smem:$0x7F0]  }
0x105: {  	[hbm4b:s13+s0] =	stream.strided.scatter [tilespmem:s15], [sflag:$0x2], $0x1000, s2, s0, $0x38;
	[tilespmem:$0x1AD00] =	vst v63  }
0x106: {  	s15 =	sld [smem:$0x7F1]  }
0x107: {  	[hbm4b:s14+s0] =	stream.strided.scatter [tilespmem:s21], [sflag:$0x2], $0x1000, s2, s0, $0x38;
	[tilespmem:$0x1AD00] =	vst v63  }
0x108: {  	s16 =	sld [smem:$0x7F2]  }
0x109: {  	[hbm4b:s15+s0] =	stream.strided.scatter [tilespmem:s22], [sflag:$0x2], $0x1000, s2, s0, $0x38;
	[tilespmem:$0x1AD00] =	vst v63  }
0x10a: {  	s17 =	sld [smem:$0x7F3]  }
0x10b: {  	[hbm4b:s16+s0] =	stream.strided.scatter [tilespmem:s23], [sflag:$0x2], $0x1000, s2, s0, $0x38;
	[tilespmem:$0x1AD00] =	vst v63  }
0x10c: {  	s19 =	sld [smem:$0x7F4]  }
0x10d: {  	[hbm4b:s17+s0] =	stream.strided.scatter [tilespmem:s24], [sflag:$0x2], $0x1000, s2, s0, $0x38;
	[tilespmem:$0x1AD00] =	vst v63  }
0x10e: {  	s20 =	sld [smem:$0x7F5]  }
0x10f: {  	[hbm4b:s19+s0] =	stream.strided.scatter [tilespmem:s25], [sflag:$0x2], $0x1000, s2, s0, $0x38;
	[tilespmem:$0x1AD00] =	vst v63  }
0x110: {  	s21 =	sld [smem:$0x7F6]  }
0x111: {  	[hbm4b:s20+s0] =	stream.strided.scatter [tilespmem:s26], [sflag:$0x2], $0x1000, s2, s0, $0x38;
	[tilespmem:$0x1AD00] =	vst v63  }
0x112: {  	s22 =	sld [smem:$0x7F7]  }
0x113: {  	[hbm4b:s21+s0] =	stream.strided.scatter [tilespmem:s28], [sflag:$0x2], $0x1000, s2, s0, $0x38;
	[tilespmem:$0x1AD00] =	vst v63  }
0x114: {  	s23 =	sld [smem:$0x7F8]  }
0x115: {  	[hbm4b:s22+s0] =	stream.strided.scatter [tilespmem:s29], [sflag:$0x2], $0x1000, s2, s0, $0x38;
	[tilespmem:$0x1AD00] =	vst v63  }
0x116: {  	s24 =	sld [smem:$0x7F9]  }
0x117: {  	[hbm4b:s23+s0] =	stream.strided.scatter [tilespmem:s30], [sflag:$0x2], $0x1000, s2, s0, $0x38;
	[tilespmem:$0x1AD00] =	vst v63  }
0x118: {  	s25 =	sld [smem:$0x7FA]  }
0x119: {  	[hbm4b:s24+s0] =	stream.strided.scatter [tilespmem:s31], [sflag:$0x2], $0x1000, s2, s0, $0x38;
	[tilespmem:$0x1AD00] =	vst v63  }
0x11a: {  	s26 =	sld [smem:$0x7FB]  }
0x11b: {  	[hbm4b:s25+s0] =	stream.strided.scatter [tilespmem:s6], [sflag:$0x2], $0x1000, s2, s0, $0x38;
	[tilespmem:$0x1AD00] =	vst v63  }
0x11c: {  	s28 =	sld [smem:$0x7FC]  }
0x11d: {  	[hbm4b:s26+s0] =	stream.strided.scatter [tilespmem:s3], [sflag:$0x2], $0x1000, s2, s0, $0x38;
	[tilespmem:$0x1AD00] =	vst v63  }
0x11e: {  	s5 =	simm.s32 $0x2  }
0x11f: {  	[hbm4b:s28+s0] =	stream.strided.scatter [tilespmem:s1], [sflag:$0x2], $0x1000, s2, s0, $0x38;
	[tilespmem:$0x1AD00] =	vst v63  }
0x120: {  	_ =	swait.ge [sflag:s5], $0x1000  }
0x121: {  	[sflag:s5] =	ssyncset.done $0x0  }
0x122: {  	[sflag:s5] =	ssyncadd.s32 $0xFFFFF000  }
0x123: {  	_ =	swait.ge [sflag:s5], $0x1000  }
0x124: {  	[sflag:s5] =	ssyncset.done $0x0  }
0x125: {  	[sflag:s5] =	ssyncadd.s32 $0xFFFFF000  }
0x126: {  	_ =	swait.ge [sflag:s5], $0x1000  }
0x127: {  	[sflag:s5] =	ssyncset.done $0x0  }
0x128: {  	[sflag:s5] =	ssyncadd.s32 $0xFFFFF000  }
0x129: {  	_ =	swait.ge [sflag:s5], $0x1000  }
0x12a: {  	[sflag:s5] =	ssyncset.done $0x0  }
0x12b: {  	[sflag:s5] =	ssyncadd.s32 $0xFFFFF000  }
0x12c: {  	_ =	swait.ge [sflag:s5], $0x1000  }
0x12d: {  	[sflag:s5] =	ssyncset.done $0x0  }
0x12e: {  	[sflag:s5] =	ssyncadd.s32 $0xFFFFF000  }
0x12f: {  	_ =	swait.ge [sflag:s5], $0x1000  }
0x130: {  	[sflag:s5] =	ssyncset.done $0x0  }
0x131: {  	[sflag:s5] =	ssyncadd.s32 $0xFFFFF000  }
0x132: {  	_ =	swait.ge [sflag:s5], $0x1000  }
0x133: {  	[sflag:s5] =	ssyncset.done $0x0  }
0x134: {  	[sflag:s5] =	ssyncadd.s32 $0xFFFFF000  }
0x135: {  	_ =	swait.ge [sflag:s5], $0x1000  }
0x136: {  	[sflag:s5] =	ssyncset.done $0x0  }
0x137: {  	[sflag:s5] =	ssyncadd.s32 $0xFFFFF000  }
0x138: {  	_ =	swait.ge [sflag:s5], $0x1000  }
0x139: {  	[sflag:s5] =	ssyncset.done $0x0  }
0x13a: {  	[sflag:s5] =	ssyncadd.s32 $0xFFFFF000  }
0x13b: {  	_ =	swait.ge [sflag:s5], $0x1000  }
0x13c: {  	[sflag:s5] =	ssyncset.done $0x0  }
0x13d: {  	[sflag:s5] =	ssyncadd.s32 $0xFFFFF000  }
0x13e: {  	_ =	swait.ge [sflag:s5], $0x1000  }
0x13f: {  	[sflag:s5] =	ssyncset.done $0x0  }
0x140: {  	[sflag:s5] =	ssyncadd.s32 $0xFFFFF000  }
0x141: {  	_ =	swait.ge [sflag:s5], $0x1000  }
0x142: {  	[sflag:s5] =	ssyncset.done $0x0  }
0x143: {  	[sflag:s5] =	ssyncadd.s32 $0xFFFFF000  }
0x144: {  	_ =	swait.ge [sflag:s5], $0x1000  }
0x145: {  	[sflag:s5] =	ssyncset.done $0x0  }
0x146: {  	[sflag:s5] =	ssyncadd.s32 $0xFFFFF000  }
0x147: {  	_ =	swait.ge [sflag:s5], $0x1000  }
0x148: {  	[sflag:s5] =	ssyncset.done $0x0  }
0x149: {  	[sflag:s5] =	ssyncadd.s32 $0xFFFFF000  }
0x14a: {  	_ =	swait.ge [sflag:s5], $0x1000  }
0x14b: {  	[sflag:s5] =	ssyncset.done $0x0  }
0x14c: {  	[sflag:s5] =	ssyncadd.s32 $0xFFFFF000  }
0x14d: {  	_ =	swait.ge [sflag:s5], $0x1000  }
0x14e: {  	[sflag:s5] =	ssyncset.done $0x0  }
0x14f: {  	[sflag:s5] =	ssyncadd.s32 $0xFFFFF000  }
0x150: {  	_ =	swait.ge [sflag:s5], $0x1000  }
0x151: {  	s29 =	sld [smem:$0x7FD];
	_ =	sdelay $0x2  }
0x152: {  	s30 =	ssub.s32 $0x2, s29  }
0x153: {  	s31 =	sshrl.u32 s30, $0x1  }
0x154: {  	s6 =	ssub.s32 s30, s31  }
0x155: {  	s6 =	smax.u32 s6, $0x1  }
0x156: {  	[sflag:s5] =	ssyncset.done $0x0;
	p0 =	sne.s32 s6, $0x1  }
.Ltmp0:
0x157: {  	[sflag:s5] =	ssyncadd.s32 $0xFFFFF000;
	(pc) =	sbr.rel @!p0 .LBB2_3-.Ltmp0, $4  }
0x158: {  	_ =	swait.ge [sflag:s5], $0x1000  }
0x159: {  	[sflag:s5] =	ssyncset.done $0x0  }
0x15a: {  	[sflag:s5] =	ssyncadd.s32 $0xFFFFF000  }
0x15b: {  	_ =	swait.ge [sflag:s5], $0x1000;
	s6 =	sadd.s32 $0xFFFFFFFF, s6  }
0x15c: {  	s24 =	simm.s32 $0x1D00  }
0x15d: {  	s25 =	simm.s32 $0x2D00;
	s26 =	simm.s32 $0x3D00;
	s28 =	simm.s32 $0x4D00  }
0x15e: {  	s29 =	simm.s32 $0x5D00;
	s30 =	simm.s32 $0x6D00;
	s31 =	simm.s32 $0x7D00  }
.LBB2_2:
0x15f: {  	[sflag:s5] =	ssyncset.done $0x0  }
0x160: {  	[sflag:s5] =	ssyncadd.s32 $0xFFFFF000  }
0x161: {  	_ =	swait.ge [sflag:s5], $0x1000  }
0x162: {  	[sflag:s5] =	ssyncset.done $0x0  }
0x163: {  	[sflag:s5] =	ssyncadd.s32 $0xFFFFF000  }
0x164: {  	_ =	swait.ge [sflag:s5], $0x1000  }
0x165: {  	[sflag:s5] =	ssyncset.done $0x0  }
0x166: {  	[sflag:s5] =	ssyncadd.s32 $0xFFFFF000  }
0x167: {  	_ =	swait.ge [sflag:s5], $0x1000  }
0x168: {  	[sflag:s5] =	ssyncset.done $0x0  }
0x169: {  	[sflag:s5] =	ssyncadd.s32 $0xFFFFF000  }
0x16a: {  	_ =	swait.ge [sflag:s5], $0x1000  }
0x16b: {  	[sflag:s5] =	ssyncset.done $0x0  }
0x16c: {  	[sflag:s5] =	ssyncadd.s32 $0xFFFFF000  }
0x16d: {  	_ =	swait.ge [sflag:s5], $0x1000  }
0x16e: {  	[sflag:s5] =	ssyncset.done $0x0  }
0x16f: {  	[sflag:s5] =	ssyncadd.s32 $0xFFFFF000  }
0x170: {  	_ =	swait.ge [sflag:s5], $0x1000  }
0x171: {  	[sflag:s5] =	ssyncset.done $0x0  }
0x172: {  	[sflag:s5] =	ssyncadd.s32 $0xFFFFF000  }
0x173: {  	_ =	swait.ge [sflag:s5], $0x1000  }
0x174: {  	s21 =	simm.s32 $0x0;
	[sflag:s5] =	ssyncset.done $0x0  }
0x175: {  	s1 =	simm.s32 $0x3;
	s7 =	rddreg [dreg:$0x4];
	[sflag:s5] =	ssyncadd.s32 $0xFFFFF000  }
0x176: {  	[tilespmem:s21], [sflag:$0x3] =	stream.linear.gather [hbm4b:s7+s21], $0xD00, $0x38;
	[tilespmem:$0x1AD00] =	vst v63  }
0x177: {  	_ =	swait.ge [sflag:s1], $0xD00  }
0x178: {  	s7 =	sld [smem:$0x7CD]  }
0x179: {  	s8 =	rddreg [dreg:$0x7]  }
0x17a: {  	s9 =	sld [smem:$0x7CE]  }
0x17b: {  	s10 =	sld [smem:$0x7CF]  }
0x17c: {  	s11 =	rddreg [dreg:$0x6]  }
0x17d: {  	s12 =	sld [smem:$0x7D0]  }
0x17e: {  	s13 =	rddreg [dreg:$0x5]  }
0x17f: {  	s14 =	sld [smem:$0x7D1]  }
0x180: {  	s15 =	sld [smem:$0x7D2]  }
0x181: {  	s16 =	rddreg [dreg:$0x3]  }
0x182: {  	[sflag:s1] =	ssyncset.done $0x0;
	s17 =	rddreg [dreg:$0x8]  }
0x183: {  	s23 =	simm.s32 $0xD00;
	s19 =	sld [smem:$0x7D3];
	[sflag:s1] =	ssyncadd.s32 $0xFFFFF300  }
0x184: {  	[tilespmem:s23], [sflag:$0x1] =	stream.indirect.gather [hbm4b:s16+s4], $0x20, s21, s4, $0xb8;
	[tilespmem:$0x1AD00] =	vst v63  }
0x185: {  	s20 =	rddreg [dreg:$0x9]  }
0x186: {  	[tilespmem:s24], [sflag:$0x1] =	stream.indirect.gather [hbm4b:s13+s4], $0x20, s4, s4, $0xb8;
	[tilespmem:$0x1AD00] =	vst v63  }
0x187: {  	s22 =	sld [smem:$0x7D4]  }
0x188: {  	[tilespmem:s25], [sflag:$0x1] =	stream.indirect.gather [hbm4b:s11+s4], $0x20, s15, s4, $0xb8;
	[tilespmem:$0x1AD00] =	vst v63  }
0x189: {  	s3 =	rddreg [dreg:$0xb]  }
0x18a: {  	[tilespmem:s26], [sflag:$0x1] =	stream.indirect.gather [hbm4b:s8+s4], $0x20, s9, s4, $0xb8;
	[tilespmem:$0x1AD00] =	vst v63  }
0x18b: {  	s1 =	rddreg [dreg:$0xa]  }
0x18c: {  	[tilespmem:s28], [sflag:$0x1] =	stream.indirect.gather [hbm4b:s17+s4], $0x20, s19, s4, $0xb8;
	[tilespmem:$0x1AD00] =	vst v63  }
0x18d: {  	s21 =	rddreg [dreg:$0xd]  }
0x18e: {  	[tilespmem:s29], [sflag:$0x1] =	stream.indirect.gather [hbm4b:s20+s4], $0x20, s14, s4, $0xb8;
	[tilespmem:$0x1AD00] =	vst v63  }
0x18f: {  	s16 =	rddreg [dreg:$0xf]  }
0x190: {  	[tilespmem:s30], [sflag:$0x1] =	stream.indirect.gather [hbm4b:s1+s4], $0x20, s22, s4, $0xb8;
	[tilespmem:$0x1AD00] =	vst v63  }
0x191: {  	s9 =	sld [smem:$0x7D5]  }
0x192: {  	[tilespmem:s31], [sflag:$0x1] =	stream.indirect.gather [hbm4b:s3+s4], $0x20, s12, s4, $0xb8;
	[tilespmem:$0x1AD00] =	vst v63  }
0x193: {  	s15 =	simm.s32 $0x8D00;
	s19 =	rddreg [dreg:$0xc]  }
0x194: {  	[tilespmem:s15], [sflag:$0x1] =	stream.indirect.gather [hbm4b:s19+s4], $0x20, s9, s4, $0xb8;
	[tilespmem:$0x1AD00] =	vst v63  }
0x195: {  	s22 =	sld [smem:$0x7D6];
	s3 =	simm.s32 $0x9D00  }
0x196: {  	[tilespmem:s3], [sflag:$0x1] =	stream.indirect.gather [hbm4b:s21+s4], $0x20, s10, s4, $0xb8;
	[tilespmem:$0x1AD00] =	vst v63  }
0x197: {  	s12 =	rddreg [dreg:$0xe];
	s19 =	simm.s32 $0xAD00  }
0x198: {  	[tilespmem:s19], [sflag:$0x1] =	stream.indirect.gather [hbm4b:s12+s4], $0x20, s22, s4, $0xb8;
	[tilespmem:$0x1AD00] =	vst v63  }
0x199: {  	s17 =	sld [smem:$0x7D7];
	s21 =	simm.s32 $0xBD00  }
0x19a: {  	[tilespmem:s21], [sflag:$0x1] =	stream.indirect.gather [hbm4b:s16+s4], $0x20, s7, s4, $0xb8;
	[tilespmem:$0x1AD00] =	vst v63  }
0x19b: {  	s20 =	rddreg [dreg:$0x10];
	s22 =	simm.s32 $0xCD00  }
0x19c: {  	[tilespmem:s22], [sflag:$0x1] =	stream.indirect.gather [hbm4b:s20+s4], $0x20, s17, s4, $0xb8;
	[tilespmem:$0x1AD00] =	vst v63  }
0x19d: {  	_ =	swait.ge [sflag:s18], $0x1000  }
0x19e: {  	[sflag:s18] =	ssyncset.done $0x0  }
0x19f: {  	[sflag:s18] =	ssyncadd.s32 $0xFFFFF000  }
0x1a0: {  	_ =	swait.ge [sflag:s18], $0x1000  }
0x1a1: {  	[sflag:s18] =	ssyncset.done $0x0  }
0x1a2: {  	[sflag:s18] =	ssyncadd.s32 $0xFFFFF000  }
0x1a3: {  	_ =	swait.ge [sflag:s18], $0x1000  }
0x1a4: {  	[sflag:s18] =	ssyncset.done $0x0  }
0x1a5: {  	[sflag:s18] =	ssyncadd.s32 $0xFFFFF000  }
0x1a6: {  	_ =	swait.ge [sflag:s18], $0x1000  }
0x1a7: {  	[sflag:s18] =	ssyncset.done $0x0  }
0x1a8: {  	[sflag:s18] =	ssyncadd.s32 $0xFFFFF000  }
0x1a9: {  	_ =	swait.ge [sflag:s18], $0x1000  }
0x1aa: {  	[sflag:s18] =	ssyncset.done $0x0  }
0x1ab: {  	[sflag:s18] =	ssyncadd.s32 $0xFFFFF000  }
0x1ac: {  	_ =	swait.ge [sflag:s18], $0x1000  }
0x1ad: {  	[sflag:s18] =	ssyncset.done $0x0  }
0x1ae: {  	[sflag:s18] =	ssyncadd.s32 $0xFFFFF000  }
0x1af: {  	_ =	swait.ge [sflag:s18], $0x1000  }
0x1b0: {  	[sflag:s18] =	ssyncset.done $0x0  }
0x1b1: {  	[sflag:s18] =	ssyncadd.s32 $0xFFFFF000  }
0x1b2: {  	_ =	swait.ge [sflag:s18], $0x1000  }
0x1b3: {  	[sflag:s18] =	ssyncset.done $0x0  }
0x1b4: {  	[sflag:s18] =	ssyncadd.s32 $0xFFFFF000  }
0x1b5: {  	_ =	swait.ge [sflag:s18], $0x1000  }
0x1b6: {  	[sflag:s18] =	ssyncset.done $0x0  }
0x1b7: {  	[sflag:s18] =	ssyncadd.s32 $0xFFFFF000  }
0x1b8: {  	_ =	swait.ge [sflag:s18], $0x1000  }
0x1b9: {  	[sflag:s18] =	ssyncset.done $0x0  }
0x1ba: {  	[sflag:s18] =	ssyncadd.s32 $0xFFFFF000  }
0x1bb: {  	_ =	swait.ge [sflag:s18], $0x1000  }
0x1bc: {  	[sflag:s18] =	ssyncset.done $0x0  }
0x1bd: {  	[sflag:s18] =	ssyncadd.s32 $0xFFFFF000  }
0x1be: {  	_ =	swait.ge [sflag:s18], $0x1000  }
0x1bf: {  	[sflag:s18] =	ssyncset.done $0x0  }
0x1c0: {  	[sflag:s18] =	ssyncadd.s32 $0xFFFFF000  }
0x1c1: {  	_ =	swait.ge [sflag:s18], $0x1000  }
0x1c2: {  	s7 =	sld [smem:$0x7E4]  }
0x1c3: {  	s8 =	sld [smem:$0x7E3]  }
0x1c4: {  	s9 =	sld [smem:$0x7E2]  }
0x1c5: {  	s10 =	sld [smem:$0x7DD]  }
0x1c6: {  	s11 =	rddreg [dreg:$0x13]  }
0x1c7: {  	s12 =	sld [smem:$0x7E1]  }
0x1c8: {  	s13 =	sld [smem:$0x7E0]  }
0x1c9: {  	s14 =	sld [smem:$0x7DB]  }
0x1ca: {  	s15 =	rddreg [dreg:$0x12]  }
0x1cb: {  	s16 =	sld [smem:$0x7D9]  }
0x1cc: {  	s17 =	sld [smem:$0x7DA]  }
0x1cd: {  	s20 =	sld [smem:$0x7D8]  }
0x1ce: {  	[sflag:s18] =	ssyncset.done $0x0;
	s19 =	rddreg [dreg:$0x11]  }
0x1cf: {  	s1 =	simm.s32 $0xDD00;
	s21 =	sld [smem:$0x7DF];
	[sflag:s18] =	ssyncadd.s32 $0xFFFFF000  }
0x1d0: {  	[tilespmem:s1], [sflag:$0x1] =	stream.indirect.gather [hbm4b:s19+s4], $0x20, s20, s4, $0xb8;
	[tilespmem:$0x1AD00] =	vst v63  }
0x1d1: {  	s22 =	sld [smem:$0x7DE];
	s20 =	simm.s32 $0xED00  }
0x1d2: {  	[tilespmem:s20], [sflag:$0x1] =	stream.indirect.gather [hbm4b:s15+s4], $0x20, s16, s4, $0xb8;
	[tilespmem:$0x1AD00] =	vst v63  }
0x1d3: {  	s19 =	sld [smem:$0x7DC];
	s16 =	simm.s32 $0xFD00  }
0x1d4: {  	[tilespmem:s16], [sflag:$0x1] =	stream.indirect.gather [hbm4b:s11+s4], $0x20, s17, s4, $0xb8;
	[tilespmem:$0x1AD00] =	vst v63  }
0x1d5: {  	s15 =	rddreg [dreg:$0x14];
	s17 =	simm.s32 $0x10D00  }
0x1d6: {  	[tilespmem:s17], [sflag:$0x1] =	stream.indirect.gather [hbm4b:s15+s4], $0x20, s14, s4, $0xb8;
	[tilespmem:$0x1AD00] =	vst v63  }
0x1d7: {  	s11 =	rddreg [dreg:$0x15];
	s15 =	simm.s32 $0x11D00  }
0x1d8: {  	[tilespmem:s15], [sflag:$0x1] =	stream.indirect.gather [hbm4b:s11+s4], $0x20, s19, s4, $0xb8;
	[tilespmem:$0x1AD00] =	vst v63  }
0x1d9: {  	s14 =	rddreg [dreg:$0x16];
	s19 =	simm.s32 $0x12D00  }
0x1da: {  	[tilespmem:s19], [sflag:$0x1] =	stream.indirect.gather [hbm4b:s14+s4], $0x20, s10, s4, $0xb8;
	[tilespmem:$0x1AD00] =	vst v63  }
0x1db: {  	s11 =	rddreg [dreg:$0x17];
	s14 =	simm.s32 $0x13D00  }
0x1dc: {  	[tilespmem:s14], [sflag:$0x1] =	stream.indirect.gather [hbm4b:s11+s4], $0x20, s22, s4, $0xb8;
	[tilespmem:$0x1AD00] =	vst v63  }
0x1dd: {  	s10 =	rddreg [dreg:$0x18];
	s22 =	simm.s32 $0x14D00  }
0x1de: {  	[tilespmem:s22], [sflag:$0x1] =	stream.indirect.gather [hbm4b:s10+s4], $0x20, s21, s4, $0xb8;
	[tilespmem:$0x1AD00] =	vst v63  }
0x1df: {  	s11 =	rddreg [dreg:$0x19];
	s21 =	simm.s32 $0x15D00  }
0x1e0: {  	[tilespmem:s21], [sflag:$0x1] =	stream.indirect.gather [hbm4b:s11+s4], $0x20, s13, s4, $0xb8;
	[tilespmem:$0x1AD00] =	vst v63  }
0x1e1: {  	s10 =	rddreg [dreg:$0x1a];
	s13 =	simm.s32 $0x16D00  }
0x1e2: {  	[tilespmem:s13], [sflag:$0x1] =	stream.indirect.gather [hbm4b:s10+s4], $0x20, s12, s4, $0xb8;
	[tilespmem:$0x1AD00] =	vst v63  }
0x1e3: {  	s11 =	rddreg [dreg:$0x1b];
	s12 =	simm.s32 $0x17D00  }
0x1e4: {  	[tilespmem:s12], [sflag:$0x1] =	stream.indirect.gather [hbm4b:s11+s4], $0x20, s9, s4, $0xb8;
	[tilespmem:$0x1AD00] =	vst v63  }
0x1e5: {  	s10 =	rddreg [dreg:$0x1c];
	s11 =	simm.s32 $0x18D00  }
0x1e6: {  	[tilespmem:s11], [sflag:$0x1] =	stream.indirect.gather [hbm4b:s10+s4], $0x20, s8, s4, $0xb8;
	[tilespmem:$0x1AD00] =	vst v63  }
0x1e7: {  	s9 =	rddreg [dreg:$0x1d];
	s10 =	simm.s32 $0x19D00  }
0x1e8: {  	[tilespmem:s10], [sflag:$0x1] =	stream.indirect.gather [hbm4b:s9+s4], $0x20, s7, s4, $0xb8;
	[tilespmem:$0x1AD00] =	vst v63  }
0x1e9: {  	_ =	swait.ge [sflag:s18], $0x1000  }
0x1ea: {  	[sflag:s18] =	ssyncset.done $0x0  }
0x1eb: {  	[sflag:s18] =	ssyncadd.s32 $0xFFFFF000  }
0x1ec: {  	_ =	swait.ge [sflag:s18], $0x1000  }
0x1ed: {  	[sflag:s18] =	ssyncset.done $0x0  }
0x1ee: {  	[sflag:s18] =	ssyncadd.s32 $0xFFFFF000  }
0x1ef: {  	_ =	swait.ge [sflag:s18], $0x1000  }
0x1f0: {  	[sflag:s18] =	ssyncset.done $0x0  }
0x1f1: {  	[sflag:s18] =	ssyncadd.s32 $0xFFFFF000  }
0x1f2: {  	_ =	swait.ge [sflag:s18], $0x1000  }
0x1f3: {  	[sflag:s18] =	ssyncset.done $0x0  }
0x1f4: {  	[sflag:s18] =	ssyncadd.s32 $0xFFFFF000  }
0x1f5: {  	_ =	swait.ge [sflag:s18], $0x1000  }
0x1f6: {  	[sflag:s18] =	ssyncset.done $0x0  }
0x1f7: {  	[sflag:s18] =	ssyncadd.s32 $0xFFFFF000  }
0x1f8: {  	_ =	swait.ge [sflag:s18], $0x1000  }
0x1f9: {  	[sflag:s18] =	ssyncset.done $0x0  }
0x1fa: {  	[sflag:s18] =	ssyncadd.s32 $0xFFFFF000  }
0x1fb: {  	_ =	swait.ge [sflag:s18], $0x1000  }
0x1fc: {  	[sflag:s18] =	ssyncset.done $0x0  }
0x1fd: {  	[sflag:s18] =	ssyncadd.s32 $0xFFFFF000  }
0x1fe: {  	_ =	swait.ge [sflag:s18], $0x1000  }
0x1ff: {  	[sflag:s18] =	ssyncset.done $0x0  }
0x200: {  	[sflag:s18] =	ssyncadd.s32 $0xFFFFF000  }
0x201: {  	_ =	swait.ge [sflag:s18], $0x1000  }
0x202: {  	[sflag:s18] =	ssyncset.done $0x0  }
0x203: {  	[sflag:s18] =	ssyncadd.s32 $0xFFFFF000  }
0x204: {  	_ =	swait.ge [sflag:s18], $0x1000  }
0x205: {  	[sflag:s18] =	ssyncset.done $0x0  }
0x206: {  	[sflag:s18] =	ssyncadd.s32 $0xFFFFF000  }
0x207: {  	_ =	swait.ge [sflag:s18], $0x1000  }
0x208: {  	[sflag:s18] =	ssyncset.done $0x0  }
0x209: {  	[sflag:s18] =	ssyncadd.s32 $0xFFFFF000  }
0x20a: {  	_ =	swait.ge [sflag:s18], $0x1000  }
0x20b: {  	[sflag:s18] =	ssyncset.done $0x0  }
0x20c: {  	[sflag:s18] =	ssyncadd.s32 $0xFFFFF000  }
0x20d: {  	_ =	swait.ge [sflag:s18], $0x1000  }
0x20e: {  	[sflag:s18] =	ssyncset.done $0x0;
	s7 =	rddreg [dreg:$0x1e]  }
0x20f: {  	s8 =	rddreg [dreg:$0x1f];
	[sflag:s18] =	ssyncadd.s32 $0xFFFFF000  }
0x210: {  	[hbm4b:s7+s0] =	stream.strided.scatter [tilespmem:s23], [sflag:$0x2], $0x1000, s2, s0, $0x38;
	[tilespmem:$0x1AD00] =	vst v63  }
0x211: {  	s9 =	sld [smem:$0x7E5]  }
0x212: {  	[hbm4b:s8+s0] =	stream.strided.scatter [tilespmem:s24], [sflag:$0x2], $0x1000, s2, s0, $0x38;
	[tilespmem:$0x1AD00] =	vst v63  }
0x213: {  	s7 =	sld [smem:$0x7E6]  }
0x214: {  	[hbm4b:s9+s0] =	stream.strided.scatter [tilespmem:s25], [sflag:$0x2], $0x1000, s2, s0, $0x38;
	[tilespmem:$0x1AD00] =	vst v63  }
0x215: {  	s23 =	sld [smem:$0x7E7]  }
0x216: {  	[hbm4b:s7+s0] =	stream.strided.scatter [tilespmem:s26], [sflag:$0x2], $0x1000, s2, s0, $0x38;
	[tilespmem:$0x1AD00] =	vst v63  }
0x217: {  	s9 =	sld [smem:$0x7E8]  }
0x218: {  	[hbm4b:s23+s0] =	stream.strided.scatter [tilespmem:s28], [sflag:$0x2], $0x1000, s2, s0, $0x38;
	[tilespmem:$0x1AD00] =	vst v63  }
0x219: {  	s7 =	sld [smem:$0x7E9]  }
0x21a: {  	[hbm4b:s9+s0] =	stream.strided.scatter [tilespmem:s29], [sflag:$0x2], $0x1000, s2, s0, $0x38;
	[tilespmem:$0x1AD00] =	vst v63  }
0x21b: {  	s23 =	sld [smem:$0x7EA]  }
0x21c: {  	[hbm4b:s7+s0] =	stream.strided.scatter [tilespmem:s30], [sflag:$0x2], $0x1000, s2, s0, $0x38;
	[tilespmem:$0x1AD00] =	vst v63  }
0x21d: {  	s9 =	sld [smem:$0x7EB]  }
0x21e: {  	[hbm4b:s23+s0] =	stream.strided.scatter [tilespmem:s31], [sflag:$0x2], $0x1000, s2, s0, $0x38;
	[tilespmem:$0x1AD00] =	vst v63  }
0x21f: {  	s7 =	sld [smem:$0x7EC];
	s23 =	simm.s32 $0x8D00  }
0x220: {  	[hbm4b:s9+s0] =	stream.strided.scatter [tilespmem:s23], [sflag:$0x2], $0x1000, s2, s0, $0x38;
	[tilespmem:$0x1AD00] =	vst v63  }
0x221: {  	s8 =	sld [smem:$0x7ED]  }
0x222: {  	[hbm4b:s7+s0] =	stream.strided.scatter [tilespmem:s3], [sflag:$0x2], $0x1000, s2, s0, $0x38;
	[tilespmem:$0x1AD00] =	vst v63  }
0x223: {  	s9 =	sld [smem:$0x7EE];
	s23 =	simm.s32 $0xAD00  }
0x224: {  	[hbm4b:s8+s0] =	stream.strided.scatter [tilespmem:s23], [sflag:$0x2], $0x1000, s2, s0, $0x38;
	[tilespmem:$0x1AD00] =	vst v63  }
0x225: {  	s7 =	sld [smem:$0x7EF];
	s23 =	simm.s32 $0xBD00  }
0x226: {  	[hbm4b:s9+s0] =	stream.strided.scatter [tilespmem:s23], [sflag:$0x2], $0x1000, s2, s0, $0x38;
	[tilespmem:$0x1AD00] =	vst v63  }
0x227: {  	s8 =	sld [smem:$0x7F0];
	s23 =	simm.s32 $0xCD00  }
0x228: {  	[hbm4b:s7+s0] =	stream.strided.scatter [tilespmem:s23], [sflag:$0x2], $0x1000, s2, s0, $0x38;
	[tilespmem:$0x1AD00] =	vst v63  }
0x229: {  	s9 =	sld [smem:$0x7F1]  }
0x22a: {  	[hbm4b:s8+s0] =	stream.strided.scatter [tilespmem:s1], [sflag:$0x2], $0x1000, s2, s0, $0x38;
	[tilespmem:$0x1AD00] =	vst v63  }
0x22b: {  	s7 =	sld [smem:$0x7F2]  }
0x22c: {  	[hbm4b:s9+s0] =	stream.strided.scatter [tilespmem:s20], [sflag:$0x2], $0x1000, s2, s0, $0x38;
	[tilespmem:$0x1AD00] =	vst v63  }
0x22d: {  	s3 =	sld [smem:$0x7F3]  }
0x22e: {  	[hbm4b:s7+s0] =	stream.strided.scatter [tilespmem:s16], [sflag:$0x2], $0x1000, s2, s0, $0x38;
	[tilespmem:$0x1AD00] =	vst v63  }
0x22f: {  	s23 =	sld [smem:$0x7F4]  }
0x230: {  	[hbm4b:s3+s0] =	stream.strided.scatter [tilespmem:s17], [sflag:$0x2], $0x1000, s2, s0, $0x38;
	[tilespmem:$0x1AD00] =	vst v63  }
0x231: {  	s1 =	sld [smem:$0x7F5]  }
0x232: {  	[hbm4b:s23+s0] =	stream.strided.scatter [tilespmem:s15], [sflag:$0x2], $0x1000, s2, s0, $0x38;
	[tilespmem:$0x1AD00] =	vst v63  }
0x233: {  	s3 =	sld [smem:$0x7F6]  }
0x234: {  	[hbm4b:s1+s0] =	stream.strided.scatter [tilespmem:s19], [sflag:$0x2], $0x1000, s2, s0, $0x38;
	[tilespmem:$0x1AD00] =	vst v63  }
0x235: {  	s16 =	sld [smem:$0x7F7]  }
0x236: {  	[hbm4b:s3+s0] =	stream.strided.scatter [tilespmem:s14], [sflag:$0x2], $0x1000, s2, s0, $0x38;
	[tilespmem:$0x1AD00] =	vst v63  }
0x237: {  	s17 =	sld [smem:$0x7F8]  }
0x238: {  	[hbm4b:s16+s0] =	stream.strided.scatter [tilespmem:s22], [sflag:$0x2], $0x1000, s2, s0, $0x38;
	[tilespmem:$0x1AD00] =	vst v63  }
0x239: {  	s19 =	sld [smem:$0x7F9]  }
0x23a: {  	[hbm4b:s17+s0] =	stream.strided.scatter [tilespmem:s21], [sflag:$0x2], $0x1000, s2, s0, $0x38;
	[tilespmem:$0x1AD00] =	vst v63  }
0x23b: {  	s20 =	sld [smem:$0x7FA]  }
0x23c: {  	[hbm4b:s19+s0] =	stream.strided.scatter [tilespmem:s13], [sflag:$0x2], $0x1000, s2, s0, $0x38;
	[tilespmem:$0x1AD00] =	vst v63  }
0x23d: {  	s22 =	sld [smem:$0x7FB]  }
0x23e: {  	[hbm4b:s20+s0] =	stream.strided.scatter [tilespmem:s12], [sflag:$0x2], $0x1000, s2, s0, $0x38;
	[tilespmem:$0x1AD00] =	vst v63  }
0x23f: {  	s23 =	sld [smem:$0x7FC]  }
0x240: {  	[hbm4b:s22+s0] =	stream.strided.scatter [tilespmem:s11], [sflag:$0x2], $0x1000, s2, s0, $0x38;
	[tilespmem:$0x1AD00] =	vst v63  }
0x241: {  	_ = 	snop  }
0x242: {  	[hbm4b:s23+s0] =	stream.strided.scatter [tilespmem:s10], [sflag:$0x2], $0x1000, s2, s0, $0x38;
	[tilespmem:$0x1AD00] =	vst v63  }
0x243: {  	_ =	swait.ge [sflag:s5], $0x1000  }
0x244: {  	[sflag:s5] =	ssyncset.done $0x0  }
0x245: {  	[sflag:s5] =	ssyncadd.s32 $0xFFFFF000  }
0x246: {  	_ =	swait.ge [sflag:s5], $0x1000  }
0x247: {  	[sflag:s5] =	ssyncset.done $0x0  }
0x248: {  	[sflag:s5] =	ssyncadd.s32 $0xFFFFF000  }
0x249: {  	_ =	swait.ge [sflag:s5], $0x1000  }
0x24a: {  	[sflag:s5] =	ssyncset.done $0x0  }
0x24b: {  	[sflag:s5] =	ssyncadd.s32 $0xFFFFF000  }
0x24c: {  	_ =	swait.ge [sflag:s5], $0x1000  }
0x24d: {  	[sflag:s5] =	ssyncset.done $0x0  }
0x24e: {  	[sflag:s5] =	ssyncadd.s32 $0xFFFFF000  }
0x24f: {  	_ =	swait.ge [sflag:s5], $0x1000  }
0x250: {  	[sflag:s5] =	ssyncset.done $0x0  }
0x251: {  	[sflag:s5] =	ssyncadd.s32 $0xFFFFF000  }
0x252: {  	_ =	swait.ge [sflag:s5], $0x1000  }
0x253: {  	[sflag:s5] =	ssyncset.done $0x0  }
0x254: {  	[sflag:s5] =	ssyncadd.s32 $0xFFFFF000  }
0x255: {  	_ =	swait.ge [sflag:s5], $0x1000  }
0x256: {  	[sflag:s5] =	ssyncset.done $0x0  }
0x257: {  	[sflag:s5] =	ssyncadd.s32 $0xFFFFF000  }
0x258: {  	_ =	swait.ge [sflag:s5], $0x1000  }
0x259: {  	[sflag:s5] =	ssyncset.done $0x0  }
0x25a: {  	[sflag:s5] =	ssyncadd.s32 $0xFFFFF000  }
0x25b: {  	_ =	swait.ge [sflag:s5], $0x1000  }
0x25c: {  	[sflag:s5] =	ssyncset.done $0x0  }
0x25d: {  	[sflag:s5] =	ssyncadd.s32 $0xFFFFF000  }
0x25e: {  	_ =	swait.ge [sflag:s5], $0x1000  }
0x25f: {  	[sflag:s5] =	ssyncset.done $0x0  }
0x260: {  	[sflag:s5] =	ssyncadd.s32 $0xFFFFF000  }
0x261: {  	_ =	swait.ge [sflag:s5], $0x1000  }
0x262: {  	[sflag:s5] =	ssyncset.done $0x0  }
0x263: {  	[sflag:s5] =	ssyncadd.s32 $0xFFFFF000  }
0x264: {  	_ =	swait.ge [sflag:s5], $0x1000  }
0x265: {  	[sflag:s5] =	ssyncset.done $0x0  }
0x266: {  	[sflag:s5] =	ssyncadd.s32 $0xFFFFF000  }
0x267: {  	_ =	swait.ge [sflag:s5], $0x1000  }
0x268: {  	[sflag:s5] =	ssyncset.done $0x0  }
0x269: {  	[sflag:s5] =	ssyncadd.s32 $0xFFFFF000  }
0x26a: {  	_ =	swait.ge [sflag:s5], $0x1000  }
0x26b: {  	[sflag:s5] =	ssyncset.done $0x0  }
0x26c: {  	[sflag:s5] =	ssyncadd.s32 $0xFFFFF000  }
0x26d: {  	_ =	swait.ge [sflag:s5], $0x1000  }
0x26e: {  	[sflag:s5] =	ssyncset.done $0x0  }
0x26f: {  	[sflag:s5] =	ssyncadd.s32 $0xFFFFF000  }
0x270: {  	_ =	swait.ge [sflag:s5], $0x1000  }
0x271: {  	[sflag:s5] =	ssyncset.done $0x0  }
0x272: {  	[sflag:s5] =	ssyncadd.s32 $0xFFFFF000  }
0x273: {  	_ =	swait.ge [sflag:s5], $0x1000  }
0x274: {  	p0 =	sne.s32 s6, $0x1;
	[sflag:s5] =	ssyncset.done $0x0  }
.Ltmp1:
0x275: {  	[sflag:s5] =	ssyncadd.s32 $0xFFFFF000;
	(pc) =	sbr.rel @p0 .LBB2_2-.Ltmp1, $4  }
0x276: {  	_ =	swait.ge [sflag:s5], $0x1000  }
0x277: {  	[sflag:s5] =	ssyncset.done $0x0  }
0x278: {  	[sflag:s5] =	ssyncadd.s32 $0xFFFFF000  }
0x279: {  	s6 =	sadd.s32 $0xFFFFFFFF, s6;
	_ =	swait.ge [sflag:s5], $0x1000  }
.LBB2_3:
0x27a: {  	[sflag:s5] =	ssyncset.done $0x0  }
0x27b: {  	[sflag:s5] =	ssyncadd.s32 $0xFFFFF000  }
0x27c: {  	_ =	swait.ge [sflag:s5], $0x1000  }
0x27d: {  	[sflag:s5] =	ssyncset.done $0x0  }
0x27e: {  	[sflag:s5] =	ssyncadd.s32 $0xFFFFF000  }
0x27f: {  	_ =	swait.ge [sflag:s5], $0x1000  }
0x280: {  	[sflag:s5] =	ssyncset.done $0x0  }
0x281: {  	[sflag:s5] =	ssyncadd.s32 $0xFFFFF000  }
0x282: {  	_ =	swait.ge [sflag:s5], $0x1000  }
0x283: {  	[sflag:s5] =	ssyncset.done $0x0  }
0x284: {  	[sflag:s5] =	ssyncadd.s32 $0xFFFFF000  }
0x285: {  	_ =	swait.ge [sflag:s5], $0x1000  }
0x286: {  	[sflag:s5] =	ssyncset.done $0x0  }
0x287: {  	[sflag:s5] =	ssyncadd.s32 $0xFFFFF000  }
0x288: {  	_ =	swait.ge [sflag:s5], $0x1000  }
0x289: {  	[sflag:s5] =	ssyncset.done $0x0  }
0x28a: {  	[sflag:s5] =	ssyncadd.s32 $0xFFFFF000  }
0x28b: {  	_ =	swait.ge [sflag:s5], $0x1000  }
0x28c: {  	[sflag:s5] =	ssyncset.done $0x0  }
0x28d: {  	[sflag:s5] =	ssyncadd.s32 $0xFFFFF000  }
0x28e: {  	_ =	swait.ge [sflag:s5], $0x1000  }
0x28f: {  	[sflag:s5] =	ssyncset.done $0x0  }
0x290: {  	[sflag:s5] =	ssyncadd.s32 $0xFFFFF000  }
0x291: {  	_ =	sfence.sel $0x180000  }
0x292: {  	[bflag:$0x0] =	sbarrier.arrive $0xFFFF  }
0x293: {  	_ =	strace $0x90000047  }
0x294: {  	s0 =	stileid.u32;
	[bflag:$0x2] =	sbarrier.arrive $0xFFFF  }
0x295: {  	p0 =	sne.s32 s0, $0x0;
	s0 =	rddreg [dreg:$0x2]  }
0x296: {  	s0 =	sadd.s32 @!p0 $0x100000, s0  }
0x297: {  	[sflag:s0] =	ssyncadd.tile.s32 @!p0 $0x1;
	_ =	shalt  }
.Lfunc_end2:
_tile_overlayer_lowered:
.L_overlay_start_2:
0x298: {  	(tag) =	ssettag $0x2  }
0x299: {  	s0 =	rddreg [dreg:$0x0];
	s2 =	stileid.u32  }
0x29a: {  	s1 =	rddreg [dreg:$0x1];
	p0 =	sne.s32 s2, $0x0  }
0x29b: {  	s3 =	rddreg [dreg:$0x2];
	[bflag:$0x3] =	sbarrier.arrive $0xFFFF;
	s2 =	simm.s32 @!p0 $0x1C03  }
0x29c: {  	[timem:s3], [sflag:s2] =	dma.local @!p0 [hbm:s0], s1  }
0x29d: {  	s0 =	simm.s32 @!p0 $0x3  }
0x29e: {  	_ =	swait.ge @!p0 [sflag:s0], s1  }
0x29f: {  	s1 =	ssub.s32 @!p0 $0x0, s1;
	[sflag:s0] =	ssyncset.done @!p0 $0x0  }
0x2a0: {  	[sflag:s0] =	ssyncadd.s32 @!p0 s1  }
0x2a1: {  	[bflag:$0x3] =	sbarrier.arrive $0xFFFF  }
0x2a2: {  	_ =	shalt  }

</sc_bundles>
